<compile_context>
chip_gen: v7x
topology: tpu7x:2x2x1
jax: 0.10.2.dev20260603
libtpu: 0.0.44.dev20260713+nightly
codegen_flags: <defaults>
</compile_context>

<pallas_src>
import functools

import jax
import jax.numpy as jnp
from jax import lax
from jax.experimental import pallas as pl
from jax.experimental.pallas import tpu as pltpu
from jax.experimental.pallas import tpu_sc as plsc

IN_F = 128
OUT_F = 64
P = 1000
EPS = 1e-06
BATCH = 16384

_NC = 2
_NS = 16
_NW = _NC * _NS
_BPW = BATCH // _NW
_SB = 16
_NSB = _BPW // _SB
_TW = 2 * OUT_F


def _prep_body(x_ref, fr_ref, idx_ref):
    x = x_ref[...]
    mins = jnp.min(x, axis=0, keepdims=True)
    maxs = jnp.max(x, axis=0, keepdims=True)
    xs = (x - mins) / (maxs - mins + EPS) * (P - 1)
    low = jnp.clip(jnp.floor(xs), 0.0, P - 2)
    feat = lax.broadcasted_iota(jnp.int32, (BATCH, IN_F), 1)
    fr_ref[...] = xs - low
    idx_ref[...] = low.astype(jnp.int32) + feat * P


def _prep(x):
    return pl.pallas_call(
        _prep_body,
        out_shape=(
            jax.ShapeDtypeStruct((BATCH, IN_F), jnp.float32),
            jax.ShapeDtypeStruct((BATCH, IN_F), jnp.int32),
        ),
    )(x)


_FB = 8


def _table_body(r_ref, l_ref, tb_ref):
    row = lax.broadcasted_iota(jnp.int32, (P, P), 0)
    col = lax.broadcasted_iota(jnp.int32, (P, P), 1)
    tril = jnp.where(row >= col, 1.0, 0.0).astype(jnp.bfloat16)
    bias = lax.broadcasted_iota(jnp.int32, (P, OUT_F), 0).astype(jnp.float32)
    for i in range(_FB):
        r = r_ref[i]
        l = l_ref[i]
        u = r + l
        cat = jnp.concatenate([u, u * bias], axis=1)
        hi = cat.astype(jnp.bfloat16)
        lo = (cat - hi.astype(jnp.float32)).astype(jnp.bfloat16)
        cs = (jnp.dot(tril, hi, preferred_element_type=jnp.float32)
              + jnp.dot(tril, lo, preferred_element_type=jnp.float32))
        suml = jnp.sum(l, axis=0, keepdims=True)
        sumlb = jnp.sum(l * bias, axis=0, keepdims=True)
        s_part = cs[:, :OUT_F] - suml
        t_part = bias * s_part + (sumlb - cs[:, OUT_F:])
        t_u = lax.bitcast_convert_type(
            (t_part * (1.0 - 2.0 ** -9)).astype(jnp.bfloat16),
            jnp.uint16).astype(jnp.int32)
        s_u = lax.bitcast_convert_type(
            s_part.astype(jnp.bfloat16), jnp.uint16).astype(jnp.int32)
        tb_ref[i] = (t_u << 16) | s_u


def _table(r_weight, l_weight):
    return pl.pallas_call(
        _table_body,
        grid=(IN_F // _FB,),
        in_specs=[
            pl.BlockSpec((_FB, P, OUT_F), lambda f: (f, 0, 0)),
            pl.BlockSpec((_FB, P, OUT_F), lambda f: (f, 0, 0)),
        ],
        out_specs=pl.BlockSpec((_FB, P, OUT_F), lambda f: (f, 0, 0)),
        out_shape=jax.ShapeDtypeStruct((IN_F, P, OUT_F), jnp.int32),
    )(r_weight, l_weight)


def _sc_body(tb_hbm, idx_hbm, fr_hbm, out_hbm,
             idx_v, fr_v, buf0, buf1, buf2, buf3, out_v,
             gsem0, gsem1, gsem2, gsem3):
    wid = lax.axis_index("s") * _NC + lax.axis_index("c")
    row0 = wid * _BPW
    bufs = (buf0, buf1, buf2, buf3)
    gsems = (gsem0, gsem1, gsem2, gsem3)

    def issue(bl, k):
        pltpu.make_async_copy(tb_hbm.at[idx_v.at[bl]], bufs[k], gsems[k]).start()

    def drain(k):
        pltpu.make_async_copy(tb_hbm.at[pl.ds(0, IN_F)], bufs[k], gsems[k]).wait()

    def compute(bl, k):
        buf = bufs[k]

        def gbody(fg, accs):
            a0, a1, a2, a3 = accs
            fr4 = fr_v[pl.ds(bl * IN_F + fg * 4, 16)]
            for j in range(4):
                f = fg * 4 + j
                frv = jnp.broadcast_to(fr4[j], (16,))
                w0 = buf[f, pl.ds(0, 16)]
                a0 = a0 + lax.bitcast_convert_type(w0, jnp.float32)
                a0 = a0 + frv * lax.bitcast_convert_type(w0 << 16, jnp.float32)
                w1 = buf[f, pl.ds(16, 16)]
                a1 = a1 + lax.bitcast_convert_type(w1, jnp.float32)
                a1 = a1 + frv * lax.bitcast_convert_type(w1 << 16, jnp.float32)
                w2 = buf[f, pl.ds(32, 16)]
                a2 = a2 + lax.bitcast_convert_type(w2, jnp.float32)
                a2 = a2 + frv * lax.bitcast_convert_type(w2 << 16, jnp.float32)
                w3 = buf[f, pl.ds(48, 16)]
                a3 = a3 + lax.bitcast_convert_type(w3, jnp.float32)
                a3 = a3 + frv * lax.bitcast_convert_type(w3 << 16, jnp.float32)
            return (a0, a1, a2, a3)

        z = jnp.zeros((16,), jnp.float32)
        a0, a1, a2, a3 = lax.fori_loop(0, IN_F // 4, gbody, (z, z, z, z))
        out_v[bl, pl.ds(0, 16)] = a0
        out_v[bl, pl.ds(16, 16)] = a1
        out_v[bl, pl.ds(32, 16)] = a2
        out_v[bl, pl.ds(48, 16)] = a3

    def sb_body(s, carry):
        base = row0 + s * _SB
        pltpu.sync_copy(idx_hbm.at[pl.ds(base, _SB), :], idx_v)
        pltpu.sync_copy(fr_hbm.at[pl.ds(base * IN_F, _SB * IN_F)],
                        fr_v.at[pl.ds(0, _SB * IN_F)])
        issue(0, 0)
        issue(1, 1)
        issue(2, 2)

        def quad_body(j, c):
            bl = 4 * j
            for t in range(4):
                drain(t)

                @pl.when(bl + t + 3 < _SB)
                def _():
                    issue(bl + t + 3, (t + 3) % 4)

                compute(bl + t, t)
            return c

        lax.fori_loop(0, _SB // 4, quad_body, 0)
        pltpu.sync_copy(out_v, out_hbm.at[pl.ds(base, _SB), :])
        return carry

    lax.fori_loop(0, _NSB, sb_body, 0)


_sc_kan = functools.partial(
    pl.kernel,
    out_type=jax.ShapeDtypeStruct((BATCH, OUT_F), jnp.float32),
    mesh=plsc.VectorSubcoreMesh(core_axis_name="c", subcore_axis_name="s",
                                num_cores=_NC, num_subcores=_NS),
    compiler_params=pltpu.CompilerParams(needs_layout_passes=False,
                                         use_tc_tiling_on_sc=False),
    scratch_types=[
        pltpu.VMEM((_SB, IN_F), jnp.int32),
        pltpu.VMEM((_SB * IN_F + 16,), jnp.float32),
        pltpu.VMEM((IN_F, OUT_F), jnp.int32),
        pltpu.VMEM((IN_F, OUT_F), jnp.int32),
        pltpu.VMEM((IN_F, OUT_F), jnp.int32),
        pltpu.VMEM((IN_F, OUT_F), jnp.int32),
        pltpu.VMEM((_SB, OUT_F), jnp.float32),
        pltpu.SemaphoreType.DMA,
        pltpu.SemaphoreType.DMA,
        pltpu.SemaphoreType.DMA,
        pltpu.SemaphoreType.DMA,
    ],
)(_sc_body)


def kernel(x, r_weight, l_weight):
    fr, idx = _prep(x)
    tb = _table(r_weight, l_weight).reshape(IN_F * P, OUT_F)
    return _sc_kan(tb, idx, fr.reshape(-1))

# --- scband reference (transcript-rebuilt; emitter-appended) ---
"""Pipeline reference for scband-kanlayer-64802466562625 (READ-ONLY COPY).

The authoritative reference and input builder live on the scoring server;
editing this copy changes nothing except your own understanding.
"""

import jax, jax.numpy as jnp
import numpy as np

IN_F = 128
OUT_F = 64
P = 1000
EPS = 1e-06
BATCH = 16384


def _interp_tensor(r_weight, l_weight):
    local_bias = jnp.arange(P, dtype=jnp.float32).reshape(1, P, 1)
    cs_r = jnp.cumsum(r_weight, axis=1)
    cs_l = jnp.cumsum(l_weight, axis=1)
    cs_rb = jnp.cumsum(r_weight * local_bias, axis=1)
    cs_lb = jnp.cumsum(l_weight * local_bias, axis=1)
    r_interp = local_bias * cs_r - cs_rb
    l_interp = cs_lb[:, -1:, :] - cs_lb - local_bias * (cs_l[:, -1:, :] - cs_l)
    return (r_interp + l_interp).reshape(-1, OUT_F)


def setup_inputs(seed: int = 0) -> dict:
    key = jax.random.key(seed)
    k1, k2, k3 = jax.random.split(key, 3)
    x = jax.random.normal(k1, (BATCH, IN_F), dtype=jnp.float32)
    r_weight = jax.random.normal(k2, (IN_F, P, OUT_F), dtype=jnp.float32) * 0.01
    l_weight = jax.random.normal(k3, (IN_F, P, OUT_F), dtype=jnp.float32) * 0.01
    return {"x": x, "r_weight": r_weight, "l_weight": l_weight}


def reference(x, r_weight, l_weight):
    # training-mode min/max stats computed from the batch (buffers start as None)
    mins = jnp.min(x, axis=0, keepdims=True)
    maxs = jnp.max(x, axis=0, keepdims=True)
    xs = (x - mins) / (maxs - mins + EPS) * (P - 1)
    lower_f = jnp.clip(jnp.floor(xs), 0.0, P - 2)
    feature_offset = jnp.arange(IN_F, dtype=jnp.int32).reshape(1, -1) * P
    lower_idx = lower_f.astype(jnp.int32) + feature_offset
    indices = jnp.stack((lower_idx, lower_idx + 1), axis=-1)  # [B, F, 2]
    table = _interp_tensor(r_weight, l_weight)  # [F*P, OUT_F]
    vals = jnp.take(table, indices, axis=0)  # [B, F, 2, OUT_F]
    lower_val = vals[:, :, 0, :]
    upper_val = vals[:, :, 1, :]
    frac = (xs - lower_f)[..., None]
    out = lower_val + (upper_val - lower_val) * frac  # lerp
    return out.sum(axis=1)

if __name__ == "__main__":
    import jax
    _d = setup_inputs()
    print(jax.jit(kernel)(*tuple(_d.values())))

</pallas_src>

<mosaic_0001>
#map = affine_map<(d0, d1) -> (0, 0)>
#map1 = affine_map<(d0, d1) -> (0)>
module attributes {stable_mosaic.version = 14 : i64} {
  func.func @_sc_body(%arg0: i32, %arg1: i32, %arg2: memref<128000x64xi32, #tpu.memory_space<hbm>>, %arg3: memref<16384x128xi32, #tpu.memory_space<hbm>>, %arg4: memref<2097152xf32, #tpu.memory_space<hbm>>, %arg5: memref<16384x64xf32, #tpu.memory_space<hbm>>, %arg6: memref<16x128xi32, #tpu.memory_space<vmem>>, %arg7: memref<2064xf32, #tpu.memory_space<vmem>>, %arg8: memref<128x64xi32, #tpu.memory_space<vmem>>, %arg9: memref<128x64xi32, #tpu.memory_space<vmem>>, %arg10: memref<128x64xi32, #tpu.memory_space<vmem>>, %arg11: memref<128x64xi32, #tpu.memory_space<vmem>>, %arg12: memref<16x64xf32, #tpu.memory_space<vmem>>, %arg13: memref<!tpu.dma_semaphore, #tpu.memory_space<semaphore_mem>>, %arg14: memref<!tpu.dma_semaphore, #tpu.memory_space<semaphore_mem>>, %arg15: memref<!tpu.dma_semaphore, #tpu.memory_space<semaphore_mem>>, %arg16: memref<!tpu.dma_semaphore, #tpu.memory_space<semaphore_mem>>) attributes {dimension_semantics = [#tpu.dimension_semantics<core_parallel>, #tpu.dimension_semantics<subcore_parallel>], iteration_bounds = array<i64: 2, 16>, scalar_prefetch = 0 : i64, scratch_operands = 11 : i64, tpu.core_type = #tpu.core_type<sc_vector_subcore>, window_params = [{transform_indices = #map}, {transform_indices = #map}, {transform_indices = #map1}, {transform_indices = #map}]} {
    %mul3A = arith.constant 2 : i32
    %mul3A_0 = arith.muli %arg1, %mul3A : i32
    %add3A = arith.addi %mul3A_0, %arg0 : i32
    %mul3A_1 = arith.constant 512 : i32
    %mul3A_2 = arith.muli %add3A, %mul3A_1 : i32
    %scan3A = arith.constant 0 : i32
    %scan3A_3 = arith.constant 0 : i32
    %scan3A_4 = arith.constant 32 : i32
    %scan3A_5 = arith.addi %scan3A_3, %scan3A_4 : i32
    %scan3A_6 = arith.constant 1 : i32
    scf.for %scan3A_8 = %scan3A_3 to %scan3A_5 step %scan3A_6  : i32 {
      %mul3A_9 = arith.constant 16 : i32
      %mul3A_10 = arith.muli %scan3A_8, %mul3A_9 : i32
      %add3A_11 = arith.addi %mul3A_2, %mul3A_10 : i32
      "tpu.region"() ({
        %run_scoped3A = tpu.sem_alloc : memref<!tpu.dma_semaphore, #tpu.memory_space<semaphore_mem>>
        %dma_start3A_40 = arith.constant 0 : i32
        %dma_start3A_41 = tpu.memref_slice %arg3[%add3A_11, %dma_start3A_40] : memref<16384x128xi32, #tpu.memory_space<hbm>> -> memref<16x128xi32, #tpu.memory_space<hbm>>
        %dma_start3A_42 = arith.constant 0 : i32
        %dma_start3A_43 = tpu.memref_slice %arg3[%add3A_11, %dma_start3A_42] : memref<16384x128xi32, #tpu.memory_space<hbm>> -> memref<16x128xi32, #tpu.memory_space<hbm>>
        tpu.enqueue_dma source(%dma_start3A_43 : memref<16x128xi32, #tpu.memory_space<hbm>>) target(%arg6 : memref<16x128xi32, #tpu.memory_space<vmem>>) target_semaphore(%run_scoped3A : memref<!tpu.dma_semaphore, #tpu.memory_space<semaphore_mem>>)
        %dma_wait3A = arith.constant 0 : i32
        %dma_wait3A_44 = tpu.memref_slice %arg3[%add3A_11, %dma_wait3A] : memref<16384x128xi32, #tpu.memory_space<hbm>> -> memref<16x128xi32, #tpu.memory_space<hbm>>
        %dma_wait3A_45 = arith.constant 0 : i32
        %dma_wait3A_46 = tpu.memref_slice %arg3[%add3A_11, %dma_wait3A_45] : memref<16384x128xi32, #tpu.memory_space<hbm>> -> memref<16x128xi32, #tpu.memory_space<hbm>>
        tpu.wait_dma2 semaphore(%run_scoped3A : memref<!tpu.dma_semaphore, #tpu.memory_space<semaphore_mem>>) src(%dma_wait3A_46 : memref<16x128xi32, #tpu.memory_space<hbm>>) dst(%arg6 : memref<16x128xi32, #tpu.memory_space<vmem>>)
        tpu.yield
      }) : () -> ()
      %mul3A_12 = arith.constant 128 : i32
      %mul3A_13 = arith.muli %add3A_11, %mul3A_12 : i32
      "tpu.region"() ({
        %run_scoped3A = tpu.sem_alloc : memref<!tpu.dma_semaphore, #tpu.memory_space<semaphore_mem>>
        %dma_start3A_40 = arith.constant 0 : i32
        %dma_start3A_41 = tpu.memref_slice %arg7[%dma_start3A_40] : memref<2064xf32, #tpu.memory_space<vmem>> -> memref<2048xf32, #tpu.memory_space<vmem>>
        %dma_start3A_42 = tpu.memref_slice %arg4[%mul3A_13] : memref<2097152xf32, #tpu.memory_space<hbm>> -> memref<2048xf32, #tpu.memory_space<hbm>>
        %dma_start3A_43 = arith.constant 0 : i32
        %dma_start3A_44 = tpu.memref_slice %arg7[%dma_start3A_43] : memref<2064xf32, #tpu.memory_space<vmem>> -> memref<2048xf32, #tpu.memory_space<vmem>>
        %dma_start3A_45 = tpu.memref_slice %arg4[%mul3A_13] : memref<2097152xf32, #tpu.memory_space<hbm>> -> memref<2048xf32, #tpu.memory_space<hbm>>
        tpu.enqueue_dma source(%dma_start3A_45 : memref<2048xf32, #tpu.memory_space<hbm>>) target(%dma_start3A_44 : memref<2048xf32, #tpu.memory_space<vmem>>) target_semaphore(%run_scoped3A : memref<!tpu.dma_semaphore, #tpu.memory_space<semaphore_mem>>)
        %dma_wait3A = arith.constant 0 : i32
        %dma_wait3A_46 = tpu.memref_slice %arg7[%dma_wait3A] : memref<2064xf32, #tpu.memory_space<vmem>> -> memref<2048xf32, #tpu.memory_space<vmem>>
        %dma_wait3A_47 = tpu.memref_slice %arg4[%mul3A_13] : memref<2097152xf32, #tpu.memory_space<hbm>> -> memref<2048xf32, #tpu.memory_space<hbm>>
        %dma_wait3A_48 = arith.constant 0 : i32
        %dma_wait3A_49 = tpu.memref_slice %arg7[%dma_wait3A_48] : memref<2064xf32, #tpu.memory_space<vmem>> -> memref<2048xf32, #tpu.memory_space<vmem>>
        %dma_wait3A_50 = tpu.memref_slice %arg4[%mul3A_13] : memref<2097152xf32, #tpu.memory_space<hbm>> -> memref<2048xf32, #tpu.memory_space<hbm>>
        tpu.wait_dma2 semaphore(%run_scoped3A : memref<!tpu.dma_semaphore, #tpu.memory_space<semaphore_mem>>) src(%dma_wait3A_50 : memref<2048xf32, #tpu.memory_space<hbm>>) dst(%dma_wait3A_49 : memref<2048xf32, #tpu.memory_space<vmem>>)
        tpu.yield
      }) : () -> ()
      %dma_start3A = arith.constant 0 : i32
      %dma_start3A_14 = arith.constant 0 : i32
      %dma_start3A_15 = tpu.memref_slice %arg6[%dma_start3A, %dma_start3A_14] : memref<16x128xi32, #tpu.memory_space<vmem>> -> memref<1x128xi32, #tpu.memory_space<vmem>>
      %dma_start3A_16 = tpu.memref_squeeze %dma_start3A_15 : memref<1x128xi32, #tpu.memory_space<vmem>> -> memref<128xi32, #tpu.memory_space<vmem>>
      %dma_start3A_17 = arith.constant 0 : i32
      %dma_start3A_18 = arith.constant 0 : i32
      %dma_start3A_19 = tpu.memref_slice %arg2[%dma_start3A_17, %dma_start3A_18] : memref<128000x64xi32, #tpu.memory_space<hbm>> -> memref<128000x64xi32, #tpu.memory_space<hbm>>
      tpu.enqueue_indirect_dma source(%dma_start3A_19 : memref<128000x64xi32, #tpu.memory_space<hbm>>) target(%arg8 : memref<128x64xi32, #tpu.memory_space<vmem>>) offsets(%dma_start3A_16 : memref<128xi32, #tpu.memory_space<vmem>>) semaphore(%arg13 : memref<!tpu.dma_semaphore, #tpu.memory_space<semaphore_mem>>)
      %dma_start3A_20 = arith.constant 1 : i32
      %dma_start3A_21 = arith.constant 0 : i32
      %dma_start3A_22 = tpu.memref_slice %arg6[%dma_start3A_20, %dma_start3A_21] : memref<16x128xi32, #tpu.memory_space<vmem>> -> memref<1x128xi32, #tpu.memory_space<vmem>>
      %dma_start3A_23 = tpu.memref_squeeze %dma_start3A_22 : memref<1x128xi32, #tpu.memory_space<vmem>> -> memref<128xi32, #tpu.memory_space<vmem>>
      %dma_start3A_24 = arith.constant 0 : i32
      %dma_start3A_25 = arith.constant 0 : i32
      %dma_start3A_26 = tpu.memref_slice %arg2[%dma_start3A_24, %dma_start3A_25] : memref<128000x64xi32, #tpu.memory_space<hbm>> -> memref<128000x64xi32, #tpu.memory_space<hbm>>
      tpu.enqueue_indirect_dma source(%dma_start3A_26 : memref<128000x64xi32, #tpu.memory_space<hbm>>) target(%arg9 : memref<128x64xi32, #tpu.memory_space<vmem>>) offsets(%dma_start3A_23 : memref<128xi32, #tpu.memory_space<vmem>>) semaphore(%arg14 : memref<!tpu.dma_semaphore, #tpu.memory_space<semaphore_mem>>)
      %dma_start3A_27 = arith.constant 2 : i32
      %dma_start3A_28 = arith.constant 0 : i32
      %dma_start3A_29 = tpu.memref_slice %arg6[%dma_start3A_27, %dma_start3A_28] : memref<16x128xi32, #tpu.memory_space<vmem>> -> memref<1x128xi32, #tpu.memory_space<vmem>>
      %dma_start3A_30 = tpu.memref_squeeze %dma_start3A_29 : memref<1x128xi32, #tpu.memory_space<vmem>> -> memref<128xi32, #tpu.memory_space<vmem>>
      %dma_start3A_31 = arith.constant 0 : i32
      %dma_start3A_32 = arith.constant 0 : i32
      %dma_start3A_33 = tpu.memref_slice %arg2[%dma_start3A_31, %dma_start3A_32] : memref<128000x64xi32, #tpu.memory_space<hbm>> -> memref<128000x64xi32, #tpu.memory_space<hbm>>
      tpu.enqueue_indirect_dma source(%dma_start3A_33 : memref<128000x64xi32, #tpu.memory_space<hbm>>) target(%arg10 : memref<128x64xi32, #tpu.memory_space<vmem>>) offsets(%dma_start3A_30 : memref<128xi32, #tpu.memory_space<vmem>>) semaphore(%arg15 : memref<!tpu.dma_semaphore, #tpu.memory_space<semaphore_mem>>)
      %scan3A_34 = arith.constant 0 : i32
      %scan3A_35 = arith.constant 0 : i32
      %scan3A_36 = arith.constant 4 : i32
      %scan3A_37 = arith.addi %scan3A_35, %scan3A_36 : i32
      %scan3A_38 = arith.constant 1 : i32
      scf.for %scan3A_40 = %scan3A_35 to %scan3A_37 step %scan3A_38  : i32 {
        %mul3A_41 = arith.constant 4 : i32
        %mul3A_42 = arith.muli %mul3A_41, %scan3A_40 : i32
        %dma_wait3A = arith.constant 0 : i32
        %dma_wait3A_43 = arith.constant 0 : i32
        %dma_wait3A_44 = tpu.memref_slice %arg2[%dma_wait3A, %dma_wait3A_43] : memref<128000x64xi32, #tpu.memory_space<hbm>> -> memref<128x64xi32, #tpu.memory_space<hbm>>
        %dma_wait3A_45 = arith.constant 0 : i32
        %dma_wait3A_46 = arith.constant 0 : i32
        %dma_wait3A_47 = tpu.memref_slice %arg2[%dma_wait3A_45, %dma_wait3A_46] : memref<128000x64xi32, #tpu.memory_space<hbm>> -> memref<128x64xi32, #tpu.memory_space<hbm>>
        tpu.wait_dma2 semaphore(%arg13 : memref<!tpu.dma_semaphore, #tpu.memory_space<semaphore_mem>>) src(%dma_wait3A_47 : memref<128x64xi32, #tpu.memory_space<hbm>>) dst(%arg8 : memref<128x64xi32, #tpu.memory_space<vmem>>)
        %add3A_48 = arith.constant 0 : i32
        %add3A_49 = arith.addi %mul3A_42, %add3A_48 : i32
        %add3A_50 = arith.constant 3 : i32
        %add3A_51 = arith.addi %add3A_49, %add3A_50 : i32
        %lt3A = arith.constant 16 : i32
        %lt3A_52 = arith.cmpi slt, %add3A_51, %lt3A : i32
        %convert_element_type3A = arith.extui %lt3A_52 : i1 to i32
        %cond3A = arith.constant 0 : i32
        %cond3A_53 = arith.cmpi ne, %convert_element_type3A, %cond3A : i32
        scf.if %cond3A_53 {
          %add3A_185 = arith.constant 0 : i32
          %add3A_186 = arith.addi %mul3A_42, %add3A_185 : i32
          %add3A_187 = arith.constant 3 : i32
          %add3A_188 = arith.addi %add3A_186, %add3A_187 : i32
          %dma_start3A_189 = arith.constant 0 : i32
          %dma_start3A_190 = tpu.memref_slice %arg6[%add3A_188, %dma_start3A_189] : memref<16x128xi32, #tpu.memory_space<vmem>> -> memref<1x128xi32, #tpu.memory_space<vmem>>
          %dma_start3A_191 = tpu.memref_squeeze %dma_start3A_190 : memref<1x128xi32, #tpu.memory_space<vmem>> -> memref<128xi32, #tpu.memory_space<vmem>>
          %dma_start3A_192 = arith.constant 0 : i32
          %dma_start3A_193 = arith.constant 0 : i32
          %dma_start3A_194 = tpu.memref_slice %arg2[%dma_start3A_192, %dma_start3A_193] : memref<128000x64xi32, #tpu.memory_space<hbm>> -> memref<128000x64xi32, #tpu.memory_space<hbm>>
          tpu.enqueue_indirect_dma source(%dma_start3A_194 : memref<128000x64xi32, #tpu.memory_space<hbm>>) target(%arg11 : memref<128x64xi32, #tpu.memory_space<vmem>>) offsets(%dma_start3A_191 : memref<128xi32, #tpu.memory_space<vmem>>) semaphore(%arg16 : memref<!tpu.dma_semaphore, #tpu.memory_space<semaphore_mem>>)
        } else {
        }
        %add3A_54 = arith.constant 0 : i32
        %add3A_55 = arith.addi %mul3A_42, %add3A_54 : i32
        %broadcast_in_dim3A = arith.constant 0.000000e+00 : f32
        %broadcast_in_dim3A_56 = vector.broadcast %broadcast_in_dim3A : f32 to vector<16xf32>
        %scan3A_57 = arith.constant 0 : i32
        %scan3A_58 = arith.constant 32 : i32
        %scan3A_59 = arith.addi %scan3A_57, %scan3A_58 : i32
        %scan3A_60 = arith.constant 1 : i32
        %scan3A_61:4 = scf.for %scan3A_185 = %scan3A_57 to %scan3A_59 step %scan3A_60 iter_args(%scan3A_186 = %broadcast_in_dim3A_56, %scan3A_187 = %broadcast_in_dim3A_56, %scan3A_188 = %broadcast_in_dim3A_56, %scan3A_189 = %broadcast_in_dim3A_56) -> (vector<16xf32>, vector<16xf32>, vector<16xf32>, vector<16xf32>)  : i32 {
          %mul3A_190 = arith.constant 128 : i32
          %mul3A_191 = arith.muli %add3A_55, %mul3A_190 : i32
          %mul3A_192 = arith.constant 4 : i32
          %mul3A_193 = arith.muli %scan3A_185, %mul3A_192 : i32
          %add3A_194 = arith.addi %mul3A_191, %mul3A_193 : i32
          %get3A = arith.index_cast %add3A_194 : i32 to index
          %get3A_195 = tpu.vector_load %arg7[%get3A] {strides = array<i32>} : memref<2064xf32, #tpu.memory_space<vmem>>, vector<16xf32>,
          %mul3A_196 = arith.constant 4 : i32
          %mul3A_197 = arith.muli %scan3A_185, %mul3A_196 : i32
          %add3A_198 = arith.constant 0 : i32
          %add3A_199 = arith.addi %mul3A_197, %add3A_198 : i32
          %slice3A = vector.extract_strided_slice %get3A_195 {offsets = [0], sizes = [1], strides = [1]} : vector<16xf32> to vector<1xf32>
          %squeeze3A = vector.extract %slice3A[0] : f32 from vector<1xf32>
          %broadcast_in_dim3A_200 = vector.broadcast %squeeze3A : f32 to vector<16xf32>
          %get3A_201 = arith.index_cast %add3A_199 : i32 to index
          %get3A_202 = arith.constant 0 : index
          %get3A_203 = tpu.vector_load %arg8[%get3A_201, %get3A_202] {strides = array<i32>} : memref<128x64xi32, #tpu.memory_space<vmem>>, vector<16xi32>,
          %bitcast_convert_type3A = tpu.bitcast %get3A_203 : vector<16xi32> -> vector<16xf32>
          %add3A_204 = arith.addf %scan3A_186, %bitcast_convert_type3A : vector<16xf32>
          %shift_left3A = arith.constant 16 : i32
          %shift_left3A_205 = vector.broadcast %shift_left3A : i32 to vector<16xi32>
          %shift_left3A_206 = arith.shli %get3A_203, %shift_left3A_205 : vector<16xi32>
          %bitcast_convert_type3A_207 = tpu.bitcast %shift_left3A_206 : vector<16xi32> -> vector<16xf32>
          %mul3A_208 = arith.mulf %broadcast_in_dim3A_200, %bitcast_convert_type3A_207 : vector<16xf32>
          %add3A_209 = arith.addf %add3A_204, %mul3A_208 : vector<16xf32>
          %get3A_210 = arith.index_cast %add3A_199 : i32 to index
          %get3A_211 = arith.constant 16 : index
          %get3A_212 = tpu.vector_load %arg8[%get3A_210, %get3A_211] {strides = array<i32>} : memref<128x64xi32, #tpu.memory_space<vmem>>, vector<16xi32>,
          %bitcast_convert_type3A_213 = tpu.bitcast %get3A_212 : vector<16xi32> -> vector<16xf32>
          %add3A_214 = arith.addf %scan3A_187, %bitcast_convert_type3A_213 : vector<16xf32>
          %shift_left3A_215 = arith.constant 16 : i32
          %shift_left3A_216 = vector.broadcast %shift_left3A_215 : i32 to vector<16xi32>
          %shift_left3A_217 = arith.shli %get3A_212, %shift_left3A_216 : vector<16xi32>
          %bitcast_convert_type3A_218 = tpu.bitcast %shift_left3A_217 : vector<16xi32> -> vector<16xf32>
          %mul3A_219 = arith.mulf %broadcast_in_dim3A_200, %bitcast_convert_type3A_218 : vector<16xf32>
          %add3A_220 = arith.addf %add3A_214, %mul3A_219 : vector<16xf32>
          %get3A_221 = arith.index_cast %add3A_199 : i32 to index
          %get3A_222 = arith.constant 32 : index
          %get3A_223 = tpu.vector_load %arg8[%get3A_221, %get3A_222] {strides = array<i32>} : memref<128x64xi32, #tpu.memory_space<vmem>>, vector<16xi32>,
          %bitcast_convert_type3A_224 = tpu.bitcast %get3A_223 : vector<16xi32> -> vector<16xf32>
          %add3A_225 = arith.addf %scan3A_188, %bitcast_convert_type3A_224 : vector<16xf32>
          %shift_left3A_226 = arith.constant 16 : i32
          %shift_left3A_227 = vector.broadcast %shift_left3A_226 : i32 to vector<16xi32>
          %shift_left3A_228 = arith.shli %get3A_223, %shift_left3A_227 : vector<16xi32>
          %bitcast_convert_type3A_229 = tpu.bitcast %shift_left3A_228 : vector<16xi32> -> vector<16xf32>
          %mul3A_230 = arith.mulf %broadcast_in_dim3A_200, %bitcast_convert_type3A_229 : vector<16xf32>
          %add3A_231 = arith.addf %add3A_225, %mul3A_230 : vector<16xf32>
          %get3A_232 = arith.index_cast %add3A_199 : i32 to index
          %get3A_233 = arith.constant 48 : index
          %get3A_234 = tpu.vector_load %arg8[%get3A_232, %get3A_233] {strides = array<i32>} : memref<128x64xi32, #tpu.memory_space<vmem>>, vector<16xi32>,
          %bitcast_convert_type3A_235 = tpu.bitcast %get3A_234 : vector<16xi32> -> vector<16xf32>
          %add3A_236 = arith.addf %scan3A_189, %bitcast_convert_type3A_235 : vector<16xf32>
          %shift_left3A_237 = arith.constant 16 : i32
          %shift_left3A_238 = vector.broadcast %shift_left3A_237 : i32 to vector<16xi32>
          %shift_left3A_239 = arith.shli %get3A_234, %shift_left3A_238 : vector<16xi32>
          %bitcast_convert_type3A_240 = tpu.bitcast %shift_left3A_239 : vector<16xi32> -> vector<16xf32>
          %mul3A_241 = arith.mulf %broadcast_in_dim3A_200, %bitcast_convert_type3A_240 : vector<16xf32>
          %add3A_242 = arith.addf %add3A_236, %mul3A_241 : vector<16xf32>
          %mul3A_243 = arith.constant 4 : i32
          %mul3A_244 = arith.muli %scan3A_185, %mul3A_243 : i32
          %add3A_245 = arith.constant 1 : i32
          %add3A_246 = arith.addi %mul3A_244, %add3A_245 : i32
          %slice3A_247 = vector.extract_strided_slice %get3A_195 {offsets = [1], sizes = [1], strides = [1]} : vector<16xf32> to vector<1xf32>
          %squeeze3A_248 = vector.extract %slice3A_247[0] : f32 from vector<1xf32>
          %broadcast_in_dim3A_249 = vector.broadcast %squeeze3A_248 : f32 to vector<16xf32>
          %get3A_250 = arith.index_cast %add3A_246 : i32 to index
          %get3A_251 = arith.constant 0 : index
          %get3A_252 = tpu.vector_load %arg8[%get3A_250, %get3A_251] {strides = array<i32>} : memref<128x64xi32, #tpu.memory_space<vmem>>, vector<16xi32>,
          %bitcast_convert_type3A_253 = tpu.bitcast %get3A_252 : vector<16xi32> -> vector<16xf32>
          %add3A_254 = arith.addf %add3A_209, %bitcast_convert_type3A_253 : vector<16xf32>
          %shift_left3A_255 = arith.constant 16 : i32
          %shift_left3A_256 = vector.broadcast %shift_left3A_255 : i32 to vector<16xi32>
          %shift_left3A_257 = arith.shli %get3A_252, %shift_left3A_256 : vector<16xi32>
          %bitcast_convert_type3A_258 = tpu.bitcast %shift_left3A_257 : vector<16xi32> -> vector<16xf32>
          %mul3A_259 = arith.mulf %broadcast_in_dim3A_249, %bitcast_convert_type3A_258 : vector<16xf32>
          %add3A_260 = arith.addf %add3A_254, %mul3A_259 : vector<16xf32>
          %get3A_261 = arith.index_cast %add3A_246 : i32 to index
          %get3A_262 = arith.constant 16 : index
          %get3A_263 = tpu.vector_load %arg8[%get3A_261, %get3A_262] {strides = array<i32>} : memref<128x64xi32, #tpu.memory_space<vmem>>, vector<16xi32>,
          %bitcast_convert_type3A_264 = tpu.bitcast %get3A_263 : vector<16xi32> -> vector<16xf32>
          %add3A_265 = arith.addf %add3A_220, %bitcast_convert_type3A_264 : vector<16xf32>
          %shift_left3A_266 = arith.constant 16 : i32
          %shift_left3A_267 = vector.broadcast %shift_left3A_266 : i32 to vector<16xi32>
          %shift_left3A_268 = arith.shli %get3A_263, %shift_left3A_267 : vector<16xi32>
          %bitcast_convert_type3A_269 = tpu.bitcast %shift_left3A_268 : vector<16xi32> -> vector<16xf32>
          %mul3A_270 = arith.mulf %broadcast_in_dim3A_249, %bitcast_convert_type3A_269 : vector<16xf32>
          %add3A_271 = arith.addf %add3A_265, %mul3A_270 : vector<16xf32>
          %get3A_272 = arith.index_cast %add3A_246 : i32 to index
          %get3A_273 = arith.constant 32 : index
          %get3A_274 = tpu.vector_load %arg8[%get3A_272, %get3A_273] {strides = array<i32>} : memref<128x64xi32, #tpu.memory_space<vmem>>, vector<16xi32>,
          %bitcast_convert_type3A_275 = tpu.bitcast %get3A_274 : vector<16xi32> -> vector<16xf32>
          %add3A_276 = arith.addf %add3A_231, %bitcast_convert_type3A_275 : vector<16xf32>
          %shift_left3A_277 = arith.constant 16 : i32
          %shift_left3A_278 = vector.broadcast %shift_left3A_277 : i32 to vector<16xi32>
          %shift_left3A_279 = arith.shli %get3A_274, %shift_left3A_278 : vector<16xi32>
          %bitcast_convert_type3A_280 = tpu.bitcast %shift_left3A_279 : vector<16xi32> -> vector<16xf32>
          %mul3A_281 = arith.mulf %broadcast_in_dim3A_249, %bitcast_convert_type3A_280 : vector<16xf32>
          %add3A_282 = arith.addf %add3A_276, %mul3A_281 : vector<16xf32>
          %get3A_283 = arith.index_cast %add3A_246 : i32 to index
          %get3A_284 = arith.constant 48 : index
          %get3A_285 = tpu.vector_load %arg8[%get3A_283, %get3A_284] {strides = array<i32>} : memref<128x64xi32, #tpu.memory_space<vmem>>, vector<16xi32>,
          %bitcast_convert_type3A_286 = tpu.bitcast %get3A_285 : vector<16xi32> -> vector<16xf32>
          %add3A_287 = arith.addf %add3A_242, %bitcast_convert_type3A_286 : vector<16xf32>
          %shift_left3A_288 = arith.constant 16 : i32
          %shift_left3A_289 = vector.broadcast %shift_left3A_288 : i32 to vector<16xi32>
          %shift_left3A_290 = arith.shli %get3A_285, %shift_left3A_289 : vector<16xi32>
          %bitcast_convert_type3A_291 = tpu.bitcast %shift_left3A_290 : vector<16xi32> -> vector<16xf32>
          %mul3A_292 = arith.mulf %broadcast_in_dim3A_249, %bitcast_convert_type3A_291 : vector<16xf32>
          %add3A_293 = arith.addf %add3A_287, %mul3A_292 : vector<16xf32>
          %mul3A_294 = arith.constant 4 : i32
          %mul3A_295 = arith.muli %scan3A_185, %mul3A_294 : i32
          %add3A_296 = arith.constant 2 : i32
          %add3A_297 = arith.addi %mul3A_295, %add3A_296 : i32
          %slice3A_298 = vector.extract_strided_slice %get3A_195 {offsets = [2], sizes = [1], strides = [1]} : vector<16xf32> to vector<1xf32>
          %squeeze3A_299 = vector.extract %slice3A_298[0] : f32 from vector<1xf32>
          %broadcast_in_dim3A_300 = vector.broadcast %squeeze3A_299 : f32 to vector<16xf32>
          %get3A_301 = arith.index_cast %add3A_297 : i32 to index
          %get3A_302 = arith.constant 0 : index
          %get3A_303 = tpu.vector_load %arg8[%get3A_301, %get3A_302] {strides = array<i32>} : memref<128x64xi32, #tpu.memory_space<vmem>>, vector<16xi32>,
          %bitcast_convert_type3A_304 = tpu.bitcast %get3A_303 : vector<16xi32> -> vector<16xf32>
          %add3A_305 = arith.addf %add3A_260, %bitcast_convert_type3A_304 : vector<16xf32>
          %shift_left3A_306 = arith.constant 16 : i32
          %shift_left3A_307 = vector.broadcast %shift_left3A_306 : i32 to vector<16xi32>
          %shift_left3A_308 = arith.shli %get3A_303, %shift_left3A_307 : vector<16xi32>
          %bitcast_convert_type3A_309 = tpu.bitcast %shift_left3A_308 : vector<16xi32> -> vector<16xf32>
          %mul3A_310 = arith.mulf %broadcast_in_dim3A_300, %bitcast_convert_type3A_309 : vector<16xf32>
          %add3A_311 = arith.addf %add3A_305, %mul3A_310 : vector<16xf32>
          %get3A_312 = arith.index_cast %add3A_297 : i32 to index
          %get3A_313 = arith.constant 16 : index
          %get3A_314 = tpu.vector_load %arg8[%get3A_312, %get3A_313] {strides = array<i32>} : memref<128x64xi32, #tpu.memory_space<vmem>>, vector<16xi32>,
          %bitcast_convert_type3A_315 = tpu.bitcast %get3A_314 : vector<16xi32> -> vector<16xf32>
          %add3A_316 = arith.addf %add3A_271, %bitcast_convert_type3A_315 : vector<16xf32>
          %shift_left3A_317 = arith.constant 16 : i32
          %shift_left3A_318 = vector.broadcast %shift_left3A_317 : i32 to vector<16xi32>
          %shift_left3A_319 = arith.shli %get3A_314, %shift_left3A_318 : vector<16xi32>
          %bitcast_convert_type3A_320 = tpu.bitcast %shift_left3A_319 : vector<16xi32> -> vector<16xf32>
          %mul3A_321 = arith.mulf %broadcast_in_dim3A_300, %bitcast_convert_type3A_320 : vector<16xf32>
          %add3A_322 = arith.addf %add3A_316, %mul3A_321 : vector<16xf32>
          %get3A_323 = arith.index_cast %add3A_297 : i32 to index
          %get3A_324 = arith.constant 32 : index
          %get3A_325 = tpu.vector_load %arg8[%get3A_323, %get3A_324] {strides = array<i32>} : memref<128x64xi32, #tpu.memory_space<vmem>>, vector<16xi32>,
          %bitcast_convert_type3A_326 = tpu.bitcast %get3A_325 : vector<16xi32> -> vector<16xf32>
          %add3A_327 = arith.addf %add3A_282, %bitcast_convert_type3A_326 : vector<16xf32>
          %shift_left3A_328 = arith.constant 16 : i32
          %shift_left3A_329 = vector.broadcast %shift_left3A_328 : i32 to vector<16xi32>
          %shift_left3A_330 = arith.shli %get3A_325, %shift_left3A_329 : vector<16xi32>
          %bitcast_convert_type3A_331 = tpu.bitcast %shift_left3A_330 : vector<16xi32> -> vector<16xf32>
          %mul3A_332 = arith.mulf %broadcast_in_dim3A_300, %bitcast_convert_type3A_331 : vector<16xf32>
          %add3A_333 = arith.addf %add3A_327, %mul3A_332 : vector<16xf32>
          %get3A_334 = arith.index_cast %add3A_297 : i32 to index
          %get3A_335 = arith.constant 48 : index
          %get3A_336 = tpu.vector_load %arg8[%get3A_334, %get3A_335] {strides = array<i32>} : memref<128x64xi32, #tpu.memory_space<vmem>>, vector<16xi32>,
          %bitcast_convert_type3A_337 = tpu.bitcast %get3A_336 : vector<16xi32> -> vector<16xf32>
          %add3A_338 = arith.addf %add3A_293, %bitcast_convert_type3A_337 : vector<16xf32>
          %shift_left3A_339 = arith.constant 16 : i32
          %shift_left3A_340 = vector.broadcast %shift_left3A_339 : i32 to vector<16xi32>
          %shift_left3A_341 = arith.shli %get3A_336, %shift_left3A_340 : vector<16xi32>
          %bitcast_convert_type3A_342 = tpu.bitcast %shift_left3A_341 : vector<16xi32> -> vector<16xf32>
          %mul3A_343 = arith.mulf %broadcast_in_dim3A_300, %bitcast_convert_type3A_342 : vector<16xf32>
          %add3A_344 = arith.addf %add3A_338, %mul3A_343 : vector<16xf32>
          %mul3A_345 = arith.constant 4 : i32
          %mul3A_346 = arith.muli %scan3A_185, %mul3A_345 : i32
          %add3A_347 = arith.constant 3 : i32
          %add3A_348 = arith.addi %mul3A_346, %add3A_347 : i32
          %slice3A_349 = vector.extract_strided_slice %get3A_195 {offsets = [3], sizes = [1], strides = [1]} : vector<16xf32> to vector<1xf32>
          %squeeze3A_350 = vector.extract %slice3A_349[0] : f32 from vector<1xf32>
          %broadcast_in_dim3A_351 = vector.broadcast %squeeze3A_350 : f32 to vector<16xf32>
          %get3A_352 = arith.index_cast %add3A_348 : i32 to index
          %get3A_353 = arith.constant 0 : index
          %get3A_354 = tpu.vector_load %arg8[%get3A_352, %get3A_353] {strides = array<i32>} : memref<128x64xi32, #tpu.memory_space<vmem>>, vector<16xi32>,
          %bitcast_convert_type3A_355 = tpu.bitcast %get3A_354 : vector<16xi32> -> vector<16xf32>
          %add3A_356 = arith.addf %add3A_311, %bitcast_convert_type3A_355 : vector<16xf32>
          %shift_left3A_357 = arith.constant 16 : i32
          %shift_left3A_358 = vector.broadcast %shift_left3A_357 : i32 to vector<16xi32>
          %shift_left3A_359 = arith.shli %get3A_354, %shift_left3A_358 : vector<16xi32>
          %bitcast_convert_type3A_360 = tpu.bitcast %shift_left3A_359 : vector<16xi32> -> vector<16xf32>
          %mul3A_361 = arith.mulf %broadcast_in_dim3A_351, %bitcast_convert_type3A_360 : vector<16xf32>
          %add3A_362 = arith.addf %add3A_356, %mul3A_361 : vector<16xf32>
          %get3A_363 = arith.index_cast %add3A_348 : i32 to index
          %get3A_364 = arith.constant 16 : index
          %get3A_365 = tpu.vector_load %arg8[%get3A_363, %get3A_364] {strides = array<i32>} : memref<128x64xi32, #tpu.memory_space<vmem>>, vector<16xi32>,
          %bitcast_convert_type3A_366 = tpu.bitcast %get3A_365 : vector<16xi32> -> vector<16xf32>
          %add3A_367 = arith.addf %add3A_322, %bitcast_convert_type3A_366 : vector<16xf32>
          %shift_left3A_368 = arith.constant 16 : i32
          %shift_left3A_369 = vector.broadcast %shift_left3A_368 : i32 to vector<16xi32>
          %shift_left3A_370 = arith.shli %get3A_365, %shift_left3A_369 : vector<16xi32>
          %bitcast_convert_type3A_371 = tpu.bitcast %shift_left3A_370 : vector<16xi32> -> vector<16xf32>
          %mul3A_372 = arith.mulf %broadcast_in_dim3A_351, %bitcast_convert_type3A_371 : vector<16xf32>
          %add3A_373 = arith.addf %add3A_367, %mul3A_372 : vector<16xf32>
          %get3A_374 = arith.index_cast %add3A_348 : i32 to index
          %get3A_375 = arith.constant 32 : index
          %get3A_376 = tpu.vector_load %arg8[%get3A_374, %get3A_375] {strides = array<i32>} : memref<128x64xi32, #tpu.memory_space<vmem>>, vector<16xi32>,
          %bitcast_convert_type3A_377 = tpu.bitcast %get3A_376 : vector<16xi32> -> vector<16xf32>
          %add3A_378 = arith.addf %add3A_333, %bitcast_convert_type3A_377 : vector<16xf32>
          %shift_left3A_379 = arith.constant 16 : i32
          %shift_left3A_380 = vector.broadcast %shift_left3A_379 : i32 to vector<16xi32>
          %shift_left3A_381 = arith.shli %get3A_376, %shift_left3A_380 : vector<16xi32>
          %bitcast_convert_type3A_382 = tpu.bitcast %shift_left3A_381 : vector<16xi32> -> vector<16xf32>
          %mul3A_383 = arith.mulf %broadcast_in_dim3A_351, %bitcast_convert_type3A_382 : vector<16xf32>
          %add3A_384 = arith.addf %add3A_378, %mul3A_383 : vector<16xf32>
          %get3A_385 = arith.index_cast %add3A_348 : i32 to index
          %get3A_386 = arith.constant 48 : index
          %get3A_387 = tpu.vector_load %arg8[%get3A_385, %get3A_386] {strides = array<i32>} : memref<128x64xi32, #tpu.memory_space<vmem>>, vector<16xi32>,
          %bitcast_convert_type3A_388 = tpu.bitcast %get3A_387 : vector<16xi32> -> vector<16xf32>
          %add3A_389 = arith.addf %add3A_344, %bitcast_convert_type3A_388 : vector<16xf32>
          %shift_left3A_390 = arith.constant 16 : i32
          %shift_left3A_391 = vector.broadcast %shift_left3A_390 : i32 to vector<16xi32>
          %shift_left3A_392 = arith.shli %get3A_387, %shift_left3A_391 : vector<16xi32>
          %bitcast_convert_type3A_393 = tpu.bitcast %shift_left3A_392 : vector<16xi32> -> vector<16xf32>
          %mul3A_394 = arith.mulf %broadcast_in_dim3A_351, %bitcast_convert_type3A_393 : vector<16xf32>
          %add3A_395 = arith.addf %add3A_389, %mul3A_394 : vector<16xf32>
          scf.yield %add3A_362, %add3A_373, %add3A_384, %add3A_395 : vector<16xf32>, vector<16xf32>, vector<16xf32>, vector<16xf32>
        }
        %scan3A_62 = arith.constant 32 : i32
        %swap3A = arith.index_cast %add3A_55 : i32 to index
        %swap3A_63 = arith.constant 0 : index
        %swap3A_64 = tpu.vector_load %arg12[%swap3A, %swap3A_63] {strides = array<i32>} : memref<16x64xf32, #tpu.memory_space<vmem>>, vector<16xf32>,
        tpu.vector_store %arg12[%swap3A, %swap3A_63], %scan3A_61#0 {strides = array<i32>} : memref<16x64xf32, #tpu.memory_space<vmem>>, vector<16xf32>,
        %swap3A_65 = arith.index_cast %add3A_55 : i32 to index
        %swap3A_66 = arith.constant 16 : index
        %swap3A_67 = tpu.vector_load %arg12[%swap3A_65, %swap3A_66] {strides = array<i32>} : memref<16x64xf32, #tpu.memory_space<vmem>>, vector<16xf32>,
        tpu.vector_store %arg12[%swap3A_65, %swap3A_66], %scan3A_61#1 {strides = array<i32>} : memref<16x64xf32, #tpu.memory_space<vmem>>, vector<16xf32>,
        %swap3A_68 = arith.index_cast %add3A_55 : i32 to index
        %swap3A_69 = arith.constant 32 : index
        %swap3A_70 = tpu.vector_load %arg12[%swap3A_68, %swap3A_69] {strides = array<i32>} : memref<16x64xf32, #tpu.memory_space<vmem>>, vector<16xf32>,
        tpu.vector_store %arg12[%swap3A_68, %swap3A_69], %scan3A_61#2 {strides = array<i32>} : memref<16x64xf32, #tpu.memory_space<vmem>>, vector<16xf32>,
        %swap3A_71 = arith.index_cast %add3A_55 : i32 to index
        %swap3A_72 = arith.constant 48 : index
        %swap3A_73 = tpu.vector_load %arg12[%swap3A_71, %swap3A_72] {strides = array<i32>} : memref<16x64xf32, #tpu.memory_space<vmem>>, vector<16xf32>,
        tpu.vector_store %arg12[%swap3A_71, %swap3A_72], %scan3A_61#3 {strides = array<i32>} : memref<16x64xf32, #tpu.memory_space<vmem>>, vector<16xf32>,
        %dma_wait3A_74 = arith.constant 0 : i32
        %dma_wait3A_75 = arith.constant 0 : i32
        %dma_wait3A_76 = tpu.memref_slice %arg2[%dma_wait3A_74, %dma_wait3A_75] : memref<128000x64xi32, #tpu.memory_space<hbm>> -> memref<128x64xi32, #tpu.memory_space<hbm>>
        %dma_wait3A_77 = arith.constant 0 : i32
        %dma_wait3A_78 = arith.constant 0 : i32
        %dma_wait3A_79 = tpu.memref_slice %arg2[%dma_wait3A_77, %dma_wait3A_78] : memref<128000x64xi32, #tpu.memory_space<hbm>> -> memref<128x64xi32, #tpu.memory_space<hbm>>
        tpu.wait_dma2 semaphore(%arg14 : memref<!tpu.dma_semaphore, #tpu.memory_space<semaphore_mem>>) src(%dma_wait3A_79 : memref<128x64xi32, #tpu.memory_space<hbm>>) dst(%arg9 : memref<128x64xi32, #tpu.memory_space<vmem>>)
        %add3A_80 = arith.constant 1 : i32
        %add3A_81 = arith.addi %mul3A_42, %add3A_80 : i32
        %add3A_82 = arith.constant 3 : i32
        %add3A_83 = arith.addi %add3A_81, %add3A_82 : i32
        %lt3A_84 = arith.constant 16 : i32
        %lt3A_85 = arith.cmpi slt, %add3A_83, %lt3A_84 : i32
        %convert_element_type3A_86 = arith.extui %lt3A_85 : i1 to i32
        %cond3A_87 = arith.constant 0 : i32
        %cond3A_88 = arith.cmpi ne, %convert_element_type3A_86, %cond3A_87 : i32
        scf.if %cond3A_88 {
          %add3A_185 = arith.constant 1 : i32
          %add3A_186 = arith.addi %mul3A_42, %add3A_185 : i32
          %add3A_187 = arith.constant 3 : i32
          %add3A_188 = arith.addi %add3A_186, %add3A_187 : i32
          %dma_start3A_189 = arith.constant 0 : i32
          %dma_start3A_190 = tpu.memref_slice %arg6[%add3A_188, %dma_start3A_189] : memref<16x128xi32, #tpu.memory_space<vmem>> -> memref<1x128xi32, #tpu.memory_space<vmem>>
          %dma_start3A_191 = tpu.memref_squeeze %dma_start3A_190 : memref<1x128xi32, #tpu.memory_space<vmem>> -> memref<128xi32, #tpu.memory_space<vmem>>
          %dma_start3A_192 = arith.constant 0 : i32
          %dma_start3A_193 = arith.constant 0 : i32
          %dma_start3A_194 = tpu.memref_slice %arg2[%dma_start3A_192, %dma_start3A_193] : memref<128000x64xi32, #tpu.memory_space<hbm>> -> memref<128000x64xi32, #tpu.memory_space<hbm>>
          tpu.enqueue_indirect_dma source(%dma_start3A_194 : memref<128000x64xi32, #tpu.memory_space<hbm>>) target(%arg8 : memref<128x64xi32, #tpu.memory_space<vmem>>) offsets(%dma_start3A_191 : memref<128xi32, #tpu.memory_space<vmem>>) semaphore(%arg13 : memref<!tpu.dma_semaphore, #tpu.memory_space<semaphore_mem>>)
        } else {
        }
        %add3A_89 = arith.constant 1 : i32
        %add3A_90 = arith.addi %mul3A_42, %add3A_89 : i32
        %broadcast_in_dim3A_91 = arith.constant 0.000000e+00 : f32
        %broadcast_in_dim3A_92 = vector.broadcast %broadcast_in_dim3A_91 : f32 to vector<16xf32>
        %scan3A_93 = arith.constant 0 : i32
        %scan3A_94 = arith.constant 32 : i32
        %scan3A_95 = arith.addi %scan3A_93, %scan3A_94 : i32
        %scan3A_96 = arith.constant 1 : i32
        %scan3A_97:4 = scf.for %scan3A_185 = %scan3A_93 to %scan3A_95 step %scan3A_96 iter_args(%scan3A_186 = %broadcast_in_dim3A_92, %scan3A_187 = %broadcast_in_dim3A_92, %scan3A_188 = %broadcast_in_dim3A_92, %scan3A_189 = %broadcast_in_dim3A_92) -> (vector<16xf32>, vector<16xf32>, vector<16xf32>, vector<16xf32>)  : i32 {
          %mul3A_190 = arith.constant 128 : i32
          %mul3A_191 = arith.muli %add3A_90, %mul3A_190 : i32
          %mul3A_192 = arith.constant 4 : i32
          %mul3A_193 = arith.muli %scan3A_185, %mul3A_192 : i32
          %add3A_194 = arith.addi %mul3A_191, %mul3A_193 : i32
          %get3A = arith.index_cast %add3A_194 : i32 to index
          %get3A_195 = tpu.vector_load %arg7[%get3A] {strides = array<i32>} : memref<2064xf32, #tpu.memory_space<vmem>>, vector<16xf32>,
          %mul3A_196 = arith.constant 4 : i32
          %mul3A_197 = arith.muli %scan3A_185, %mul3A_196 : i32
          %add3A_198 = arith.constant 0 : i32
          %add3A_199 = arith.addi %mul3A_197, %add3A_198 : i32
          %slice3A = vector.extract_strided_slice %get3A_195 {offsets = [0], sizes = [1], strides = [1]} : vector<16xf32> to vector<1xf32>
          %squeeze3A = vector.extract %slice3A[0] : f32 from vector<1xf32>
          %broadcast_in_dim3A_200 = vector.broadcast %squeeze3A : f32 to vector<16xf32>
          %get3A_201 = arith.index_cast %add3A_199 : i32 to index
          %get3A_202 = arith.constant 0 : index
          %get3A_203 = tpu.vector_load %arg9[%get3A_201, %get3A_202] {strides = array<i32>} : memref<128x64xi32, #tpu.memory_space<vmem>>, vector<16xi32>,
          %bitcast_convert_type3A = tpu.bitcast %get3A_203 : vector<16xi32> -> vector<16xf32>
          %add3A_204 = arith.addf %scan3A_186, %bitcast_convert_type3A : vector<16xf32>
          %shift_left3A = arith.constant 16 : i32
          %shift_left3A_205 = vector.broadcast %shift_left3A : i32 to vector<16xi32>
          %shift_left3A_206 = arith.shli %get3A_203, %shift_left3A_205 : vector<16xi32>
          %bitcast_convert_type3A_207 = tpu.bitcast %shift_left3A_206 : vector<16xi32> -> vector<16xf32>
          %mul3A_208 = arith.mulf %broadcast_in_dim3A_200, %bitcast_convert_type3A_207 : vector<16xf32>
          %add3A_209 = arith.addf %add3A_204, %mul3A_208 : vector<16xf32>
          %get3A_210 = arith.index_cast %add3A_199 : i32 to index
          %get3A_211 = arith.constant 16 : index
          %get3A_212 = tpu.vector_load %arg9[%get3A_210, %get3A_211] {strides = array<i32>} : memref<128x64xi32, #tpu.memory_space<vmem>>, vector<16xi32>,
          %bitcast_convert_type3A_213 = tpu.bitcast %get3A_212 : vector<16xi32> -> vector<16xf32>
          %add3A_214 = arith.addf %scan3A_187, %bitcast_convert_type3A_213 : vector<16xf32>
          %shift_left3A_215 = arith.constant 16 : i32
          %shift_left3A_216 = vector.broadcast %shift_left3A_215 : i32 to vector<16xi32>
          %shift_left3A_217 = arith.shli %get3A_212, %shift_left3A_216 : vector<16xi32>
          %bitcast_convert_type3A_218 = tpu.bitcast %shift_left3A_217 : vector<16xi32> -> vector<16xf32>
          %mul3A_219 = arith.mulf %broadcast_in_dim3A_200, %bitcast_convert_type3A_218 : vector<16xf32>
          %add3A_220 = arith.addf %add3A_214, %mul3A_219 : vector<16xf32>
          %get3A_221 = arith.index_cast %add3A_199 : i32 to index
          %get3A_222 = arith.constant 32 : index
          %get3A_223 = tpu.vector_load %arg9[%get3A_221, %get3A_222] {strides = array<i32>} : memref<128x64xi32, #tpu.memory_space<vmem>>, vector<16xi32>,
          %bitcast_convert_type3A_224 = tpu.bitcast %get3A_223 : vector<16xi32> -> vector<16xf32>
          %add3A_225 = arith.addf %scan3A_188, %bitcast_convert_type3A_224 : vector<16xf32>
          %shift_left3A_226 = arith.constant 16 : i32
          %shift_left3A_227 = vector.broadcast %shift_left3A_226 : i32 to vector<16xi32>
          %shift_left3A_228 = arith.shli %get3A_223, %shift_left3A_227 : vector<16xi32>
          %bitcast_convert_type3A_229 = tpu.bitcast %shift_left3A_228 : vector<16xi32> -> vector<16xf32>
          %mul3A_230 = arith.mulf %broadcast_in_dim3A_200, %bitcast_convert_type3A_229 : vector<16xf32>
          %add3A_231 = arith.addf %add3A_225, %mul3A_230 : vector<16xf32>
          %get3A_232 = arith.index_cast %add3A_199 : i32 to index
          %get3A_233 = arith.constant 48 : index
          %get3A_234 = tpu.vector_load %arg9[%get3A_232, %get3A_233] {strides = array<i32>} : memref<128x64xi32, #tpu.memory_space<vmem>>, vector<16xi32>,
          %bitcast_convert_type3A_235 = tpu.bitcast %get3A_234 : vector<16xi32> -> vector<16xf32>
          %add3A_236 = arith.addf %scan3A_189, %bitcast_convert_type3A_235 : vector<16xf32>
          %shift_left3A_237 = arith.constant 16 : i32
          %shift_left3A_238 = vector.broadcast %shift_left3A_237 : i32 to vector<16xi32>
          %shift_left3A_239 = arith.shli %get3A_234, %shift_left3A_238 : vector<16xi32>
          %bitcast_convert_type3A_240 = tpu.bitcast %shift_left3A_239 : vector<16xi32> -> vector<16xf32>
          %mul3A_241 = arith.mulf %broadcast_in_dim3A_200, %bitcast_convert_type3A_240 : vector<16xf32>
          %add3A_242 = arith.addf %add3A_236, %mul3A_241 : vector<16xf32>
          %mul3A_243 = arith.constant 4 : i32
          %mul3A_244 = arith.muli %scan3A_185, %mul3A_243 : i32
          %add3A_245 = arith.constant 1 : i32
          %add3A_246 = arith.addi %mul3A_244, %add3A_245 : i32
          %slice3A_247 = vector.extract_strided_slice %get3A_195 {offsets = [1], sizes = [1], strides = [1]} : vector<16xf32> to vector<1xf32>
          %squeeze3A_248 = vector.extract %slice3A_247[0] : f32 from vector<1xf32>
          %broadcast_in_dim3A_249 = vector.broadcast %squeeze3A_248 : f32 to vector<16xf32>
          %get3A_250 = arith.index_cast %add3A_246 : i32 to index
          %get3A_251 = arith.constant 0 : index
          %get3A_252 = tpu.vector_load %arg9[%get3A_250, %get3A_251] {strides = array<i32>} : memref<128x64xi32, #tpu.memory_space<vmem>>, vector<16xi32>,
          %bitcast_convert_type3A_253 = tpu.bitcast %get3A_252 : vector<16xi32> -> vector<16xf32>
          %add3A_254 = arith.addf %add3A_209, %bitcast_convert_type3A_253 : vector<16xf32>
          %shift_left3A_255 = arith.constant 16 : i32
          %shift_left3A_256 = vector.broadcast %shift_left3A_255 : i32 to vector<16xi32>
          %shift_left3A_257 = arith.shli %get3A_252, %shift_left3A_256 : vector<16xi32>
          %bitcast_convert_type3A_258 = tpu.bitcast %shift_left3A_257 : vector<16xi32> -> vector<16xf32>
          %mul3A_259 = arith.mulf %broadcast_in_dim3A_249, %bitcast_convert_type3A_258 : vector<16xf32>
          %add3A_260 = arith.addf %add3A_254, %mul3A_259 : vector<16xf32>
          %get3A_261 = arith.index_cast %add3A_246 : i32 to index
          %get3A_262 = arith.constant 16 : index
          %get3A_263 = tpu.vector_load %arg9[%get3A_261, %get3A_262] {strides = array<i32>} : memref<128x64xi32, #tpu.memory_space<vmem>>, vector<16xi32>,
          %bitcast_convert_type3A_264 = tpu.bitcast %get3A_263 : vector<16xi32> -> vector<16xf32>
          %add3A_265 = arith.addf %add3A_220, %bitcast_convert_type3A_264 : vector<16xf32>
          %shift_left3A_266 = arith.constant 16 : i32
          %shift_left3A_267 = vector.broadcast %shift_left3A_266 : i32 to vector<16xi32>
          %shift_left3A_268 = arith.shli %get3A_263, %shift_left3A_267 : vector<16xi32>
          %bitcast_convert_type3A_269 = tpu.bitcast %shift_left3A_268 : vector<16xi32> -> vector<16xf32>
          %mul3A_270 = arith.mulf %broadcast_in_dim3A_249, %bitcast_convert_type3A_269 : vector<16xf32>
          %add3A_271 = arith.addf %add3A_265, %mul3A_270 : vector<16xf32>
          %get3A_272 = arith.index_cast %add3A_246 : i32 to index
          %get3A_273 = arith.constant 32 : index
          %get3A_274 = tpu.vector_load %arg9[%get3A_272, %get3A_273] {strides = array<i32>} : memref<128x64xi32, #tpu.memory_space<vmem>>, vector<16xi32>,
          %bitcast_convert_type3A_275 = tpu.bitcast %get3A_274 : vector<16xi32> -> vector<16xf32>
          %add3A_276 = arith.addf %add3A_231, %bitcast_convert_type3A_275 : vector<16xf32>
          %shift_left3A_277 = arith.constant 16 : i32
          %shift_left3A_278 = vector.broadcast %shift_left3A_277 : i32 to vector<16xi32>
          %shift_left3A_279 = arith.shli %get3A_274, %shift_left3A_278 : vector<16xi32>
          %bitcast_convert_type3A_280 = tpu.bitcast %shift_left3A_279 : vector<16xi32> -> vector<16xf32>
          %mul3A_281 = arith.mulf %broadcast_in_dim3A_249, %bitcast_convert_type3A_280 : vector<16xf32>
          %add3A_282 = arith.addf %add3A_276, %mul3A_281 : vector<16xf32>
          %get3A_283 = arith.index_cast %add3A_246 : i32 to index
          %get3A_284 = arith.constant 48 : index
          %get3A_285 = tpu.vector_load %arg9[%get3A_283, %get3A_284] {strides = array<i32>} : memref<128x64xi32, #tpu.memory_space<vmem>>, vector<16xi32>,
          %bitcast_convert_type3A_286 = tpu.bitcast %get3A_285 : vector<16xi32> -> vector<16xf32>
          %add3A_287 = arith.addf %add3A_242, %bitcast_convert_type3A_286 : vector<16xf32>
          %shift_left3A_288 = arith.constant 16 : i32
          %shift_left3A_289 = vector.broadcast %shift_left3A_288 : i32 to vector<16xi32>
          %shift_left3A_290 = arith.shli %get3A_285, %shift_left3A_289 : vector<16xi32>
          %bitcast_convert_type3A_291 = tpu.bitcast %shift_left3A_290 : vector<16xi32> -> vector<16xf32>
          %mul3A_292 = arith.mulf %broadcast_in_dim3A_249, %bitcast_convert_type3A_291 : vector<16xf32>
          %add3A_293 = arith.addf %add3A_287, %mul3A_292 : vector<16xf32>
          %mul3A_294 = arith.constant 4 : i32
          %mul3A_295 = arith.muli %scan3A_185, %mul3A_294 : i32
          %add3A_296 = arith.constant 2 : i32
          %add3A_297 = arith.addi %mul3A_295, %add3A_296 : i32
          %slice3A_298 = vector.extract_strided_slice %get3A_195 {offsets = [2], sizes = [1], strides = [1]} : vector<16xf32> to vector<1xf32>
          %squeeze3A_299 = vector.extract %slice3A_298[0] : f32 from vector<1xf32>
          %broadcast_in_dim3A_300 = vector.broadcast %squeeze3A_299 : f32 to vector<16xf32>
          %get3A_301 = arith.index_cast %add3A_297 : i32 to index
          %get3A_302 = arith.constant 0 : index
          %get3A_303 = tpu.vector_load %arg9[%get3A_301, %get3A_302] {strides = array<i32>} : memref<128x64xi32, #tpu.memory_space<vmem>>, vector<16xi32>,
          %bitcast_convert_type3A_304 = tpu.bitcast %get3A_303 : vector<16xi32> -> vector<16xf32>
          %add3A_305 = arith.addf %add3A_260, %bitcast_convert_type3A_304 : vector<16xf32>
          %shift_left3A_306 = arith.constant 16 : i32
          %shift_left3A_307 = vector.broadcast %shift_left3A_306 : i32 to vector<16xi32>
          %shift_left3A_308 = arith.shli %get3A_303, %shift_left3A_307 : vector<16xi32>
          %bitcast_convert_type3A_309 = tpu.bitcast %shift_left3A_308 : vector<16xi32> -> vector<16xf32>
          %mul3A_310 = arith.mulf %broadcast_in_dim3A_300, %bitcast_convert_type3A_309 : vector<16xf32>
          %add3A_311 = arith.addf %add3A_305, %mul3A_310 : vector<16xf32>
          %get3A_312 = arith.index_cast %add3A_297 : i32 to index
          %get3A_313 = arith.constant 16 : index
          %get3A_314 = tpu.vector_load %arg9[%get3A_312, %get3A_313] {strides = array<i32>} : memref<128x64xi32, #tpu.memory_space<vmem>>, vector<16xi32>,
          %bitcast_convert_type3A_315 = tpu.bitcast %get3A_314 : vector<16xi32> -> vector<16xf32>
          %add3A_316 = arith.addf %add3A_271, %bitcast_convert_type3A_315 : vector<16xf32>
          %shift_left3A_317 = arith.constant 16 : i32
          %shift_left3A_318 = vector.broadcast %shift_left3A_317 : i32 to vector<16xi32>
          %shift_left3A_319 = arith.shli %get3A_314, %shift_left3A_318 : vector<16xi32>
          %bitcast_convert_type3A_320 = tpu.bitcast %shift_left3A_319 : vector<16xi32> -> vector<16xf32>
          %mul3A_321 = arith.mulf %broadcast_in_dim3A_300, %bitcast_convert_type3A_320 : vector<16xf32>
          %add3A_322 = arith.addf %add3A_316, %mul3A_321 : vector<16xf32>
          %get3A_323 = arith.index_cast %add3A_297 : i32 to index
          %get3A_324 = arith.constant 32 : index
          %get3A_325 = tpu.vector_load %arg9[%get3A_323, %get3A_324] {strides = array<i32>} : memref<128x64xi32, #tpu.memory_space<vmem>>, vector<16xi32>,
          %bitcast_convert_type3A_326 = tpu.bitcast %get3A_325 : vector<16xi32> -> vector<16xf32>
          %add3A_327 = arith.addf %add3A_282, %bitcast_convert_type3A_326 : vector<16xf32>
          %shift_left3A_328 = arith.constant 16 : i32
          %shift_left3A_329 = vector.broadcast %shift_left3A_328 : i32 to vector<16xi32>
          %shift_left3A_330 = arith.shli %get3A_325, %shift_left3A_329 : vector<16xi32>
          %bitcast_convert_type3A_331 = tpu.bitcast %shift_left3A_330 : vector<16xi32> -> vector<16xf32>
          %mul3A_332 = arith.mulf %broadcast_in_dim3A_300, %bitcast_convert_type3A_331 : vector<16xf32>
          %add3A_333 = arith.addf %add3A_327, %mul3A_332 : vector<16xf32>
          %get3A_334 = arith.index_cast %add3A_297 : i32 to index
          %get3A_335 = arith.constant 48 : index
          %get3A_336 = tpu.vector_load %arg9[%get3A_334, %get3A_335] {strides = array<i32>} : memref<128x64xi32, #tpu.memory_space<vmem>>, vector<16xi32>,
          %bitcast_convert_type3A_337 = tpu.bitcast %get3A_336 : vector<16xi32> -> vector<16xf32>
          %add3A_338 = arith.addf %add3A_293, %bitcast_convert_type3A_337 : vector<16xf32>
          %shift_left3A_339 = arith.constant 16 : i32
          %shift_left3A_340 = vector.broadcast %shift_left3A_339 : i32 to vector<16xi32>
          %shift_left3A_341 = arith.shli %get3A_336, %shift_left3A_340 : vector<16xi32>
          %bitcast_convert_type3A_342 = tpu.bitcast %shift_left3A_341 : vector<16xi32> -> vector<16xf32>
          %mul3A_343 = arith.mulf %broadcast_in_dim3A_300, %bitcast_convert_type3A_342 : vector<16xf32>
          %add3A_344 = arith.addf %add3A_338, %mul3A_343 : vector<16xf32>
          %mul3A_345 = arith.constant 4 : i32
          %mul3A_346 = arith.muli %scan3A_185, %mul3A_345 : i32
          %add3A_347 = arith.constant 3 : i32
          %add3A_348 = arith.addi %mul3A_346, %add3A_347 : i32
          %slice3A_349 = vector.extract_strided_slice %get3A_195 {offsets = [3], sizes = [1], strides = [1]} : vector<16xf32> to vector<1xf32>
          %squeeze3A_350 = vector.extract %slice3A_349[0] : f32 from vector<1xf32>
          %broadcast_in_dim3A_351 = vector.broadcast %squeeze3A_350 : f32 to vector<16xf32>
          %get3A_352 = arith.index_cast %add3A_348 : i32 to index
          %get3A_353 = arith.constant 0 : index
          %get3A_354 = tpu.vector_load %arg9[%get3A_352, %get3A_353] {strides = array<i32>} : memref<128x64xi32, #tpu.memory_space<vmem>>, vector<16xi32>,
          %bitcast_convert_type3A_355 = tpu.bitcast %get3A_354 : vector<16xi32> -> vector<16xf32>
          %add3A_356 = arith.addf %add3A_311, %bitcast_convert_type3A_355 : vector<16xf32>
          %shift_left3A_357 = arith.constant 16 : i32
          %shift_left3A_358 = vector.broadcast %shift_left3A_357 : i32 to vector<16xi32>
          %shift_left3A_359 = arith.shli %get3A_354, %shift_left3A_358 : vector<16xi32>
          %bitcast_convert_type3A_360 = tpu.bitcast %shift_left3A_359 : vector<16xi32> -> vector<16xf32>
          %mul3A_361 = arith.mulf %broadcast_in_dim3A_351, %bitcast_convert_type3A_360 : vector<16xf32>
          %add3A_362 = arith.addf %add3A_356, %mul3A_361 : vector<16xf32>
          %get3A_363 = arith.index_cast %add3A_348 : i32 to index
          %get3A_364 = arith.constant 16 : index
          %get3A_365 = tpu.vector_load %arg9[%get3A_363, %get3A_364] {strides = array<i32>} : memref<128x64xi32, #tpu.memory_space<vmem>>, vector<16xi32>,
          %bitcast_convert_type3A_366 = tpu.bitcast %get3A_365 : vector<16xi32> -> vector<16xf32>
          %add3A_367 = arith.addf %add3A_322, %bitcast_convert_type3A_366 : vector<16xf32>
          %shift_left3A_368 = arith.constant 16 : i32
          %shift_left3A_369 = vector.broadcast %shift_left3A_368 : i32 to vector<16xi32>
          %shift_left3A_370 = arith.shli %get3A_365, %shift_left3A_369 : vector<16xi32>
          %bitcast_convert_type3A_371 = tpu.bitcast %shift_left3A_370 : vector<16xi32> -> vector<16xf32>
          %mul3A_372 = arith.mulf %broadcast_in_dim3A_351, %bitcast_convert_type3A_371 : vector<16xf32>
          %add3A_373 = arith.addf %add3A_367, %mul3A_372 : vector<16xf32>
          %get3A_374 = arith.index_cast %add3A_348 : i32 to index
          %get3A_375 = arith.constant 32 : index
          %get3A_376 = tpu.vector_load %arg9[%get3A_374, %get3A_375] {strides = array<i32>} : memref<128x64xi32, #tpu.memory_space<vmem>>, vector<16xi32>,
          %bitcast_convert_type3A_377 = tpu.bitcast %get3A_376 : vector<16xi32> -> vector<16xf32>
          %add3A_378 = arith.addf %add3A_333, %bitcast_convert_type3A_377 : vector<16xf32>
          %shift_left3A_379 = arith.constant 16 : i32
          %shift_left3A_380 = vector.broadcast %shift_left3A_379 : i32 to vector<16xi32>
          %shift_left3A_381 = arith.shli %get3A_376, %shift_left3A_380 : vector<16xi32>
          %bitcast_convert_type3A_382 = tpu.bitcast %shift_left3A_381 : vector<16xi32> -> vector<16xf32>
          %mul3A_383 = arith.mulf %broadcast_in_dim3A_351, %bitcast_convert_type3A_382 : vector<16xf32>
          %add3A_384 = arith.addf %add3A_378, %mul3A_383 : vector<16xf32>
          %get3A_385 = arith.index_cast %add3A_348 : i32 to index
          %get3A_386 = arith.constant 48 : index
          %get3A_387 = tpu.vector_load %arg9[%get3A_385, %get3A_386] {strides = array<i32>} : memref<128x64xi32, #tpu.memory_space<vmem>>, vector<16xi32>,
          %bitcast_convert_type3A_388 = tpu.bitcast %get3A_387 : vector<16xi32> -> vector<16xf32>
          %add3A_389 = arith.addf %add3A_344, %bitcast_convert_type3A_388 : vector<16xf32>
          %shift_left3A_390 = arith.constant 16 : i32
          %shift_left3A_391 = vector.broadcast %shift_left3A_390 : i32 to vector<16xi32>
          %shift_left3A_392 = arith.shli %get3A_387, %shift_left3A_391 : vector<16xi32>
          %bitcast_convert_type3A_393 = tpu.bitcast %shift_left3A_392 : vector<16xi32> -> vector<16xf32>
          %mul3A_394 = arith.mulf %broadcast_in_dim3A_351, %bitcast_convert_type3A_393 : vector<16xf32>
          %add3A_395 = arith.addf %add3A_389, %mul3A_394 : vector<16xf32>
          scf.yield %add3A_362, %add3A_373, %add3A_384, %add3A_395 : vector<16xf32>, vector<16xf32>, vector<16xf32>, vector<16xf32>
        }
        %scan3A_98 = arith.constant 32 : i32
        %swap3A_99 = arith.index_cast %add3A_90 : i32 to index
        %swap3A_100 = arith.constant 0 : index
        %swap3A_101 = tpu.vector_load %arg12[%swap3A_99, %swap3A_100] {strides = array<i32>} : memref<16x64xf32, #tpu.memory_space<vmem>>, vector<16xf32>,
        tpu.vector_store %arg12[%swap3A_99, %swap3A_100], %scan3A_97#0 {strides = array<i32>} : memref<16x64xf32, #tpu.memory_space<vmem>>, vector<16xf32>,
        %swap3A_102 = arith.index_cast %add3A_90 : i32 to index
        %swap3A_103 = arith.constant 16 : index
        %swap3A_104 = tpu.vector_load %arg12[%swap3A_102, %swap3A_103] {strides = array<i32>} : memref<16x64xf32, #tpu.memory_space<vmem>>, vector<16xf32>,
        tpu.vector_store %arg12[%swap3A_102, %swap3A_103], %scan3A_97#1 {strides = array<i32>} : memref<16x64xf32, #tpu.memory_space<vmem>>, vector<16xf32>,
        %swap3A_105 = arith.index_cast %add3A_90 : i32 to index
        %swap3A_106 = arith.constant 32 : index
        %swap3A_107 = tpu.vector_load %arg12[%swap3A_105, %swap3A_106] {strides = array<i32>} : memref<16x64xf32, #tpu.memory_space<vmem>>, vector<16xf32>,
        tpu.vector_store %arg12[%swap3A_105, %swap3A_106], %scan3A_97#2 {strides = array<i32>} : memref<16x64xf32, #tpu.memory_space<vmem>>, vector<16xf32>,
        %swap3A_108 = arith.index_cast %add3A_90 : i32 to index
        %swap3A_109 = arith.constant 48 : index
        %swap3A_110 = tpu.vector_load %arg12[%swap3A_108, %swap3A_109] {strides = array<i32>} : memref<16x64xf32, #tpu.memory_space<vmem>>, vector<16xf32>,
        tpu.vector_store %arg12[%swap3A_108, %swap3A_109], %scan3A_97#3 {strides = array<i32>} : memref<16x64xf32, #tpu.memory_space<vmem>>, vector<16xf32>,
        %dma_wait3A_111 = arith.constant 0 : i32
        %dma_wait3A_112 = arith.constant 0 : i32
        %dma_wait3A_113 = tpu.memref_slice %arg2[%dma_wait3A_111, %dma_wait3A_112] : memref<128000x64xi32, #tpu.memory_space<hbm>> -> memref<128x64xi32, #tpu.memory_space<hbm>>
        %dma_wait3A_114 = arith.constant 0 : i32
        %dma_wait3A_115 = arith.constant 0 : i32
        %dma_wait3A_116 = tpu.memref_slice %arg2[%dma_wait3A_114, %dma_wait3A_115] : memref<128000x64xi32, #tpu.memory_space<hbm>> -> memref<128x64xi32, #tpu.memory_space<hbm>>
        tpu.wait_dma2 semaphore(%arg15 : memref<!tpu.dma_semaphore, #tpu.memory_space<semaphore_mem>>) src(%dma_wait3A_116 : memref<128x64xi32, #tpu.memory_space<hbm>>) dst(%arg10 : memref<128x64xi32, #tpu.memory_space<vmem>>)
        %add3A_117 = arith.constant 2 : i32
        %add3A_118 = arith.addi %mul3A_42, %add3A_117 : i32
        %add3A_119 = arith.constant 3 : i32
        %add3A_120 = arith.addi %add3A_118, %add3A_119 : i32
        %lt3A_121 = arith.constant 16 : i32
        %lt3A_122 = arith.cmpi slt, %add3A_120, %lt3A_121 : i32
        %convert_element_type3A_123 = arith.extui %lt3A_122 : i1 to i32
        %cond3A_124 = arith.constant 0 : i32
        %cond3A_125 = arith.cmpi ne, %convert_element_type3A_123, %cond3A_124 : i32
        scf.if %cond3A_125 {
          %add3A_185 = arith.constant 2 : i32
          %add3A_186 = arith.addi %mul3A_42, %add3A_185 : i32
          %add3A_187 = arith.constant 3 : i32
          %add3A_188 = arith.addi %add3A_186, %add3A_187 : i32
          %dma_start3A_189 = arith.constant 0 : i32
          %dma_start3A_190 = tpu.memref_slice %arg6[%add3A_188, %dma_start3A_189] : memref<16x128xi32, #tpu.memory_space<vmem>> -> memref<1x128xi32, #tpu.memory_space<vmem>>
          %dma_start3A_191 = tpu.memref_squeeze %dma_start3A_190 : memref<1x128xi32, #tpu.memory_space<vmem>> -> memref<128xi32, #tpu.memory_space<vmem>>
          %dma_start3A_192 = arith.constant 0 : i32
          %dma_start3A_193 = arith.constant 0 : i32
          %dma_start3A_194 = tpu.memref_slice %arg2[%dma_start3A_192, %dma_start3A_193] : memref<128000x64xi32, #tpu.memory_space<hbm>> -> memref<128000x64xi32, #tpu.memory_space<hbm>>
          tpu.enqueue_indirect_dma source(%dma_start3A_194 : memref<128000x64xi32, #tpu.memory_space<hbm>>) target(%arg9 : memref<128x64xi32, #tpu.memory_space<vmem>>) offsets(%dma_start3A_191 : memref<128xi32, #tpu.memory_space<vmem>>) semaphore(%arg14 : memref<!tpu.dma_semaphore, #tpu.memory_space<semaphore_mem>>)
        } else {
        }
        %add3A_126 = arith.constant 2 : i32
        %add3A_127 = arith.addi %mul3A_42, %add3A_126 : i32
        %broadcast_in_dim3A_128 = arith.constant 0.000000e+00 : f32
        %broadcast_in_dim3A_129 = vector.broadcast %broadcast_in_dim3A_128 : f32 to vector<16xf32>
        %scan3A_130 = arith.constant 0 : i32
        %scan3A_131 = arith.constant 32 : i32
        %scan3A_132 = arith.addi %scan3A_130, %scan3A_131 : i32
        %scan3A_133 = arith.constant 1 : i32
        %scan3A_134:4 = scf.for %scan3A_185 = %scan3A_130 to %scan3A_132 step %scan3A_133 iter_args(%scan3A_186 = %broadcast_in_dim3A_129, %scan3A_187 = %broadcast_in_dim3A_129, %scan3A_188 = %broadcast_in_dim3A_129, %scan3A_189 = %broadcast_in_dim3A_129) -> (vector<16xf32>, vector<16xf32>, vector<16xf32>, vector<16xf32>)  : i32 {
          %mul3A_190 = arith.constant 128 : i32
          %mul3A_191 = arith.muli %add3A_127, %mul3A_190 : i32
          %mul3A_192 = arith.constant 4 : i32
          %mul3A_193 = arith.muli %scan3A_185, %mul3A_192 : i32
          %add3A_194 = arith.addi %mul3A_191, %mul3A_193 : i32
          %get3A = arith.index_cast %add3A_194 : i32 to index
          %get3A_195 = tpu.vector_load %arg7[%get3A] {strides = array<i32>} : memref<2064xf32, #tpu.memory_space<vmem>>, vector<16xf32>,
          %mul3A_196 = arith.constant 4 : i32
          %mul3A_197 = arith.muli %scan3A_185, %mul3A_196 : i32
          %add3A_198 = arith.constant 0 : i32
          %add3A_199 = arith.addi %mul3A_197, %add3A_198 : i32
          %slice3A = vector.extract_strided_slice %get3A_195 {offsets = [0], sizes = [1], strides = [1]} : vector<16xf32> to vector<1xf32>
          %squeeze3A = vector.extract %slice3A[0] : f32 from vector<1xf32>
          %broadcast_in_dim3A_200 = vector.broadcast %squeeze3A : f32 to vector<16xf32>
          %get3A_201 = arith.index_cast %add3A_199 : i32 to index
          %get3A_202 = arith.constant 0 : index
          %get3A_203 = tpu.vector_load %arg10[%get3A_201, %get3A_202] {strides = array<i32>} : memref<128x64xi32, #tpu.memory_space<vmem>>, vector<16xi32>,
          %bitcast_convert_type3A = tpu.bitcast %get3A_203 : vector<16xi32> -> vector<16xf32>
          %add3A_204 = arith.addf %scan3A_186, %bitcast_convert_type3A : vector<16xf32>
          %shift_left3A = arith.constant 16 : i32
          %shift_left3A_205 = vector.broadcast %shift_left3A : i32 to vector<16xi32>
          %shift_left3A_206 = arith.shli %get3A_203, %shift_left3A_205 : vector<16xi32>
          %bitcast_convert_type3A_207 = tpu.bitcast %shift_left3A_206 : vector<16xi32> -> vector<16xf32>
          %mul3A_208 = arith.mulf %broadcast_in_dim3A_200, %bitcast_convert_type3A_207 : vector<16xf32>
          %add3A_209 = arith.addf %add3A_204, %mul3A_208 : vector<16xf32>
          %get3A_210 = arith.index_cast %add3A_199 : i32 to index
          %get3A_211 = arith.constant 16 : index
          %get3A_212 = tpu.vector_load %arg10[%get3A_210, %get3A_211] {strides = array<i32>} : memref<128x64xi32, #tpu.memory_space<vmem>>, vector<16xi32>,
          %bitcast_convert_type3A_213 = tpu.bitcast %get3A_212 : vector<16xi32> -> vector<16xf32>
          %add3A_214 = arith.addf %scan3A_187, %bitcast_convert_type3A_213 : vector<16xf32>
          %shift_left3A_215 = arith.constant 16 : i32
          %shift_left3A_216 = vector.broadcast %shift_left3A_215 : i32 to vector<16xi32>
          %shift_left3A_217 = arith.shli %get3A_212, %shift_left3A_216 : vector<16xi32>
          %bitcast_convert_type3A_218 = tpu.bitcast %shift_left3A_217 : vector<16xi32> -> vector<16xf32>
          %mul3A_219 = arith.mulf %broadcast_in_dim3A_200, %bitcast_convert_type3A_218 : vector<16xf32>
          %add3A_220 = arith.addf %add3A_214, %mul3A_219 : vector<16xf32>
          %get3A_221 = arith.index_cast %add3A_199 : i32 to index
          %get3A_222 = arith.constant 32 : index
          %get3A_223 = tpu.vector_load %arg10[%get3A_221, %get3A_222] {strides = array<i32>} : memref<128x64xi32, #tpu.memory_space<vmem>>, vector<16xi32>,
          %bitcast_convert_type3A_224 = tpu.bitcast %get3A_223 : vector<16xi32> -> vector<16xf32>
          %add3A_225 = arith.addf %scan3A_188, %bitcast_convert_type3A_224 : vector<16xf32>
          %shift_left3A_226 = arith.constant 16 : i32
          %shift_left3A_227 = vector.broadcast %shift_left3A_226 : i32 to vector<16xi32>
          %shift_left3A_228 = arith.shli %get3A_223, %shift_left3A_227 : vector<16xi32>
          %bitcast_convert_type3A_229 = tpu.bitcast %shift_left3A_228 : vector<16xi32> -> vector<16xf32>
          %mul3A_230 = arith.mulf %broadcast_in_dim3A_200, %bitcast_convert_type3A_229 : vector<16xf32>
          %add3A_231 = arith.addf %add3A_225, %mul3A_230 : vector<16xf32>
          %get3A_232 = arith.index_cast %add3A_199 : i32 to index
          %get3A_233 = arith.constant 48 : index
          %get3A_234 = tpu.vector_load %arg10[%get3A_232, %get3A_233] {strides = array<i32>} : memref<128x64xi32, #tpu.memory_space<vmem>>, vector<16xi32>,
          %bitcast_convert_type3A_235 = tpu.bitcast %get3A_234 : vector<16xi32> -> vector<16xf32>
          %add3A_236 = arith.addf %scan3A_189, %bitcast_convert_type3A_235 : vector<16xf32>
          %shift_left3A_237 = arith.constant 16 : i32
          %shift_left3A_238 = vector.broadcast %shift_left3A_237 : i32 to vector<16xi32>
          %shift_left3A_239 = arith.shli %get3A_234, %shift_left3A_238 : vector<16xi32>
          %bitcast_convert_type3A_240 = tpu.bitcast %shift_left3A_239 : vector<16xi32> -> vector<16xf32>
          %mul3A_241 = arith.mulf %broadcast_in_dim3A_200, %bitcast_convert_type3A_240 : vector<16xf32>
          %add3A_242 = arith.addf %add3A_236, %mul3A_241 : vector<16xf32>
          %mul3A_243 = arith.constant 4 : i32
          %mul3A_244 = arith.muli %scan3A_185, %mul3A_243 : i32
          %add3A_245 = arith.constant 1 : i32
          %add3A_246 = arith.addi %mul3A_244, %add3A_245 : i32
          %slice3A_247 = vector.extract_strided_slice %get3A_195 {offsets = [1], sizes = [1], strides = [1]} : vector<16xf32> to vector<1xf32>
          %squeeze3A_248 = vector.extract %slice3A_247[0] : f32 from vector<1xf32>
          %broadcast_in_dim3A_249 = vector.broadcast %squeeze3A_248 : f32 to vector<16xf32>
          %get3A_250 = arith.index_cast %add3A_246 : i32 to index
          %get3A_251 = arith.constant 0 : index
          %get3A_252 = tpu.vector_load %arg10[%get3A_250, %get3A_251] {strides = array<i32>} : memref<128x64xi32, #tpu.memory_space<vmem>>, vector<16xi32>,
          %bitcast_convert_type3A_253 = tpu.bitcast %get3A_252 : vector<16xi32> -> vector<16xf32>
          %add3A_254 = arith.addf %add3A_209, %bitcast_convert_type3A_253 : vector<16xf32>
          %shift_left3A_255 = arith.constant 16 : i32
          %shift_left3A_256 = vector.broadcast %shift_left3A_255 : i32 to vector<16xi32>
          %shift_left3A_257 = arith.shli %get3A_252, %shift_left3A_256 : vector<16xi32>
          %bitcast_convert_type3A_258 = tpu.bitcast %shift_left3A_257 : vector<16xi32> -> vector<16xf32>
          %mul3A_259 = arith.mulf %broadcast_in_dim3A_249, %bitcast_convert_type3A_258 : vector<16xf32>
          %add3A_260 = arith.addf %add3A_254, %mul3A_259 : vector<16xf32>
          %get3A_261 = arith.index_cast %add3A_246 : i32 to index
          %get3A_262 = arith.constant 16 : index
          %get3A_263 = tpu.vector_load %arg10[%get3A_261, %get3A_262] {strides = array<i32>} : memref<128x64xi32, #tpu.memory_space<vmem>>, vector<16xi32>,
          %bitcast_convert_type3A_264 = tpu.bitcast %get3A_263 : vector<16xi32> -> vector<16xf32>
          %add3A_265 = arith.addf %add3A_220, %bitcast_convert_type3A_264 : vector<16xf32>
          %shift_left3A_266 = arith.constant 16 : i32
          %shift_left3A_267 = vector.broadcast %shift_left3A_266 : i32 to vector<16xi32>
          %shift_left3A_268 = arith.shli %get3A_263, %shift_left3A_267 : vector<16xi32>
          %bitcast_convert_type3A_269 = tpu.bitcast %shift_left3A_268 : vector<16xi32> -> vector<16xf32>
          %mul3A_270 = arith.mulf %broadcast_in_dim3A_249, %bitcast_convert_type3A_269 : vector<16xf32>
          %add3A_271 = arith.addf %add3A_265, %mul3A_270 : vector<16xf32>
          %get3A_272 = arith.index_cast %add3A_246 : i32 to index
          %get3A_273 = arith.constant 32 : index
          %get3A_274 = tpu.vector_load %arg10[%get3A_272, %get3A_273] {strides = array<i32>} : memref<128x64xi32, #tpu.memory_space<vmem>>, vector<16xi32>,
          %bitcast_convert_type3A_275 = tpu.bitcast %get3A_274 : vector<16xi32> -> vector<16xf32>
          %add3A_276 = arith.addf %add3A_231, %bitcast_convert_type3A_275 : vector<16xf32>
          %shift_left3A_277 = arith.constant 16 : i32
          %shift_left3A_278 = vector.broadcast %shift_left3A_277 : i32 to vector<16xi32>
          %shift_left3A_279 = arith.shli %get3A_274, %shift_left3A_278 : vector<16xi32>
          %bitcast_convert_type3A_280 = tpu.bitcast %shift_left3A_279 : vector<16xi32> -> vector<16xf32>
          %mul3A_281 = arith.mulf %broadcast_in_dim3A_249, %bitcast_convert_type3A_280 : vector<16xf32>
          %add3A_282 = arith.addf %add3A_276, %mul3A_281 : vector<16xf32>
          %get3A_283 = arith.index_cast %add3A_246 : i32 to index
          %get3A_284 = arith.constant 48 : index
          %get3A_285 = tpu.vector_load %arg10[%get3A_283, %get3A_284] {strides = array<i32>} : memref<128x64xi32, #tpu.memory_space<vmem>>, vector<16xi32>,
          %bitcast_convert_type3A_286 = tpu.bitcast %get3A_285 : vector<16xi32> -> vector<16xf32>
          %add3A_287 = arith.addf %add3A_242, %bitcast_convert_type3A_286 : vector<16xf32>
          %shift_left3A_288 = arith.constant 16 : i32
          %shift_left3A_289 = vector.broadcast %shift_left3A_288 : i32 to vector<16xi32>
          %shift_left3A_290 = arith.shli %get3A_285, %shift_left3A_289 : vector<16xi32>
          %bitcast_convert_type3A_291 = tpu.bitcast %shift_left3A_290 : vector<16xi32> -> vector<16xf32>
          %mul3A_292 = arith.mulf %broadcast_in_dim3A_249, %bitcast_convert_type3A_291 : vector<16xf32>
          %add3A_293 = arith.addf %add3A_287, %mul3A_292 : vector<16xf32>
          %mul3A_294 = arith.constant 4 : i32
          %mul3A_295 = arith.muli %scan3A_185, %mul3A_294 : i32
          %add3A_296 = arith.constant 2 : i32
          %add3A_297 = arith.addi %mul3A_295, %add3A_296 : i32
          %slice3A_298 = vector.extract_strided_slice %get3A_195 {offsets = [2], sizes = [1], strides = [1]} : vector<16xf32> to vector<1xf32>
          %squeeze3A_299 = vector.extract %slice3A_298[0] : f32 from vector<1xf32>
          %broadcast_in_dim3A_300 = vector.broadcast %squeeze3A_299 : f32 to vector<16xf32>
          %get3A_301 = arith.index_cast %add3A_297 : i32 to index
          %get3A_302 = arith.constant 0 : index
          %get3A_303 = tpu.vector_load %arg10[%get3A_301, %get3A_302] {strides = array<i32>} : memref<128x64xi32, #tpu.memory_space<vmem>>, vector<16xi32>,
          %bitcast_convert_type3A_304 = tpu.bitcast %get3A_303 : vector<16xi32> -> vector<16xf32>
          %add3A_305 = arith.addf %add3A_260, %bitcast_convert_type3A_304 : vector<16xf32>
          %shift_left3A_306 = arith.constant 16 : i32
          %shift_left3A_307 = vector.broadcast %shift_left3A_306 : i32 to vector<16xi32>
          %shift_left3A_308 = arith.shli %get3A_303, %shift_left3A_307 : vector<16xi32>
          %bitcast_convert_type3A_309 = tpu.bitcast %shift_left3A_308 : vector<16xi32> -> vector<16xf32>
          %mul3A_310 = arith.mulf %broadcast_in_dim3A_300, %bitcast_convert_type3A_309 : vector<16xf32>
          %add3A_311 = arith.addf %add3A_305, %mul3A_310 : vector<16xf32>
          %get3A_312 = arith.index_cast %add3A_297 : i32 to index
          %get3A_313 = arith.constant 16 : index
          %get3A_314 = tpu.vector_load %arg10[%get3A_312, %get3A_313] {strides = array<i32>} : memref<128x64xi32, #tpu.memory_space<vmem>>, vector<16xi32>,
          %bitcast_convert_type3A_315 = tpu.bitcast %get3A_314 : vector<16xi32> -> vector<16xf32>
          %add3A_316 = arith.addf %add3A_271, %bitcast_convert_type3A_315 : vector<16xf32>
          %shift_left3A_317 = arith.constant 16 : i32
          %shift_left3A_318 = vector.broadcast %shift_left3A_317 : i32 to vector<16xi32>
          %shift_left3A_319 = arith.shli %get3A_314, %shift_left3A_318 : vector<16xi32>
          %bitcast_convert_type3A_320 = tpu.bitcast %shift_left3A_319 : vector<16xi32> -> vector<16xf32>
          %mul3A_321 = arith.mulf %broadcast_in_dim3A_300, %bitcast_convert_type3A_320 : vector<16xf32>
          %add3A_322 = arith.addf %add3A_316, %mul3A_321 : vector<16xf32>
          %get3A_323 = arith.index_cast %add3A_297 : i32 to index
          %get3A_324 = arith.constant 32 : index
          %get3A_325 = tpu.vector_load %arg10[%get3A_323, %get3A_324] {strides = array<i32>} : memref<128x64xi32, #tpu.memory_space<vmem>>, vector<16xi32>,
          %bitcast_convert_type3A_326 = tpu.bitcast %get3A_325 : vector<16xi32> -> vector<16xf32>
          %add3A_327 = arith.addf %add3A_282, %bitcast_convert_type3A_326 : vector<16xf32>
          %shift_left3A_328 = arith.constant 16 : i32
          %shift_left3A_329 = vector.broadcast %shift_left3A_328 : i32 to vector<16xi32>
          %shift_left3A_330 = arith.shli %get3A_325, %shift_left3A_329 : vector<16xi32>
          %bitcast_convert_type3A_331 = tpu.bitcast %shift_left3A_330 : vector<16xi32> -> vector<16xf32>
          %mul3A_332 = arith.mulf %broadcast_in_dim3A_300, %bitcast_convert_type3A_331 : vector<16xf32>
          %add3A_333 = arith.addf %add3A_327, %mul3A_332 : vector<16xf32>
          %get3A_334 = arith.index_cast %add3A_297 : i32 to index
          %get3A_335 = arith.constant 48 : index
          %get3A_336 = tpu.vector_load %arg10[%get3A_334, %get3A_335] {strides = array<i32>} : memref<128x64xi32, #tpu.memory_space<vmem>>, vector<16xi32>,
          %bitcast_convert_type3A_337 = tpu.bitcast %get3A_336 : vector<16xi32> -> vector<16xf32>
          %add3A_338 = arith.addf %add3A_293, %bitcast_convert_type3A_337 : vector<16xf32>
          %shift_left3A_339 = arith.constant 16 : i32
          %shift_left3A_340 = vector.broadcast %shift_left3A_339 : i32 to vector<16xi32>
          %shift_left3A_341 = arith.shli %get3A_336, %shift_left3A_340 : vector<16xi32>
          %bitcast_convert_type3A_342 = tpu.bitcast %shift_left3A_341 : vector<16xi32> -> vector<16xf32>
          %mul3A_343 = arith.mulf %broadcast_in_dim3A_300, %bitcast_convert_type3A_342 : vector<16xf32>
          %add3A_344 = arith.addf %add3A_338, %mul3A_343 : vector<16xf32>
          %mul3A_345 = arith.constant 4 : i32
          %mul3A_346 = arith.muli %scan3A_185, %mul3A_345 : i32
          %add3A_347 = arith.constant 3 : i32
          %add3A_348 = arith.addi %mul3A_346, %add3A_347 : i32
          %slice3A_349 = vector.extract_strided_slice %get3A_195 {offsets = [3], sizes = [1], strides = [1]} : vector<16xf32> to vector<1xf32>
          %squeeze3A_350 = vector.extract %slice3A_349[0] : f32 from vector<1xf32>
          %broadcast_in_dim3A_351 = vector.broadcast %squeeze3A_350 : f32 to vector<16xf32>
          %get3A_352 = arith.index_cast %add3A_348 : i32 to index
          %get3A_353 = arith.constant 0 : index
          %get3A_354 = tpu.vector_load %arg10[%get3A_352, %get3A_353] {strides = array<i32>} : memref<128x64xi32, #tpu.memory_space<vmem>>, vector<16xi32>,
          %bitcast_convert_type3A_355 = tpu.bitcast %get3A_354 : vector<16xi32> -> vector<16xf32>
          %add3A_356 = arith.addf %add3A_311, %bitcast_convert_type3A_355 : vector<16xf32>
          %shift_left3A_357 = arith.constant 16 : i32
          %shift_left3A_358 = vector.broadcast %shift_left3A_357 : i32 to vector<16xi32>
          %shift_left3A_359 = arith.shli %get3A_354, %shift_left3A_358 : vector<16xi32>
          %bitcast_convert_type3A_360 = tpu.bitcast %shift_left3A_359 : vector<16xi32> -> vector<16xf32>
          %mul3A_361 = arith.mulf %broadcast_in_dim3A_351, %bitcast_convert_type3A_360 : vector<16xf32>
          %add3A_362 = arith.addf %add3A_356, %mul3A_361 : vector<16xf32>
          %get3A_363 = arith.index_cast %add3A_348 : i32 to index
          %get3A_364 = arith.constant 16 : index
          %get3A_365 = tpu.vector_load %arg10[%get3A_363, %get3A_364] {strides = array<i32>} : memref<128x64xi32, #tpu.memory_space<vmem>>, vector<16xi32>,
          %bitcast_convert_type3A_366 = tpu.bitcast %get3A_365 : vector<16xi32> -> vector<16xf32>
          %add3A_367 = arith.addf %add3A_322, %bitcast_convert_type3A_366 : vector<16xf32>
          %shift_left3A_368 = arith.constant 16 : i32
          %shift_left3A_369 = vector.broadcast %shift_left3A_368 : i32 to vector<16xi32>
          %shift_left3A_370 = arith.shli %get3A_365, %shift_left3A_369 : vector<16xi32>
          %bitcast_convert_type3A_371 = tpu.bitcast %shift_left3A_370 : vector<16xi32> -> vector<16xf32>
          %mul3A_372 = arith.mulf %broadcast_in_dim3A_351, %bitcast_convert_type3A_371 : vector<16xf32>
          %add3A_373 = arith.addf %add3A_367, %mul3A_372 : vector<16xf32>
          %get3A_374 = arith.index_cast %add3A_348 : i32 to index
          %get3A_375 = arith.constant 32 : index
          %get3A_376 = tpu.vector_load %arg10[%get3A_374, %get3A_375] {strides = array<i32>} : memref<128x64xi32, #tpu.memory_space<vmem>>, vector<16xi32>,
          %bitcast_convert_type3A_377 = tpu.bitcast %get3A_376 : vector<16xi32> -> vector<16xf32>
          %add3A_378 = arith.addf %add3A_333, %bitcast_convert_type3A_377 : vector<16xf32>
          %shift_left3A_379 = arith.constant 16 : i32
          %shift_left3A_380 = vector.broadcast %shift_left3A_379 : i32 to vector<16xi32>
          %shift_left3A_381 = arith.shli %get3A_376, %shift_left3A_380 : vector<16xi32>
          %bitcast_convert_type3A_382 = tpu.bitcast %shift_left3A_381 : vector<16xi32> -> vector<16xf32>
          %mul3A_383 = arith.mulf %broadcast_in_dim3A_351, %bitcast_convert_type3A_382 : vector<16xf32>
          %add3A_384 = arith.addf %add3A_378, %mul3A_383 : vector<16xf32>
          %get3A_385 = arith.index_cast %add3A_348 : i32 to index
          %get3A_386 = arith.constant 48 : index
          %get3A_387 = tpu.vector_load %arg10[%get3A_385, %get3A_386] {strides = array<i32>} : memref<128x64xi32, #tpu.memory_space<vmem>>, vector<16xi32>,
          %bitcast_convert_type3A_388 = tpu.bitcast %get3A_387 : vector<16xi32> -> vector<16xf32>
          %add3A_389 = arith.addf %add3A_344, %bitcast_convert_type3A_388 : vector<16xf32>
          %shift_left3A_390 = arith.constant 16 : i32
          %shift_left3A_391 = vector.broadcast %shift_left3A_390 : i32 to vector<16xi32>
          %shift_left3A_392 = arith.shli %get3A_387, %shift_left3A_391 : vector<16xi32>
          %bitcast_convert_type3A_393 = tpu.bitcast %shift_left3A_392 : vector<16xi32> -> vector<16xf32>
          %mul3A_394 = arith.mulf %broadcast_in_dim3A_351, %bitcast_convert_type3A_393 : vector<16xf32>
          %add3A_395 = arith.addf %add3A_389, %mul3A_394 : vector<16xf32>
          scf.yield %add3A_362, %add3A_373, %add3A_384, %add3A_395 : vector<16xf32>, vector<16xf32>, vector<16xf32>, vector<16xf32>
        }
        %scan3A_135 = arith.constant 32 : i32
        %swap3A_136 = arith.index_cast %add3A_127 : i32 to index
        %swap3A_137 = arith.constant 0 : index
        %swap3A_138 = tpu.vector_load %arg12[%swap3A_136, %swap3A_137] {strides = array<i32>} : memref<16x64xf32, #tpu.memory_space<vmem>>, vector<16xf32>,
        tpu.vector_store %arg12[%swap3A_136, %swap3A_137], %scan3A_134#0 {strides = array<i32>} : memref<16x64xf32, #tpu.memory_space<vmem>>, vector<16xf32>,
        %swap3A_139 = arith.index_cast %add3A_127 : i32 to index
        %swap3A_140 = arith.constant 16 : index
        %swap3A_141 = tpu.vector_load %arg12[%swap3A_139, %swap3A_140] {strides = array<i32>} : memref<16x64xf32, #tpu.memory_space<vmem>>, vector<16xf32>,
        tpu.vector_store %arg12[%swap3A_139, %swap3A_140], %scan3A_134#1 {strides = array<i32>} : memref<16x64xf32, #tpu.memory_space<vmem>>, vector<16xf32>,
        %swap3A_142 = arith.index_cast %add3A_127 : i32 to index
        %swap3A_143 = arith.constant 32 : index
        %swap3A_144 = tpu.vector_load %arg12[%swap3A_142, %swap3A_143] {strides = array<i32>} : memref<16x64xf32, #tpu.memory_space<vmem>>, vector<16xf32>,
        tpu.vector_store %arg12[%swap3A_142, %swap3A_143], %scan3A_134#2 {strides = array<i32>} : memref<16x64xf32, #tpu.memory_space<vmem>>, vector<16xf32>,
        %swap3A_145 = arith.index_cast %add3A_127 : i32 to index
        %swap3A_146 = arith.constant 48 : index
        %swap3A_147 = tpu.vector_load %arg12[%swap3A_145, %swap3A_146] {strides = array<i32>} : memref<16x64xf32, #tpu.memory_space<vmem>>, vector<16xf32>,
        tpu.vector_store %arg12[%swap3A_145, %swap3A_146], %scan3A_134#3 {strides = array<i32>} : memref<16x64xf32, #tpu.memory_space<vmem>>, vector<16xf32>,
        %dma_wait3A_148 = arith.constant 0 : i32
        %dma_wait3A_149 = arith.constant 0 : i32
        %dma_wait3A_150 = tpu.memref_slice %arg2[%dma_wait3A_148, %dma_wait3A_149] : memref<128000x64xi32, #tpu.memory_space<hbm>> -> memref<128x64xi32, #tpu.memory_space<hbm>>
        %dma_wait3A_151 = arith.constant 0 : i32
        %dma_wait3A_152 = arith.constant 0 : i32
        %dma_wait3A_153 = tpu.memref_slice %arg2[%dma_wait3A_151, %dma_wait3A_152] : memref<128000x64xi32, #tpu.memory_space<hbm>> -> memref<128x64xi32, #tpu.memory_space<hbm>>
        tpu.wait_dma2 semaphore(%arg16 : memref<!tpu.dma_semaphore, #tpu.memory_space<semaphore_mem>>) src(%dma_wait3A_153 : memref<128x64xi32, #tpu.memory_space<hbm>>) dst(%arg11 : memref<128x64xi32, #tpu.memory_space<vmem>>)
        %add3A_154 = arith.constant 3 : i32
        %add3A_155 = arith.addi %mul3A_42, %add3A_154 : i32
        %add3A_156 = arith.constant 3 : i32
        %add3A_157 = arith.addi %add3A_155, %add3A_156 : i32
        %lt3A_158 = arith.constant 16 : i32
        %lt3A_159 = arith.cmpi slt, %add3A_157, %lt3A_158 : i32
        %convert_element_type3A_160 = arith.extui %lt3A_159 : i1 to i32
        %cond3A_161 = arith.constant 0 : i32
        %cond3A_162 = arith.cmpi ne, %convert_element_type3A_160, %cond3A_161 : i32
        scf.if %cond3A_162 {
          %add3A_185 = arith.constant 3 : i32
          %add3A_186 = arith.addi %mul3A_42, %add3A_185 : i32
          %add3A_187 = arith.constant 3 : i32
          %add3A_188 = arith.addi %add3A_186, %add3A_187 : i32
          %dma_start3A_189 = arith.constant 0 : i32
          %dma_start3A_190 = tpu.memref_slice %arg6[%add3A_188, %dma_start3A_189] : memref<16x128xi32, #tpu.memory_space<vmem>> -> memref<1x128xi32, #tpu.memory_space<vmem>>
          %dma_start3A_191 = tpu.memref_squeeze %dma_start3A_190 : memref<1x128xi32, #tpu.memory_space<vmem>> -> memref<128xi32, #tpu.memory_space<vmem>>
          %dma_start3A_192 = arith.constant 0 : i32
          %dma_start3A_193 = arith.constant 0 : i32
          %dma_start3A_194 = tpu.memref_slice %arg2[%dma_start3A_192, %dma_start3A_193] : memref<128000x64xi32, #tpu.memory_space<hbm>> -> memref<128000x64xi32, #tpu.memory_space<hbm>>
          tpu.enqueue_indirect_dma source(%dma_start3A_194 : memref<128000x64xi32, #tpu.memory_space<hbm>>) target(%arg10 : memref<128x64xi32, #tpu.memory_space<vmem>>) offsets(%dma_start3A_191 : memref<128xi32, #tpu.memory_space<vmem>>) semaphore(%arg15 : memref<!tpu.dma_semaphore, #tpu.memory_space<semaphore_mem>>)
        } else {
        }
        %add3A_163 = arith.constant 3 : i32
        %add3A_164 = arith.addi %mul3A_42, %add3A_163 : i32
        %broadcast_in_dim3A_165 = arith.constant 0.000000e+00 : f32
        %broadcast_in_dim3A_166 = vector.broadcast %broadcast_in_dim3A_165 : f32 to vector<16xf32>
        %scan3A_167 = arith.constant 0 : i32
        %scan3A_168 = arith.constant 32 : i32
        %scan3A_169 = arith.addi %scan3A_167, %scan3A_168 : i32
        %scan3A_170 = arith.constant 1 : i32
        %scan3A_171:4 = scf.for %scan3A_185 = %scan3A_167 to %scan3A_169 step %scan3A_170 iter_args(%scan3A_186 = %broadcast_in_dim3A_166, %scan3A_187 = %broadcast_in_dim3A_166, %scan3A_188 = %broadcast_in_dim3A_166, %scan3A_189 = %broadcast_in_dim3A_166) -> (vector<16xf32>, vector<16xf32>, vector<16xf32>, vector<16xf32>)  : i32 {
          %mul3A_190 = arith.constant 128 : i32
          %mul3A_191 = arith.muli %add3A_164, %mul3A_190 : i32
          %mul3A_192 = arith.constant 4 : i32
          %mul3A_193 = arith.muli %scan3A_185, %mul3A_192 : i32
          %add3A_194 = arith.addi %mul3A_191, %mul3A_193 : i32
          %get3A = arith.index_cast %add3A_194 : i32 to index
          %get3A_195 = tpu.vector_load %arg7[%get3A] {strides = array<i32>} : memref<2064xf32, #tpu.memory_space<vmem>>, vector<16xf32>,
          %mul3A_196 = arith.constant 4 : i32
          %mul3A_197 = arith.muli %scan3A_185, %mul3A_196 : i32
          %add3A_198 = arith.constant 0 : i32
          %add3A_199 = arith.addi %mul3A_197, %add3A_198 : i32
          %slice3A = vector.extract_strided_slice %get3A_195 {offsets = [0], sizes = [1], strides = [1]} : vector<16xf32> to vector<1xf32>
          %squeeze3A = vector.extract %slice3A[0] : f32 from vector<1xf32>
          %broadcast_in_dim3A_200 = vector.broadcast %squeeze3A : f32 to vector<16xf32>
          %get3A_201 = arith.index_cast %add3A_199 : i32 to index
          %get3A_202 = arith.constant 0 : index
          %get3A_203 = tpu.vector_load %arg11[%get3A_201, %get3A_202] {strides = array<i32>} : memref<128x64xi32, #tpu.memory_space<vmem>>, vector<16xi32>,
          %bitcast_convert_type3A = tpu.bitcast %get3A_203 : vector<16xi32> -> vector<16xf32>
          %add3A_204 = arith.addf %scan3A_186, %bitcast_convert_type3A : vector<16xf32>
          %shift_left3A = arith.constant 16 : i32
          %shift_left3A_205 = vector.broadcast %shift_left3A : i32 to vector<16xi32>
          %shift_left3A_206 = arith.shli %get3A_203, %shift_left3A_205 : vector<16xi32>
          %bitcast_convert_type3A_207 = tpu.bitcast %shift_left3A_206 : vector<16xi32> -> vector<16xf32>
          %mul3A_208 = arith.mulf %broadcast_in_dim3A_200, %bitcast_convert_type3A_207 : vector<16xf32>
          %add3A_209 = arith.addf %add3A_204, %mul3A_208 : vector<16xf32>
          %get3A_210 = arith.index_cast %add3A_199 : i32 to index
          %get3A_211 = arith.constant 16 : index
          %get3A_212 = tpu.vector_load %arg11[%get3A_210, %get3A_211] {strides = array<i32>} : memref<128x64xi32, #tpu.memory_space<vmem>>, vector<16xi32>,
          %bitcast_convert_type3A_213 = tpu.bitcast %get3A_212 : vector<16xi32> -> vector<16xf32>
          %add3A_214 = arith.addf %scan3A_187, %bitcast_convert_type3A_213 : vector<16xf32>
          %shift_left3A_215 = arith.constant 16 : i32
          %shift_left3A_216 = vector.broadcast %shift_left3A_215 : i32 to vector<16xi32>
          %shift_left3A_217 = arith.shli %get3A_212, %shift_left3A_216 : vector<16xi32>
          %bitcast_convert_type3A_218 = tpu.bitcast %shift_left3A_217 : vector<16xi32> -> vector<16xf32>
          %mul3A_219 = arith.mulf %broadcast_in_dim3A_200, %bitcast_convert_type3A_218 : vector<16xf32>
          %add3A_220 = arith.addf %add3A_214, %mul3A_219 : vector<16xf32>
          %get3A_221 = arith.index_cast %add3A_199 : i32 to index
          %get3A_222 = arith.constant 32 : index
          %get3A_223 = tpu.vector_load %arg11[%get3A_221, %get3A_222] {strides = array<i32>} : memref<128x64xi32, #tpu.memory_space<vmem>>, vector<16xi32>,
          %bitcast_convert_type3A_224 = tpu.bitcast %get3A_223 : vector<16xi32> -> vector<16xf32>
          %add3A_225 = arith.addf %scan3A_188, %bitcast_convert_type3A_224 : vector<16xf32>
          %shift_left3A_226 = arith.constant 16 : i32
          %shift_left3A_227 = vector.broadcast %shift_left3A_226 : i32 to vector<16xi32>
          %shift_left3A_228 = arith.shli %get3A_223, %shift_left3A_227 : vector<16xi32>
          %bitcast_convert_type3A_229 = tpu.bitcast %shift_left3A_228 : vector<16xi32> -> vector<16xf32>
          %mul3A_230 = arith.mulf %broadcast_in_dim3A_200, %bitcast_convert_type3A_229 : vector<16xf32>
          %add3A_231 = arith.addf %add3A_225, %mul3A_230 : vector<16xf32>
          %get3A_232 = arith.index_cast %add3A_199 : i32 to index
          %get3A_233 = arith.constant 48 : index
          %get3A_234 = tpu.vector_load %arg11[%get3A_232, %get3A_233] {strides = array<i32>} : memref<128x64xi32, #tpu.memory_space<vmem>>, vector<16xi32>,
          %bitcast_convert_type3A_235 = tpu.bitcast %get3A_234 : vector<16xi32> -> vector<16xf32>
          %add3A_236 = arith.addf %scan3A_189, %bitcast_convert_type3A_235 : vector<16xf32>
          %shift_left3A_237 = arith.constant 16 : i32
          %shift_left3A_238 = vector.broadcast %shift_left3A_237 : i32 to vector<16xi32>
          %shift_left3A_239 = arith.shli %get3A_234, %shift_left3A_238 : vector<16xi32>
          %bitcast_convert_type3A_240 = tpu.bitcast %shift_left3A_239 : vector<16xi32> -> vector<16xf32>
          %mul3A_241 = arith.mulf %broadcast_in_dim3A_200, %bitcast_convert_type3A_240 : vector<16xf32>
          %add3A_242 = arith.addf %add3A_236, %mul3A_241 : vector<16xf32>
          %mul3A_243 = arith.constant 4 : i32
          %mul3A_244 = arith.muli %scan3A_185, %mul3A_243 : i32
          %add3A_245 = arith.constant 1 : i32
          %add3A_246 = arith.addi %mul3A_244, %add3A_245 : i32
          %slice3A_247 = vector.extract_strided_slice %get3A_195 {offsets = [1], sizes = [1], strides = [1]} : vector<16xf32> to vector<1xf32>
          %squeeze3A_248 = vector.extract %slice3A_247[0] : f32 from vector<1xf32>
          %broadcast_in_dim3A_249 = vector.broadcast %squeeze3A_248 : f32 to vector<16xf32>
          %get3A_250 = arith.index_cast %add3A_246 : i32 to index
          %get3A_251 = arith.constant 0 : index
          %get3A_252 = tpu.vector_load %arg11[%get3A_250, %get3A_251] {strides = array<i32>} : memref<128x64xi32, #tpu.memory_space<vmem>>, vector<16xi32>,
          %bitcast_convert_type3A_253 = tpu.bitcast %get3A_252 : vector<16xi32> -> vector<16xf32>
          %add3A_254 = arith.addf %add3A_209, %bitcast_convert_type3A_253 : vector<16xf32>
          %shift_left3A_255 = arith.constant 16 : i32
          %shift_left3A_256 = vector.broadcast %shift_left3A_255 : i32 to vector<16xi32>
          %shift_left3A_257 = arith.shli %get3A_252, %shift_left3A_256 : vector<16xi32>
          %bitcast_convert_type3A_258 = tpu.bitcast %shift_left3A_257 : vector<16xi32> -> vector<16xf32>
          %mul3A_259 = arith.mulf %broadcast_in_dim3A_249, %bitcast_convert_type3A_258 : vector<16xf32>
          %add3A_260 = arith.addf %add3A_254, %mul3A_259 : vector<16xf32>
          %get3A_261 = arith.index_cast %add3A_246 : i32 to index
          %get3A_262 = arith.constant 16 : index
          %get3A_263 = tpu.vector_load %arg11[%get3A_261, %get3A_262] {strides = array<i32>} : memref<128x64xi32, #tpu.memory_space<vmem>>, vector<16xi32>,
          %bitcast_convert_type3A_264 = tpu.bitcast %get3A_263 : vector<16xi32> -> vector<16xf32>
          %add3A_265 = arith.addf %add3A_220, %bitcast_convert_type3A_264 : vector<16xf32>
          %shift_left3A_266 = arith.constant 16 : i32
          %shift_left3A_267 = vector.broadcast %shift_left3A_266 : i32 to vector<16xi32>
          %shift_left3A_268 = arith.shli %get3A_263, %shift_left3A_267 : vector<16xi32>
          %bitcast_convert_type3A_269 = tpu.bitcast %shift_left3A_268 : vector<16xi32> -> vector<16xf32>
          %mul3A_270 = arith.mulf %broadcast_in_dim3A_249, %bitcast_convert_type3A_269 : vector<16xf32>
          %add3A_271 = arith.addf %add3A_265, %mul3A_270 : vector<16xf32>
          %get3A_272 = arith.index_cast %add3A_246 : i32 to index
          %get3A_273 = arith.constant 32 : index
          %get3A_274 = tpu.vector_load %arg11[%get3A_272, %get3A_273] {strides = array<i32>} : memref<128x64xi32, #tpu.memory_space<vmem>>, vector<16xi32>,
          %bitcast_convert_type3A_275 = tpu.bitcast %get3A_274 : vector<16xi32> -> vector<16xf32>
          %add3A_276 = arith.addf %add3A_231, %bitcast_convert_type3A_275 : vector<16xf32>
          %shift_left3A_277 = arith.constant 16 : i32
          %shift_left3A_278 = vector.broadcast %shift_left3A_277 : i32 to vector<16xi32>
          %shift_left3A_279 = arith.shli %get3A_274, %shift_left3A_278 : vector<16xi32>
          %bitcast_convert_type3A_280 = tpu.bitcast %shift_left3A_279 : vector<16xi32> -> vector<16xf32>
          %mul3A_281 = arith.mulf %broadcast_in_dim3A_249, %bitcast_convert_type3A_280 : vector<16xf32>
          %add3A_282 = arith.addf %add3A_276, %mul3A_281 : vector<16xf32>
          %get3A_283 = arith.index_cast %add3A_246 : i32 to index
          %get3A_284 = arith.constant 48 : index
          %get3A_285 = tpu.vector_load %arg11[%get3A_283, %get3A_284] {strides = array<i32>} : memref<128x64xi32, #tpu.memory_space<vmem>>, vector<16xi32>,
          %bitcast_convert_type3A_286 = tpu.bitcast %get3A_285 : vector<16xi32> -> vector<16xf32>
          %add3A_287 = arith.addf %add3A_242, %bitcast_convert_type3A_286 : vector<16xf32>
          %shift_left3A_288 = arith.constant 16 : i32
          %shift_left3A_289 = vector.broadcast %shift_left3A_288 : i32 to vector<16xi32>
          %shift_left3A_290 = arith.shli %get3A_285, %shift_left3A_289 : vector<16xi32>
          %bitcast_convert_type3A_291 = tpu.bitcast %shift_left3A_290 : vector<16xi32> -> vector<16xf32>
          %mul3A_292 = arith.mulf %broadcast_in_dim3A_249, %bitcast_convert_type3A_291 : vector<16xf32>
          %add3A_293 = arith.addf %add3A_287, %mul3A_292 : vector<16xf32>
          %mul3A_294 = arith.constant 4 : i32
          %mul3A_295 = arith.muli %scan3A_185, %mul3A_294 : i32
          %add3A_296 = arith.constant 2 : i32
          %add3A_297 = arith.addi %mul3A_295, %add3A_296 : i32
          %slice3A_298 = vector.extract_strided_slice %get3A_195 {offsets = [2], sizes = [1], strides = [1]} : vector<16xf32> to vector<1xf32>
          %squeeze3A_299 = vector.extract %slice3A_298[0] : f32 from vector<1xf32>
          %broadcast_in_dim3A_300 = vector.broadcast %squeeze3A_299 : f32 to vector<16xf32>
          %get3A_301 = arith.index_cast %add3A_297 : i32 to index
          %get3A_302 = arith.constant 0 : index
          %get3A_303 = tpu.vector_load %arg11[%get3A_301, %get3A_302] {strides = array<i32>} : memref<128x64xi32, #tpu.memory_space<vmem>>, vector<16xi32>,
          %bitcast_convert_type3A_304 = tpu.bitcast %get3A_303 : vector<16xi32> -> vector<16xf32>
          %add3A_305 = arith.addf %add3A_260, %bitcast_convert_type3A_304 : vector<16xf32>
          %shift_left3A_306 = arith.constant 16 : i32
          %shift_left3A_307 = vector.broadcast %shift_left3A_306 : i32 to vector<16xi32>
          %shift_left3A_308 = arith.shli %get3A_303, %shift_left3A_307 : vector<16xi32>
          %bitcast_convert_type3A_309 = tpu.bitcast %shift_left3A_308 : vector<16xi32> -> vector<16xf32>
          %mul3A_310 = arith.mulf %broadcast_in_dim3A_300, %bitcast_convert_type3A_309 : vector<16xf32>
          %add3A_311 = arith.addf %add3A_305, %mul3A_310 : vector<16xf32>
          %get3A_312 = arith.index_cast %add3A_297 : i32 to index
          %get3A_313 = arith.constant 16 : index
          %get3A_314 = tpu.vector_load %arg11[%get3A_312, %get3A_313] {strides = array<i32>} : memref<128x64xi32, #tpu.memory_space<vmem>>, vector<16xi32>,
          %bitcast_convert_type3A_315 = tpu.bitcast %get3A_314 : vector<16xi32> -> vector<16xf32>
          %add3A_316 = arith.addf %add3A_271, %bitcast_convert_type3A_315 : vector<16xf32>
          %shift_left3A_317 = arith.constant 16 : i32
          %shift_left3A_318 = vector.broadcast %shift_left3A_317 : i32 to vector<16xi32>
          %shift_left3A_319 = arith.shli %get3A_314, %shift_left3A_318 : vector<16xi32>
          %bitcast_convert_type3A_320 = tpu.bitcast %shift_left3A_319 : vector<16xi32> -> vector<16xf32>
          %mul3A_321 = arith.mulf %broadcast_in_dim3A_300, %bitcast_convert_type3A_320 : vector<16xf32>
          %add3A_322 = arith.addf %add3A_316, %mul3A_321 : vector<16xf32>
          %get3A_323 = arith.index_cast %add3A_297 : i32 to index
          %get3A_324 = arith.constant 32 : index
          %get3A_325 = tpu.vector_load %arg11[%get3A_323, %get3A_324] {strides = array<i32>} : memref<128x64xi32, #tpu.memory_space<vmem>>, vector<16xi32>,
          %bitcast_convert_type3A_326 = tpu.bitcast %get3A_325 : vector<16xi32> -> vector<16xf32>
          %add3A_327 = arith.addf %add3A_282, %bitcast_convert_type3A_326 : vector<16xf32>
          %shift_left3A_328 = arith.constant 16 : i32
          %shift_left3A_329 = vector.broadcast %shift_left3A_328 : i32 to vector<16xi32>
          %shift_left3A_330 = arith.shli %get3A_325, %shift_left3A_329 : vector<16xi32>
          %bitcast_convert_type3A_331 = tpu.bitcast %shift_left3A_330 : vector<16xi32> -> vector<16xf32>
          %mul3A_332 = arith.mulf %broadcast_in_dim3A_300, %bitcast_convert_type3A_331 : vector<16xf32>
          %add3A_333 = arith.addf %add3A_327, %mul3A_332 : vector<16xf32>
          %get3A_334 = arith.index_cast %add3A_297 : i32 to index
          %get3A_335 = arith.constant 48 : index
          %get3A_336 = tpu.vector_load %arg11[%get3A_334, %get3A_335] {strides = array<i32>} : memref<128x64xi32, #tpu.memory_space<vmem>>, vector<16xi32>,
          %bitcast_convert_type3A_337 = tpu.bitcast %get3A_336 : vector<16xi32> -> vector<16xf32>
          %add3A_338 = arith.addf %add3A_293, %bitcast_convert_type3A_337 : vector<16xf32>
          %shift_left3A_339 = arith.constant 16 : i32
          %shift_left3A_340 = vector.broadcast %shift_left3A_339 : i32 to vector<16xi32>
          %shift_left3A_341 = arith.shli %get3A_336, %shift_left3A_340 : vector<16xi32>
          %bitcast_convert_type3A_342 = tpu.bitcast %shift_left3A_341 : vector<16xi32> -> vector<16xf32>
          %mul3A_343 = arith.mulf %broadcast_in_dim3A_300, %bitcast_convert_type3A_342 : vector<16xf32>
          %add3A_344 = arith.addf %add3A_338, %mul3A_343 : vector<16xf32>
          %mul3A_345 = arith.constant 4 : i32
          %mul3A_346 = arith.muli %scan3A_185, %mul3A_345 : i32
          %add3A_347 = arith.constant 3 : i32
          %add3A_348 = arith.addi %mul3A_346, %add3A_347 : i32
          %slice3A_349 = vector.extract_strided_slice %get3A_195 {offsets = [3], sizes = [1], strides = [1]} : vector<16xf32> to vector<1xf32>
          %squeeze3A_350 = vector.extract %slice3A_349[0] : f32 from vector<1xf32>
          %broadcast_in_dim3A_351 = vector.broadcast %squeeze3A_350 : f32 to vector<16xf32>
          %get3A_352 = arith.index_cast %add3A_348 : i32 to index
          %get3A_353 = arith.constant 0 : index
          %get3A_354 = tpu.vector_load %arg11[%get3A_352, %get3A_353] {strides = array<i32>} : memref<128x64xi32, #tpu.memory_space<vmem>>, vector<16xi32>,
          %bitcast_convert_type3A_355 = tpu.bitcast %get3A_354 : vector<16xi32> -> vector<16xf32>
          %add3A_356 = arith.addf %add3A_311, %bitcast_convert_type3A_355 : vector<16xf32>
          %shift_left3A_357 = arith.constant 16 : i32
          %shift_left3A_358 = vector.broadcast %shift_left3A_357 : i32 to vector<16xi32>
          %shift_left3A_359 = arith.shli %get3A_354, %shift_left3A_358 : vector<16xi32>
          %bitcast_convert_type3A_360 = tpu.bitcast %shift_left3A_359 : vector<16xi32> -> vector<16xf32>
          %mul3A_361 = arith.mulf %broadcast_in_dim3A_351, %bitcast_convert_type3A_360 : vector<16xf32>
          %add3A_362 = arith.addf %add3A_356, %mul3A_361 : vector<16xf32>
          %get3A_363 = arith.index_cast %add3A_348 : i32 to index
          %get3A_364 = arith.constant 16 : index
          %get3A_365 = tpu.vector_load %arg11[%get3A_363, %get3A_364] {strides = array<i32>} : memref<128x64xi32, #tpu.memory_space<vmem>>, vector<16xi32>,
          %bitcast_convert_type3A_366 = tpu.bitcast %get3A_365 : vector<16xi32> -> vector<16xf32>
          %add3A_367 = arith.addf %add3A_322, %bitcast_convert_type3A_366 : vector<16xf32>
          %shift_left3A_368 = arith.constant 16 : i32
          %shift_left3A_369 = vector.broadcast %shift_left3A_368 : i32 to vector<16xi32>
          %shift_left3A_370 = arith.shli %get3A_365, %shift_left3A_369 : vector<16xi32>
          %bitcast_convert_type3A_371 = tpu.bitcast %shift_left3A_370 : vector<16xi32> -> vector<16xf32>
          %mul3A_372 = arith.mulf %broadcast_in_dim3A_351, %bitcast_convert_type3A_371 : vector<16xf32>
          %add3A_373 = arith.addf %add3A_367, %mul3A_372 : vector<16xf32>
          %get3A_374 = arith.index_cast %add3A_348 : i32 to index
          %get3A_375 = arith.constant 32 : index
          %get3A_376 = tpu.vector_load %arg11[%get3A_374, %get3A_375] {strides = array<i32>} : memref<128x64xi32, #tpu.memory_space<vmem>>, vector<16xi32>,
          %bitcast_convert_type3A_377 = tpu.bitcast %get3A_376 : vector<16xi32> -> vector<16xf32>
          %add3A_378 = arith.addf %add3A_333, %bitcast_convert_type3A_377 : vector<16xf32>
          %shift_left3A_379 = arith.constant 16 : i32
          %shift_left3A_380 = vector.broadcast %shift_left3A_379 : i32 to vector<16xi32>
          %shift_left3A_381 = arith.shli %get3A_376, %shift_left3A_380 : vector<16xi32>
          %bitcast_convert_type3A_382 = tpu.bitcast %shift_left3A_381 : vector<16xi32> -> vector<16xf32>
          %mul3A_383 = arith.mulf %broadcast_in_dim3A_351, %bitcast_convert_type3A_382 : vector<16xf32>
          %add3A_384 = arith.addf %add3A_378, %mul3A_383 : vector<16xf32>
          %get3A_385 = arith.index_cast %add3A_348 : i32 to index
          %get3A_386 = arith.constant 48 : index
          %get3A_387 = tpu.vector_load %arg11[%get3A_385, %get3A_386] {strides = array<i32>} : memref<128x64xi32, #tpu.memory_space<vmem>>, vector<16xi32>,
          %bitcast_convert_type3A_388 = tpu.bitcast %get3A_387 : vector<16xi32> -> vector<16xf32>
          %add3A_389 = arith.addf %add3A_344, %bitcast_convert_type3A_388 : vector<16xf32>
          %shift_left3A_390 = arith.constant 16 : i32
          %shift_left3A_391 = vector.broadcast %shift_left3A_390 : i32 to vector<16xi32>
          %shift_left3A_392 = arith.shli %get3A_387, %shift_left3A_391 : vector<16xi32>
          %bitcast_convert_type3A_393 = tpu.bitcast %shift_left3A_392 : vector<16xi32> -> vector<16xf32>
          %mul3A_394 = arith.mulf %broadcast_in_dim3A_351, %bitcast_convert_type3A_393 : vector<16xf32>
          %add3A_395 = arith.addf %add3A_389, %mul3A_394 : vector<16xf32>
          scf.yield %add3A_362, %add3A_373, %add3A_384, %add3A_395 : vector<16xf32>, vector<16xf32>, vector<16xf32>, vector<16xf32>
        }
        %scan3A_172 = arith.constant 32 : i32
        %swap3A_173 = arith.index_cast %add3A_164 : i32 to index
        %swap3A_174 = arith.constant 0 : index
        %swap3A_175 = tpu.vector_load %arg12[%swap3A_173, %swap3A_174] {strides = array<i32>} : memref<16x64xf32, #tpu.memory_space<vmem>>, vector<16xf32>,
        tpu.vector_store %arg12[%swap3A_173, %swap3A_174], %scan3A_171#0 {strides = array<i32>} : memref<16x64xf32, #tpu.memory_space<vmem>>, vector<16xf32>,
        %swap3A_176 = arith.index_cast %add3A_164 : i32 to index
        %swap3A_177 = arith.constant 16 : index
        %swap3A_178 = tpu.vector_load %arg12[%swap3A_176, %swap3A_177] {strides = array<i32>} : memref<16x64xf32, #tpu.memory_space<vmem>>, vector<16xf32>,
        tpu.vector_store %arg12[%swap3A_176, %swap3A_177], %scan3A_171#1 {strides = array<i32>} : memref<16x64xf32, #tpu.memory_space<vmem>>, vector<16xf32>,
        %swap3A_179 = arith.index_cast %add3A_164 : i32 to index
        %swap3A_180 = arith.constant 32 : index
        %swap3A_181 = tpu.vector_load %arg12[%swap3A_179, %swap3A_180] {strides = array<i32>} : memref<16x64xf32, #tpu.memory_space<vmem>>, vector<16xf32>,
        tpu.vector_store %arg12[%swap3A_179, %swap3A_180], %scan3A_171#2 {strides = array<i32>} : memref<16x64xf32, #tpu.memory_space<vmem>>, vector<16xf32>,
        %swap3A_182 = arith.index_cast %add3A_164 : i32 to index
        %swap3A_183 = arith.constant 48 : index
        %swap3A_184 = tpu.vector_load %arg12[%swap3A_182, %swap3A_183] {strides = array<i32>} : memref<16x64xf32, #tpu.memory_space<vmem>>, vector<16xf32>,
        tpu.vector_store %arg12[%swap3A_182, %swap3A_183], %scan3A_171#3 {strides = array<i32>} : memref<16x64xf32, #tpu.memory_space<vmem>>, vector<16xf32>,
      }
      %scan3A_39 = arith.constant 4 : i32
      "tpu.region"() ({
        %run_scoped3A = tpu.sem_alloc : memref<!tpu.dma_semaphore, #tpu.memory_space<semaphore_mem>>
        %dma_start3A_40 = arith.constant 0 : i32
        %dma_start3A_41 = tpu.memref_slice %arg5[%add3A_11, %dma_start3A_40] : memref<16384x64xf32, #tpu.memory_space<hbm>> -> memref<16x64xf32, #tpu.memory_space<hbm>>
        %dma_start3A_42 = arith.constant 0 : i32
        %dma_start3A_43 = tpu.memref_slice %arg5[%add3A_11, %dma_start3A_42] : memref<16384x64xf32, #tpu.memory_space<hbm>> -> memref<16x64xf32, #tpu.memory_space<hbm>>
        tpu.enqueue_dma source(%arg12 : memref<16x64xf32, #tpu.memory_space<vmem>>) target(%dma_start3A_43 : memref<16x64xf32, #tpu.memory_space<hbm>>) target_semaphore(%run_scoped3A : memref<!tpu.dma_semaphore, #tpu.memory_space<semaphore_mem>>)
        %dma_wait3A = arith.constant 0 : i32
        %dma_wait3A_44 = tpu.memref_slice %arg5[%add3A_11, %dma_wait3A] : memref<16384x64xf32, #tpu.memory_space<hbm>> -> memref<16x64xf32, #tpu.memory_space<hbm>>
        %dma_wait3A_45 = arith.constant 0 : i32
        %dma_wait3A_46 = tpu.memref_slice %arg5[%add3A_11, %dma_wait3A_45] : memref<16384x64xf32, #tpu.memory_space<hbm>> -> memref<16x64xf32, #tpu.memory_space<hbm>>
        tpu.wait_dma2 semaphore(%run_scoped3A : memref<!tpu.dma_semaphore, #tpu.memory_space<semaphore_mem>>) src(%arg12 : memref<16x64xf32, #tpu.memory_space<vmem>>) dst(%dma_wait3A_46 : memref<16x64xf32, #tpu.memory_space<hbm>>)
        tpu.yield
      }) : () -> ()
    }
    %scan3A_7 = arith.constant 32 : i32
    return
  }
}

module attributes {stable_mosaic.version = 14 : i64} {
  func.func @_table_body(%arg0: i32, %arg1: memref<8x1000x64xf32, #tpu.memory_space<vmem>>, %arg2: memref<8x1000x64xf32, #tpu.memory_space<vmem>>, %arg3: memref<8x1000x64xi32, #tpu.memory_space<vmem>>) attributes {dimension_semantics = [#tpu.dimension_semantics<arbitrary>], iteration_bounds = array<i64: 16>, scalar_prefetch = 0 : i64, scratch_operands = 0 : i64, tpu.core_type = #tpu.core_type<tc>, window_params = [{transform_indices = @transform_0, window_bounds = array<i64: 8, 1000, 64>}, {transform_indices = @transform_1, window_bounds = array<i64: 8, 1000, 64>}, {transform_indices = @transform_2, window_bounds = array<i64: 8, 1000, 64>}]} {
    %iota3A = tpu.iota {dimensions = array<i32: 0>} : vector<1000x1000xi32>
    %iota3A_0 = tpu.iota {dimensions = array<i32: 1>} : vector<1000x1000xi32>
    %ge3A = arith.cmpi sge, %iota3A, %iota3A_0 : vector<1000x1000xi32>
    %jit3A = arith.constant 1.000000e+00 : f32
    %jit3A_1 = arith.constant 0.000000e+00 : f32
    %broadcast_in_dim3A = vector.broadcast %jit3A : f32 to vector<1000x1000xf32>
    %broadcast_in_dim3A_2 = vector.broadcast %jit3A_1 : f32 to vector<1000x1000xf32>
    %select_n3A = arith.select %ge3A, %broadcast_in_dim3A, %broadcast_in_dim3A_2 : vector<1000x1000xi1>, vector<1000x1000xf32>
    %convert_element_type3A = arith.truncf %select_n3A : vector<1000x1000xf32> to vector<1000x1000xbf16>
    %iota3A_3 = tpu.iota {dimensions = array<i32: 0>} : vector<1000x64xi32>
    %convert_element_type3A_4 = arith.sitofp %iota3A_3 : vector<1000x64xi32> to vector<1000x64xf32>
    %get3A = arith.constant 0 : index
    %get3A_5 = arith.constant 0 : index
    %get3A_6 = arith.constant 0 : index
    %get3A_7 = vector.load %arg1[%get3A, %get3A_5, %get3A_6] : memref<8x1000x64xf32, #tpu.memory_space<vmem>>, vector<1x1000x64xf32>
    %get3A_8 = vector.shape_cast %get3A_7 : vector<1x1000x64xf32> to vector<1000x64xf32>
    %get3A_9 = arith.constant 0 : index
    %get3A_10 = arith.constant 0 : index
    %get3A_11 = arith.constant 0 : index
    %get3A_12 = vector.load %arg2[%get3A_9, %get3A_10, %get3A_11] : memref<8x1000x64xf32, #tpu.memory_space<vmem>>, vector<1x1000x64xf32>
    %get3A_13 = vector.shape_cast %get3A_12 : vector<1x1000x64xf32> to vector<1000x64xf32>
    %add3A = arith.addf %get3A_8, %get3A_13 : vector<1000x64xf32>
    %mul3A = arith.mulf %add3A, %convert_element_type3A_4 : vector<1000x64xf32>
    %concatenate3A = tpu.concatenate %add3A, %mul3A in 1 : vector<1000x64xf32>, vector<1000x64xf32> -> vector<1000x128xf32>
    %convert_element_type3A_14 = arith.truncf %concatenate3A : vector<1000x128xf32> to vector<1000x128xbf16>
    %convert_element_type3A_15 = arith.extf %convert_element_type3A_14 : vector<1000x128xbf16> to vector<1000x128xf32>
    %sub3A = arith.subf %concatenate3A, %convert_element_type3A_15 : vector<1000x128xf32>
    %convert_element_type3A_16 = arith.truncf %sub3A : vector<1000x128xf32> to vector<1000x128xbf16>
    %dot_general3A = arith.constant dense<0.000000e+00> : vector<1000x128xf32>
    %dot_general3A_17 = tpu.matmul %convert_element_type3A, %convert_element_type3A_14, %dot_general3A {dimension_numbers = #tpu.dot_dimension_numbers<[1], [0], [0], [1], [0, 0, 1, 1], [], []>, transpose_lhs_hint = false} : vector<1000x1000xbf16>, vector<1000x128xbf16>, vector<1000x128xf32> -> vector<1000x128xf32>
    %dot_general3A_18 = arith.constant dense<0.000000e+00> : vector<1000x128xf32>
    %dot_general3A_19 = tpu.matmul %convert_element_type3A, %convert_element_type3A_16, %dot_general3A_18 {dimension_numbers = #tpu.dot_dimension_numbers<[1], [0], [0], [1], [0, 0, 1, 1], [], []>, transpose_lhs_hint = false} : vector<1000x1000xbf16>, vector<1000x128xbf16>, vector<1000x128xf32> -> vector<1000x128xf32>
    %add3A_20 = arith.addf %dot_general3A_17, %dot_general3A_19 : vector<1000x128xf32>
    %reduce_sum3A = arith.constant dense<0.000000e+00> : vector<64xf32>
    %reduce_sum3A_21 = vector.multi_reduction <add>, %get3A_13, %reduce_sum3A [0] : vector<1000x64xf32> to vector<64xf32>
    %broadcast_in_dim3A_22 = vector.shape_cast %reduce_sum3A_21 : vector<64xf32> to vector<1x64xf32>
    %mul3A_23 = arith.mulf %get3A_13, %convert_element_type3A_4 : vector<1000x64xf32>
    %reduce_sum3A_24 = arith.constant dense<0.000000e+00> : vector<64xf32>
    %reduce_sum3A_25 = vector.multi_reduction <add>, %mul3A_23, %reduce_sum3A_24 [0] : vector<1000x64xf32> to vector<64xf32>
    %broadcast_in_dim3A_26 = vector.shape_cast %reduce_sum3A_25 : vector<64xf32> to vector<1x64xf32>
    %slice3A = vector.extract_strided_slice %add3A_20 {offsets = [0, 0], sizes = [1000, 64], strides = [1, 1]} : vector<1000x128xf32> to vector<1000x64xf32>
    %sub3A_27 = vector.broadcast %broadcast_in_dim3A_22 : vector<1x64xf32> to vector<1000x64xf32>
    %sub3A_28 = arith.subf %slice3A, %sub3A_27 : vector<1000x64xf32>
    %mul3A_29 = arith.mulf %convert_element_type3A_4, %sub3A_28 : vector<1000x64xf32>
    %slice3A_30 = vector.extract_strided_slice %add3A_20 {offsets = [0, 64], sizes = [1000, 64], strides = [1, 1]} : vector<1000x128xf32> to vector<1000x64xf32>
    %sub3A_31 = vector.broadcast %broadcast_in_dim3A_26 : vector<1x64xf32> to vector<1000x64xf32>
    %sub3A_32 = arith.subf %sub3A_31, %slice3A_30 : vector<1000x64xf32>
    %add3A_33 = arith.addf %mul3A_29, %sub3A_32 : vector<1000x64xf32>
    %mul3A_34 = arith.constant 0.998046875 : f32
    %mul3A_35 = vector.broadcast %mul3A_34 : f32 to vector<1000x64xf32>
    %mul3A_36 = arith.mulf %add3A_33, %mul3A_35 : vector<1000x64xf32>
    %convert_element_type3A_37 = arith.truncf %mul3A_36 : vector<1000x64xf32> to vector<1000x64xbf16>
    %bitcast_convert_type3A = tpu.bitcast %convert_element_type3A_37 : vector<1000x64xbf16> -> vector<1000x64xi16>
    %convert_element_type3A_38 = arith.extui %bitcast_convert_type3A : vector<1000x64xi16> to vector<1000x64xi32>
    %convert_element_type3A_39 = arith.truncf %sub3A_28 : vector<1000x64xf32> to vector<1000x64xbf16>
    %bitcast_convert_type3A_40 = tpu.bitcast %convert_element_type3A_39 : vector<1000x64xbf16> -> vector<1000x64xi16>
    %convert_element_type3A_41 = arith.extui %bitcast_convert_type3A_40 : vector<1000x64xi16> to vector<1000x64xi32>
    %shift_left3A = arith.constant 16 : i32
    %shift_left3A_42 = vector.broadcast %shift_left3A : i32 to vector<1000x64xi32>
    %shift_left3A_43 = arith.shli %convert_element_type3A_38, %shift_left3A_42 : vector<1000x64xi32>
    %or3A = arith.ori %shift_left3A_43, %convert_element_type3A_41 : vector<1000x64xi32>
    %swap3A = arith.constant 0 : index
    %swap3A_44 = arith.constant 0 : index
    %swap3A_45 = arith.constant 0 : index
    %swap3A_46 = vector.load %arg3[%swap3A, %swap3A_44, %swap3A_45] : memref<8x1000x64xi32, #tpu.memory_space<vmem>>, vector<1x1000x64xi32>
    %swap3A_47 = vector.shape_cast %swap3A_46 : vector<1x1000x64xi32> to vector<1000x64xi32>
    %swap3A_48 = vector.shape_cast %or3A : vector<1000x64xi32> to vector<1x1000x64xi32>
    tpu.vector_store %arg3[%swap3A, %swap3A_44, %swap3A_45], %swap3A_48 {strides = array<i32>} : memref<8x1000x64xi32, #tpu.memory_space<vmem>>, vector<1x1000x64xi32>,
    %get3A_49 = arith.constant 1 : index
    %get3A_50 = arith.constant 0 : index
    %get3A_51 = arith.constant 0 : index
    %get3A_52 = vector.load %arg1[%get3A_49, %get3A_50, %get3A_51] : memref<8x1000x64xf32, #tpu.memory_space<vmem>>, vector<1x1000x64xf32>
    %get3A_53 = vector.shape_cast %get3A_52 : vector<1x1000x64xf32> to vector<1000x64xf32>
    %get3A_54 = arith.constant 1 : index
    %get3A_55 = arith.constant 0 : index
    %get3A_56 = arith.constant 0 : index
    %get3A_57 = vector.load %arg2[%get3A_54, %get3A_55, %get3A_56] : memref<8x1000x64xf32, #tpu.memory_space<vmem>>, vector<1x1000x64xf32>
    %get3A_58 = vector.shape_cast %get3A_57 : vector<1x1000x64xf32> to vector<1000x64xf32>
    %add3A_59 = arith.addf %get3A_53, %get3A_58 : vector<1000x64xf32>
    %mul3A_60 = arith.mulf %add3A_59, %convert_element_type3A_4 : vector<1000x64xf32>
    %concatenate3A_61 = tpu.concatenate %add3A_59, %mul3A_60 in 1 : vector<1000x64xf32>, vector<1000x64xf32> -> vector<1000x128xf32>
    %convert_element_type3A_62 = arith.truncf %concatenate3A_61 : vector<1000x128xf32> to vector<1000x128xbf16>
    %convert_element_type3A_63 = arith.extf %convert_element_type3A_62 : vector<1000x128xbf16> to vector<1000x128xf32>
    %sub3A_64 = arith.subf %concatenate3A_61, %convert_element_type3A_63 : vector<1000x128xf32>
    %convert_element_type3A_65 = arith.truncf %sub3A_64 : vector<1000x128xf32> to vector<1000x128xbf16>
    %dot_general3A_66 = arith.constant dense<0.000000e+00> : vector<1000x128xf32>
    %dot_general3A_67 = tpu.matmul %convert_element_type3A, %convert_element_type3A_62, %dot_general3A_66 {dimension_numbers = #tpu.dot_dimension_numbers<[1], [0], [0], [1], [0, 0, 1, 1], [], []>, transpose_lhs_hint = false} : vector<1000x1000xbf16>, vector<1000x128xbf16>, vector<1000x128xf32> -> vector<1000x128xf32>
    %dot_general3A_68 = arith.constant dense<0.000000e+00> : vector<1000x128xf32>
    %dot_general3A_69 = tpu.matmul %convert_element_type3A, %convert_element_type3A_65, %dot_general3A_68 {dimension_numbers = #tpu.dot_dimension_numbers<[1], [0], [0], [1], [0, 0, 1, 1], [], []>, transpose_lhs_hint = false} : vector<1000x1000xbf16>, vector<1000x128xbf16>, vector<1000x128xf32> -> vector<1000x128xf32>
    %add3A_70 = arith.addf %dot_general3A_67, %dot_general3A_69 : vector<1000x128xf32>
    %reduce_sum3A_71 = arith.constant dense<0.000000e+00> : vector<64xf32>
    %reduce_sum3A_72 = vector.multi_reduction <add>, %get3A_58, %reduce_sum3A_71 [0] : vector<1000x64xf32> to vector<64xf32>
    %broadcast_in_dim3A_73 = vector.shape_cast %reduce_sum3A_72 : vector<64xf32> to vector<1x64xf32>
    %mul3A_74 = arith.mulf %get3A_58, %convert_element_type3A_4 : vector<1000x64xf32>
    %reduce_sum3A_75 = arith.constant dense<0.000000e+00> : vector<64xf32>
    %reduce_sum3A_76 = vector.multi_reduction <add>, %mul3A_74, %reduce_sum3A_75 [0] : vector<1000x64xf32> to vector<64xf32>
    %broadcast_in_dim3A_77 = vector.shape_cast %reduce_sum3A_76 : vector<64xf32> to vector<1x64xf32>
    %slice3A_78 = vector.extract_strided_slice %add3A_70 {offsets = [0, 0], sizes = [1000, 64], strides = [1, 1]} : vector<1000x128xf32> to vector<1000x64xf32>
    %sub3A_79 = vector.broadcast %broadcast_in_dim3A_73 : vector<1x64xf32> to vector<1000x64xf32>
    %sub3A_80 = arith.subf %slice3A_78, %sub3A_79 : vector<1000x64xf32>
    %mul3A_81 = arith.mulf %convert_element_type3A_4, %sub3A_80 : vector<1000x64xf32>
    %slice3A_82 = vector.extract_strided_slice %add3A_70 {offsets = [0, 64], sizes = [1000, 64], strides = [1, 1]} : vector<1000x128xf32> to vector<1000x64xf32>
    %sub3A_83 = vector.broadcast %broadcast_in_dim3A_77 : vector<1x64xf32> to vector<1000x64xf32>
    %sub3A_84 = arith.subf %sub3A_83, %slice3A_82 : vector<1000x64xf32>
    %add3A_85 = arith.addf %mul3A_81, %sub3A_84 : vector<1000x64xf32>
    %mul3A_86 = arith.constant 0.998046875 : f32
    %mul3A_87 = vector.broadcast %mul3A_86 : f32 to vector<1000x64xf32>
    %mul3A_88 = arith.mulf %add3A_85, %mul3A_87 : vector<1000x64xf32>
    %convert_element_type3A_89 = arith.truncf %mul3A_88 : vector<1000x64xf32> to vector<1000x64xbf16>
    %bitcast_convert_type3A_90 = tpu.bitcast %convert_element_type3A_89 : vector<1000x64xbf16> -> vector<1000x64xi16>
    %convert_element_type3A_91 = arith.extui %bitcast_convert_type3A_90 : vector<1000x64xi16> to vector<1000x64xi32>
    %convert_element_type3A_92 = arith.truncf %sub3A_80 : vector<1000x64xf32> to vector<1000x64xbf16>
    %bitcast_convert_type3A_93 = tpu.bitcast %convert_element_type3A_92 : vector<1000x64xbf16> -> vector<1000x64xi16>
    %convert_element_type3A_94 = arith.extui %bitcast_convert_type3A_93 : vector<1000x64xi16> to vector<1000x64xi32>
    %shift_left3A_95 = arith.constant 16 : i32
    %shift_left3A_96 = vector.broadcast %shift_left3A_95 : i32 to vector<1000x64xi32>
    %shift_left3A_97 = arith.shli %convert_element_type3A_91, %shift_left3A_96 : vector<1000x64xi32>
    %or3A_98 = arith.ori %shift_left3A_97, %convert_element_type3A_94 : vector<1000x64xi32>
    %swap3A_99 = arith.constant 1 : index
    %swap3A_100 = arith.constant 0 : index
    %swap3A_101 = arith.constant 0 : index
    %swap3A_102 = vector.load %arg3[%swap3A_99, %swap3A_100, %swap3A_101] : memref<8x1000x64xi32, #tpu.memory_space<vmem>>, vector<1x1000x64xi32>
    %swap3A_103 = vector.shape_cast %swap3A_102 : vector<1x1000x64xi32> to vector<1000x64xi32>
    %swap3A_104 = vector.shape_cast %or3A_98 : vector<1000x64xi32> to vector<1x1000x64xi32>
    tpu.vector_store %arg3[%swap3A_99, %swap3A_100, %swap3A_101], %swap3A_104 {strides = array<i32>} : memref<8x1000x64xi32, #tpu.memory_space<vmem>>, vector<1x1000x64xi32>,
    %get3A_105 = arith.constant 2 : index
    %get3A_106 = arith.constant 0 : index
    %get3A_107 = arith.constant 0 : index
    %get3A_108 = vector.load %arg1[%get3A_105, %get3A_106, %get3A_107] : memref<8x1000x64xf32, #tpu.memory_space<vmem>>, vector<1x1000x64xf32>
    %get3A_109 = vector.shape_cast %get3A_108 : vector<1x1000x64xf32> to vector<1000x64xf32>
    %get3A_110 = arith.constant 2 : index
    %get3A_111 = arith.constant 0 : index
    %get3A_112 = arith.constant 0 : index
    %get3A_113 = vector.load %arg2[%get3A_110, %get3A_111, %get3A_112] : memref<8x1000x64xf32, #tpu.memory_space<vmem>>, vector<1x1000x64xf32>
    %get3A_114 = vector.shape_cast %get3A_113 : vector<1x1000x64xf32> to vector<1000x64xf32>
    %add3A_115 = arith.addf %get3A_109, %get3A_114 : vector<1000x64xf32>
    %mul3A_116 = arith.mulf %add3A_115, %convert_element_type3A_4 : vector<1000x64xf32>
    %concatenate3A_117 = tpu.concatenate %add3A_115, %mul3A_116 in 1 : vector<1000x64xf32>, vector<1000x64xf32> -> vector<1000x128xf32>
    %convert_element_type3A_118 = arith.truncf %concatenate3A_117 : vector<1000x128xf32> to vector<1000x128xbf16>
    %convert_element_type3A_119 = arith.extf %convert_element_type3A_118 : vector<1000x128xbf16> to vector<1000x128xf32>
    %sub3A_120 = arith.subf %concatenate3A_117, %convert_element_type3A_119 : vector<1000x128xf32>
    %convert_element_type3A_121 = arith.truncf %sub3A_120 : vector<1000x128xf32> to vector<1000x128xbf16>
    %dot_general3A_122 = arith.constant dense<0.000000e+00> : vector<1000x128xf32>
    %dot_general3A_123 = tpu.matmul %convert_element_type3A, %convert_element_type3A_118, %dot_general3A_122 {dimension_numbers = #tpu.dot_dimension_numbers<[1], [0], [0], [1], [0, 0, 1, 1], [], []>, transpose_lhs_hint = false} : vector<1000x1000xbf16>, vector<1000x128xbf16>, vector<1000x128xf32> -> vector<1000x128xf32>
    %dot_general3A_124 = arith.constant dense<0.000000e+00> : vector<1000x128xf32>
    %dot_general3A_125 = tpu.matmul %convert_element_type3A, %convert_element_type3A_121, %dot_general3A_124 {dimension_numbers = #tpu.dot_dimension_numbers<[1], [0], [0], [1], [0, 0, 1, 1], [], []>, transpose_lhs_hint = false} : vector<1000x1000xbf16>, vector<1000x128xbf16>, vector<1000x128xf32> -> vector<1000x128xf32>
    %add3A_126 = arith.addf %dot_general3A_123, %dot_general3A_125 : vector<1000x128xf32>
    %reduce_sum3A_127 = arith.constant dense<0.000000e+00> : vector<64xf32>
    %reduce_sum3A_128 = vector.multi_reduction <add>, %get3A_114, %reduce_sum3A_127 [0] : vector<1000x64xf32> to vector<64xf32>
    %broadcast_in_dim3A_129 = vector.shape_cast %reduce_sum3A_128 : vector<64xf32> to vector<1x64xf32>
    %mul3A_130 = arith.mulf %get3A_114, %convert_element_type3A_4 : vector<1000x64xf32>
    %reduce_sum3A_131 = arith.constant dense<0.000000e+00> : vector<64xf32>
    %reduce_sum3A_132 = vector.multi_reduction <add>, %mul3A_130, %reduce_sum3A_131 [0] : vector<1000x64xf32> to vector<64xf32>
    %broadcast_in_dim3A_133 = vector.shape_cast %reduce_sum3A_132 : vector<64xf32> to vector<1x64xf32>
    %slice3A_134 = vector.extract_strided_slice %add3A_126 {offsets = [0, 0], sizes = [1000, 64], strides = [1, 1]} : vector<1000x128xf32> to vector<1000x64xf32>
    %sub3A_135 = vector.broadcast %broadcast_in_dim3A_129 : vector<1x64xf32> to vector<1000x64xf32>
    %sub3A_136 = arith.subf %slice3A_134, %sub3A_135 : vector<1000x64xf32>
    %mul3A_137 = arith.mulf %convert_element_type3A_4, %sub3A_136 : vector<1000x64xf32>
    %slice3A_138 = vector.extract_strided_slice %add3A_126 {offsets = [0, 64], sizes = [1000, 64], strides = [1, 1]} : vector<1000x128xf32> to vector<1000x64xf32>
    %sub3A_139 = vector.broadcast %broadcast_in_dim3A_133 : vector<1x64xf32> to vector<1000x64xf32>
    %sub3A_140 = arith.subf %sub3A_139, %slice3A_138 : vector<1000x64xf32>
    %add3A_141 = arith.addf %mul3A_137, %sub3A_140 : vector<1000x64xf32>
    %mul3A_142 = arith.constant 0.998046875 : f32
    %mul3A_143 = vector.broadcast %mul3A_142 : f32 to vector<1000x64xf32>
    %mul3A_144 = arith.mulf %add3A_141, %mul3A_143 : vector<1000x64xf32>
    %convert_element_type3A_145 = arith.truncf %mul3A_144 : vector<1000x64xf32> to vector<1000x64xbf16>
    %bitcast_convert_type3A_146 = tpu.bitcast %convert_element_type3A_145 : vector<1000x64xbf16> -> vector<1000x64xi16>
    %convert_element_type3A_147 = arith.extui %bitcast_convert_type3A_146 : vector<1000x64xi16> to vector<1000x64xi32>
    %convert_element_type3A_148 = arith.truncf %sub3A_136 : vector<1000x64xf32> to vector<1000x64xbf16>
    %bitcast_convert_type3A_149 = tpu.bitcast %convert_element_type3A_148 : vector<1000x64xbf16> -> vector<1000x64xi16>
    %convert_element_type3A_150 = arith.extui %bitcast_convert_type3A_149 : vector<1000x64xi16> to vector<1000x64xi32>
    %shift_left3A_151 = arith.constant 16 : i32
    %shift_left3A_152 = vector.broadcast %shift_left3A_151 : i32 to vector<1000x64xi32>
    %shift_left3A_153 = arith.shli %convert_element_type3A_147, %shift_left3A_152 : vector<1000x64xi32>
    %or3A_154 = arith.ori %shift_left3A_153, %convert_element_type3A_150 : vector<1000x64xi32>
    %swap3A_155 = arith.constant 2 : index
    %swap3A_156 = arith.constant 0 : index
    %swap3A_157 = arith.constant 0 : index
    %swap3A_158 = vector.load %arg3[%swap3A_155, %swap3A_156, %swap3A_157] : memref<8x1000x64xi32, #tpu.memory_space<vmem>>, vector<1x1000x64xi32>
    %swap3A_159 = vector.shape_cast %swap3A_158 : vector<1x1000x64xi32> to vector<1000x64xi32>
    %swap3A_160 = vector.shape_cast %or3A_154 : vector<1000x64xi32> to vector<1x1000x64xi32>
    tpu.vector_store %arg3[%swap3A_155, %swap3A_156, %swap3A_157], %swap3A_160 {strides = array<i32>} : memref<8x1000x64xi32, #tpu.memory_space<vmem>>, vector<1x1000x64xi32>,
    %get3A_161 = arith.constant 3 : index
    %get3A_162 = arith.constant 0 : index
    %get3A_163 = arith.constant 0 : index
    %get3A_164 = vector.load %arg1[%get3A_161, %get3A_162, %get3A_163] : memref<8x1000x64xf32, #tpu.memory_space<vmem>>, vector<1x1000x64xf32>
    %get3A_165 = vector.shape_cast %get3A_164 : vector<1x1000x64xf32> to vector<1000x64xf32>
    %get3A_166 = arith.constant 3 : index
    %get3A_167 = arith.constant 0 : index
    %get3A_168 = arith.constant 0 : index
    %get3A_169 = vector.load %arg2[%get3A_166, %get3A_167, %get3A_168] : memref<8x1000x64xf32, #tpu.memory_space<vmem>>, vector<1x1000x64xf32>
    %get3A_170 = vector.shape_cast %get3A_169 : vector<1x1000x64xf32> to vector<1000x64xf32>
    %add3A_171 = arith.addf %get3A_165, %get3A_170 : vector<1000x64xf32>
    %mul3A_172 = arith.mulf %add3A_171, %convert_element_type3A_4 : vector<1000x64xf32>
    %concatenate3A_173 = tpu.concatenate %add3A_171, %mul3A_172 in 1 : vector<1000x64xf32>, vector<1000x64xf32> -> vector<1000x128xf32>
    %convert_element_type3A_174 = arith.truncf %concatenate3A_173 : vector<1000x128xf32> to vector<1000x128xbf16>
    %convert_element_type3A_175 = arith.extf %convert_element_type3A_174 : vector<1000x128xbf16> to vector<1000x128xf32>
    %sub3A_176 = arith.subf %concatenate3A_173, %convert_element_type3A_175 : vector<1000x128xf32>
    %convert_element_type3A_177 = arith.truncf %sub3A_176 : vector<1000x128xf32> to vector<1000x128xbf16>
    %dot_general3A_178 = arith.constant dense<0.000000e+00> : vector<1000x128xf32>
    %dot_general3A_179 = tpu.matmul %convert_element_type3A, %convert_element_type3A_174, %dot_general3A_178 {dimension_numbers = #tpu.dot_dimension_numbers<[1], [0], [0], [1], [0, 0, 1, 1], [], []>, transpose_lhs_hint = false} : vector<1000x1000xbf16>, vector<1000x128xbf16>, vector<1000x128xf32> -> vector<1000x128xf32>
    %dot_general3A_180 = arith.constant dense<0.000000e+00> : vector<1000x128xf32>
    %dot_general3A_181 = tpu.matmul %convert_element_type3A, %convert_element_type3A_177, %dot_general3A_180 {dimension_numbers = #tpu.dot_dimension_numbers<[1], [0], [0], [1], [0, 0, 1, 1], [], []>, transpose_lhs_hint = false} : vector<1000x1000xbf16>, vector<1000x128xbf16>, vector<1000x128xf32> -> vector<1000x128xf32>
    %add3A_182 = arith.addf %dot_general3A_179, %dot_general3A_181 : vector<1000x128xf32>
    %reduce_sum3A_183 = arith.constant dense<0.000000e+00> : vector<64xf32>
    %reduce_sum3A_184 = vector.multi_reduction <add>, %get3A_170, %reduce_sum3A_183 [0] : vector<1000x64xf32> to vector<64xf32>
    %broadcast_in_dim3A_185 = vector.shape_cast %reduce_sum3A_184 : vector<64xf32> to vector<1x64xf32>
    %mul3A_186 = arith.mulf %get3A_170, %convert_element_type3A_4 : vector<1000x64xf32>
    %reduce_sum3A_187 = arith.constant dense<0.000000e+00> : vector<64xf32>
    %reduce_sum3A_188 = vector.multi_reduction <add>, %mul3A_186, %reduce_sum3A_187 [0] : vector<1000x64xf32> to vector<64xf32>
    %broadcast_in_dim3A_189 = vector.shape_cast %reduce_sum3A_188 : vector<64xf32> to vector<1x64xf32>
    %slice3A_190 = vector.extract_strided_slice %add3A_182 {offsets = [0, 0], sizes = [1000, 64], strides = [1, 1]} : vector<1000x128xf32> to vector<1000x64xf32>
    %sub3A_191 = vector.broadcast %broadcast_in_dim3A_185 : vector<1x64xf32> to vector<1000x64xf32>
    %sub3A_192 = arith.subf %slice3A_190, %sub3A_191 : vector<1000x64xf32>
    %mul3A_193 = arith.mulf %convert_element_type3A_4, %sub3A_192 : vector<1000x64xf32>
    %slice3A_194 = vector.extract_strided_slice %add3A_182 {offsets = [0, 64], sizes = [1000, 64], strides = [1, 1]} : vector<1000x128xf32> to vector<1000x64xf32>
    %sub3A_195 = vector.broadcast %broadcast_in_dim3A_189 : vector<1x64xf32> to vector<1000x64xf32>
    %sub3A_196 = arith.subf %sub3A_195, %slice3A_194 : vector<1000x64xf32>
    %add3A_197 = arith.addf %mul3A_193, %sub3A_196 : vector<1000x64xf32>
    %mul3A_198 = arith.constant 0.998046875 : f32
    %mul3A_199 = vector.broadcast %mul3A_198 : f32 to vector<1000x64xf32>
    %mul3A_200 = arith.mulf %add3A_197, %mul3A_199 : vector<1000x64xf32>
    %convert_element_type3A_201 = arith.truncf %mul3A_200 : vector<1000x64xf32> to vector<1000x64xbf16>
    %bitcast_convert_type3A_202 = tpu.bitcast %convert_element_type3A_201 : vector<1000x64xbf16> -> vector<1000x64xi16>
    %convert_element_type3A_203 = arith.extui %bitcast_convert_type3A_202 : vector<1000x64xi16> to vector<1000x64xi32>
    %convert_element_type3A_204 = arith.truncf %sub3A_192 : vector<1000x64xf32> to vector<1000x64xbf16>
    %bitcast_convert_type3A_205 = tpu.bitcast %convert_element_type3A_204 : vector<1000x64xbf16> -> vector<1000x64xi16>
    %convert_element_type3A_206 = arith.extui %bitcast_convert_type3A_205 : vector<1000x64xi16> to vector<1000x64xi32>
    %shift_left3A_207 = arith.constant 16 : i32
    %shift_left3A_208 = vector.broadcast %shift_left3A_207 : i32 to vector<1000x64xi32>
    %shift_left3A_209 = arith.shli %convert_element_type3A_203, %shift_left3A_208 : vector<1000x64xi32>
    %or3A_210 = arith.ori %shift_left3A_209, %convert_element_type3A_206 : vector<1000x64xi32>
    %swap3A_211 = arith.constant 3 : index
    %swap3A_212 = arith.constant 0 : index
    %swap3A_213 = arith.constant 0 : index
    %swap3A_214 = vector.load %arg3[%swap3A_211, %swap3A_212, %swap3A_213] : memref<8x1000x64xi32, #tpu.memory_space<vmem>>, vector<1x1000x64xi32>
    %swap3A_215 = vector.shape_cast %swap3A_214 : vector<1x1000x64xi32> to vector<1000x64xi32>
    %swap3A_216 = vector.shape_cast %or3A_210 : vector<1000x64xi32> to vector<1x1000x64xi32>
    tpu.vector_store %arg3[%swap3A_211, %swap3A_212, %swap3A_213], %swap3A_216 {strides = array<i32>} : memref<8x1000x64xi32, #tpu.memory_space<vmem>>, vector<1x1000x64xi32>,
    %get3A_217 = arith.constant 4 : index
    %get3A_218 = arith.constant 0 : index
    %get3A_219 = arith.constant 0 : index
    %get3A_220 = vector.load %arg1[%get3A_217, %get3A_218, %get3A_219] : memref<8x1000x64xf32, #tpu.memory_space<vmem>>, vector<1x1000x64xf32>
    %get3A_221 = vector.shape_cast %get3A_220 : vector<1x1000x64xf32> to vector<1000x64xf32>
    %get3A_222 = arith.constant 4 : index
    %get3A_223 = arith.constant 0 : index
    %get3A_224 = arith.constant 0 : index
    %get3A_225 = vector.load %arg2[%get3A_222, %get3A_223, %get3A_224] : memref<8x1000x64xf32, #tpu.memory_space<vmem>>, vector<1x1000x64xf32>
    %get3A_226 = vector.shape_cast %get3A_225 : vector<1x1000x64xf32> to vector<1000x64xf32>
    %add3A_227 = arith.addf %get3A_221, %get3A_226 : vector<1000x64xf32>
    %mul3A_228 = arith.mulf %add3A_227, %convert_element_type3A_4 : vector<1000x64xf32>
    %concatenate3A_229 = tpu.concatenate %add3A_227, %mul3A_228 in 1 : vector<1000x64xf32>, vector<1000x64xf32> -> vector<1000x128xf32>
    %convert_element_type3A_230 = arith.truncf %concatenate3A_229 : vector<1000x128xf32> to vector<1000x128xbf16>
    %convert_element_type3A_231 = arith.extf %convert_element_type3A_230 : vector<1000x128xbf16> to vector<1000x128xf32>
    %sub3A_232 = arith.subf %concatenate3A_229, %convert_element_type3A_231 : vector<1000x128xf32>
    %convert_element_type3A_233 = arith.truncf %sub3A_232 : vector<1000x128xf32> to vector<1000x128xbf16>
    %dot_general3A_234 = arith.constant dense<0.000000e+00> : vector<1000x128xf32>
    %dot_general3A_235 = tpu.matmul %convert_element_type3A, %convert_element_type3A_230, %dot_general3A_234 {dimension_numbers = #tpu.dot_dimension_numbers<[1], [0], [0], [1], [0, 0, 1, 1], [], []>, transpose_lhs_hint = false} : vector<1000x1000xbf16>, vector<1000x128xbf16>, vector<1000x128xf32> -> vector<1000x128xf32>
    %dot_general3A_236 = arith.constant dense<0.000000e+00> : vector<1000x128xf32>
    %dot_general3A_237 = tpu.matmul %convert_element_type3A, %convert_element_type3A_233, %dot_general3A_236 {dimension_numbers = #tpu.dot_dimension_numbers<[1], [0], [0], [1], [0, 0, 1, 1], [], []>, transpose_lhs_hint = false} : vector<1000x1000xbf16>, vector<1000x128xbf16>, vector<1000x128xf32> -> vector<1000x128xf32>
    %add3A_238 = arith.addf %dot_general3A_235, %dot_general3A_237 : vector<1000x128xf32>
    %reduce_sum3A_239 = arith.constant dense<0.000000e+00> : vector<64xf32>
    %reduce_sum3A_240 = vector.multi_reduction <add>, %get3A_226, %reduce_sum3A_239 [0] : vector<1000x64xf32> to vector<64xf32>
    %broadcast_in_dim3A_241 = vector.shape_cast %reduce_sum3A_240 : vector<64xf32> to vector<1x64xf32>
    %mul3A_242 = arith.mulf %get3A_226, %convert_element_type3A_4 : vector<1000x64xf32>
    %reduce_sum3A_243 = arith.constant dense<0.000000e+00> : vector<64xf32>
    %reduce_sum3A_244 = vector.multi_reduction <add>, %mul3A_242, %reduce_sum3A_243 [0] : vector<1000x64xf32> to vector<64xf32>
    %broadcast_in_dim3A_245 = vector.shape_cast %reduce_sum3A_244 : vector<64xf32> to vector<1x64xf32>
    %slice3A_246 = vector.extract_strided_slice %add3A_238 {offsets = [0, 0], sizes = [1000, 64], strides = [1, 1]} : vector<1000x128xf32> to vector<1000x64xf32>
    %sub3A_247 = vector.broadcast %broadcast_in_dim3A_241 : vector<1x64xf32> to vector<1000x64xf32>
    %sub3A_248 = arith.subf %slice3A_246, %sub3A_247 : vector<1000x64xf32>
    %mul3A_249 = arith.mulf %convert_element_type3A_4, %sub3A_248 : vector<1000x64xf32>
    %slice3A_250 = vector.extract_strided_slice %add3A_238 {offsets = [0, 64], sizes = [1000, 64], strides = [1, 1]} : vector<1000x128xf32> to vector<1000x64xf32>
    %sub3A_251 = vector.broadcast %broadcast_in_dim3A_245 : vector<1x64xf32> to vector<1000x64xf32>
    %sub3A_252 = arith.subf %sub3A_251, %slice3A_250 : vector<1000x64xf32>
    %add3A_253 = arith.addf %mul3A_249, %sub3A_252 : vector<1000x64xf32>
    %mul3A_254 = arith.constant 0.998046875 : f32
    %mul3A_255 = vector.broadcast %mul3A_254 : f32 to vector<1000x64xf32>
    %mul3A_256 = arith.mulf %add3A_253, %mul3A_255 : vector<1000x64xf32>
    %convert_element_type3A_257 = arith.truncf %mul3A_256 : vector<1000x64xf32> to vector<1000x64xbf16>
    %bitcast_convert_type3A_258 = tpu.bitcast %convert_element_type3A_257 : vector<1000x64xbf16> -> vector<1000x64xi16>
    %convert_element_type3A_259 = arith.extui %bitcast_convert_type3A_258 : vector<1000x64xi16> to vector<1000x64xi32>
    %convert_element_type3A_260 = arith.truncf %sub3A_248 : vector<1000x64xf32> to vector<1000x64xbf16>
    %bitcast_convert_type3A_261 = tpu.bitcast %convert_element_type3A_260 : vector<1000x64xbf16> -> vector<1000x64xi16>
    %convert_element_type3A_262 = arith.extui %bitcast_convert_type3A_261 : vector<1000x64xi16> to vector<1000x64xi32>
    %shift_left3A_263 = arith.constant 16 : i32
    %shift_left3A_264 = vector.broadcast %shift_left3A_263 : i32 to vector<1000x64xi32>
    %shift_left3A_265 = arith.shli %convert_element_type3A_259, %shift_left3A_264 : vector<1000x64xi32>
    %or3A_266 = arith.ori %shift_left3A_265, %convert_element_type3A_262 : vector<1000x64xi32>
    %swap3A_267 = arith.constant 4 : index
    %swap3A_268 = arith.constant 0 : index
    %swap3A_269 = arith.constant 0 : index
    %swap3A_270 = vector.load %arg3[%swap3A_267, %swap3A_268, %swap3A_269] : memref<8x1000x64xi32, #tpu.memory_space<vmem>>, vector<1x1000x64xi32>
    %swap3A_271 = vector.shape_cast %swap3A_270 : vector<1x1000x64xi32> to vector<1000x64xi32>
    %swap3A_272 = vector.shape_cast %or3A_266 : vector<1000x64xi32> to vector<1x1000x64xi32>
    tpu.vector_store %arg3[%swap3A_267, %swap3A_268, %swap3A_269], %swap3A_272 {strides = array<i32>} : memref<8x1000x64xi32, #tpu.memory_space<vmem>>, vector<1x1000x64xi32>,
    %get3A_273 = arith.constant 5 : index
    %get3A_274 = arith.constant 0 : index
    %get3A_275 = arith.constant 0 : index
    %get3A_276 = vector.load %arg1[%get3A_273, %get3A_274, %get3A_275] : memref<8x1000x64xf32, #tpu.memory_space<vmem>>, vector<1x1000x64xf32>
    %get3A_277 = vector.shape_cast %get3A_276 : vector<1x1000x64xf32> to vector<1000x64xf32>
    %get3A_278 = arith.constant 5 : index
    %get3A_279 = arith.constant 0 : index
    %get3A_280 = arith.constant 0 : index
    %get3A_281 = vector.load %arg2[%get3A_278, %get3A_279, %get3A_280] : memref<8x1000x64xf32, #tpu.memory_space<vmem>>, vector<1x1000x64xf32>
    %get3A_282 = vector.shape_cast %get3A_281 : vector<1x1000x64xf32> to vector<1000x64xf32>
    %add3A_283 = arith.addf %get3A_277, %get3A_282 : vector<1000x64xf32>
    %mul3A_284 = arith.mulf %add3A_283, %convert_element_type3A_4 : vector<1000x64xf32>
    %concatenate3A_285 = tpu.concatenate %add3A_283, %mul3A_284 in 1 : vector<1000x64xf32>, vector<1000x64xf32> -> vector<1000x128xf32>
    %convert_element_type3A_286 = arith.truncf %concatenate3A_285 : vector<1000x128xf32> to vector<1000x128xbf16>
    %convert_element_type3A_287 = arith.extf %convert_element_type3A_286 : vector<1000x128xbf16> to vector<1000x128xf32>
    %sub3A_288 = arith.subf %concatenate3A_285, %convert_element_type3A_287 : vector<1000x128xf32>
    %convert_element_type3A_289 = arith.truncf %sub3A_288 : vector<1000x128xf32> to vector<1000x128xbf16>
    %dot_general3A_290 = arith.constant dense<0.000000e+00> : vector<1000x128xf32>
    %dot_general3A_291 = tpu.matmul %convert_element_type3A, %convert_element_type3A_286, %dot_general3A_290 {dimension_numbers = #tpu.dot_dimension_numbers<[1], [0], [0], [1], [0, 0, 1, 1], [], []>, transpose_lhs_hint = false} : vector<1000x1000xbf16>, vector<1000x128xbf16>, vector<1000x128xf32> -> vector<1000x128xf32>
    %dot_general3A_292 = arith.constant dense<0.000000e+00> : vector<1000x128xf32>
    %dot_general3A_293 = tpu.matmul %convert_element_type3A, %convert_element_type3A_289, %dot_general3A_292 {dimension_numbers = #tpu.dot_dimension_numbers<[1], [0], [0], [1], [0, 0, 1, 1], [], []>, transpose_lhs_hint = false} : vector<1000x1000xbf16>, vector<1000x128xbf16>, vector<1000x128xf32> -> vector<1000x128xf32>
    %add3A_294 = arith.addf %dot_general3A_291, %dot_general3A_293 : vector<1000x128xf32>
    %reduce_sum3A_295 = arith.constant dense<0.000000e+00> : vector<64xf32>
    %reduce_sum3A_296 = vector.multi_reduction <add>, %get3A_282, %reduce_sum3A_295 [0] : vector<1000x64xf32> to vector<64xf32>
    %broadcast_in_dim3A_297 = vector.shape_cast %reduce_sum3A_296 : vector<64xf32> to vector<1x64xf32>
    %mul3A_298 = arith.mulf %get3A_282, %convert_element_type3A_4 : vector<1000x64xf32>
    %reduce_sum3A_299 = arith.constant dense<0.000000e+00> : vector<64xf32>
    %reduce_sum3A_300 = vector.multi_reduction <add>, %mul3A_298, %reduce_sum3A_299 [0] : vector<1000x64xf32> to vector<64xf32>
    %broadcast_in_dim3A_301 = vector.shape_cast %reduce_sum3A_300 : vector<64xf32> to vector<1x64xf32>
    %slice3A_302 = vector.extract_strided_slice %add3A_294 {offsets = [0, 0], sizes = [1000, 64], strides = [1, 1]} : vector<1000x128xf32> to vector<1000x64xf32>
    %sub3A_303 = vector.broadcast %broadcast_in_dim3A_297 : vector<1x64xf32> to vector<1000x64xf32>
    %sub3A_304 = arith.subf %slice3A_302, %sub3A_303 : vector<1000x64xf32>
    %mul3A_305 = arith.mulf %convert_element_type3A_4, %sub3A_304 : vector<1000x64xf32>
    %slice3A_306 = vector.extract_strided_slice %add3A_294 {offsets = [0, 64], sizes = [1000, 64], strides = [1, 1]} : vector<1000x128xf32> to vector<1000x64xf32>
    %sub3A_307 = vector.broadcast %broadcast_in_dim3A_301 : vector<1x64xf32> to vector<1000x64xf32>
    %sub3A_308 = arith.subf %sub3A_307, %slice3A_306 : vector<1000x64xf32>
    %add3A_309 = arith.addf %mul3A_305, %sub3A_308 : vector<1000x64xf32>
    %mul3A_310 = arith.constant 0.998046875 : f32
    %mul3A_311 = vector.broadcast %mul3A_310 : f32 to vector<1000x64xf32>
    %mul3A_312 = arith.mulf %add3A_309, %mul3A_311 : vector<1000x64xf32>
    %convert_element_type3A_313 = arith.truncf %mul3A_312 : vector<1000x64xf32> to vector<1000x64xbf16>
    %bitcast_convert_type3A_314 = tpu.bitcast %convert_element_type3A_313 : vector<1000x64xbf16> -> vector<1000x64xi16>
    %convert_element_type3A_315 = arith.extui %bitcast_convert_type3A_314 : vector<1000x64xi16> to vector<1000x64xi32>
    %convert_element_type3A_316 = arith.truncf %sub3A_304 : vector<1000x64xf32> to vector<1000x64xbf16>
    %bitcast_convert_type3A_317 = tpu.bitcast %convert_element_type3A_316 : vector<1000x64xbf16> -> vector<1000x64xi16>
    %convert_element_type3A_318 = arith.extui %bitcast_convert_type3A_317 : vector<1000x64xi16> to vector<1000x64xi32>
    %shift_left3A_319 = arith.constant 16 : i32
    %shift_left3A_320 = vector.broadcast %shift_left3A_319 : i32 to vector<1000x64xi32>
    %shift_left3A_321 = arith.shli %convert_element_type3A_315, %shift_left3A_320 : vector<1000x64xi32>
    %or3A_322 = arith.ori %shift_left3A_321, %convert_element_type3A_318 : vector<1000x64xi32>
    %swap3A_323 = arith.constant 5 : index
    %swap3A_324 = arith.constant 0 : index
    %swap3A_325 = arith.constant 0 : index
    %swap3A_326 = vector.load %arg3[%swap3A_323, %swap3A_324, %swap3A_325] : memref<8x1000x64xi32, #tpu.memory_space<vmem>>, vector<1x1000x64xi32>
    %swap3A_327 = vector.shape_cast %swap3A_326 : vector<1x1000x64xi32> to vector<1000x64xi32>
    %swap3A_328 = vector.shape_cast %or3A_322 : vector<1000x64xi32> to vector<1x1000x64xi32>
    tpu.vector_store %arg3[%swap3A_323, %swap3A_324, %swap3A_325], %swap3A_328 {strides = array<i32>} : memref<8x1000x64xi32, #tpu.memory_space<vmem>>, vector<1x1000x64xi32>,
    %get3A_329 = arith.constant 6 : index
    %get3A_330 = arith.constant 0 : index
    %get3A_331 = arith.constant 0 : index
    %get3A_332 = vector.load %arg1[%get3A_329, %get3A_330, %get3A_331] : memref<8x1000x64xf32, #tpu.memory_space<vmem>>, vector<1x1000x64xf32>
    %get3A_333 = vector.shape_cast %get3A_332 : vector<1x1000x64xf32> to vector<1000x64xf32>
    %get3A_334 = arith.constant 6 : index
    %get3A_335 = arith.constant 0 : index
    %get3A_336 = arith.constant 0 : index
    %get3A_337 = vector.load %arg2[%get3A_334, %get3A_335, %get3A_336] : memref<8x1000x64xf32, #tpu.memory_space<vmem>>, vector<1x1000x64xf32>
    %get3A_338 = vector.shape_cast %get3A_337 : vector<1x1000x64xf32> to vector<1000x64xf32>
    %add3A_339 = arith.addf %get3A_333, %get3A_338 : vector<1000x64xf32>
    %mul3A_340 = arith.mulf %add3A_339, %convert_element_type3A_4 : vector<1000x64xf32>
    %concatenate3A_341 = tpu.concatenate %add3A_339, %mul3A_340 in 1 : vector<1000x64xf32>, vector<1000x64xf32> -> vector<1000x128xf32>
    %convert_element_type3A_342 = arith.truncf %concatenate3A_341 : vector<1000x128xf32> to vector<1000x128xbf16>
    %convert_element_type3A_343 = arith.extf %convert_element_type3A_342 : vector<1000x128xbf16> to vector<1000x128xf32>
    %sub3A_344 = arith.subf %concatenate3A_341, %convert_element_type3A_343 : vector<1000x128xf32>
    %convert_element_type3A_345 = arith.truncf %sub3A_344 : vector<1000x128xf32> to vector<1000x128xbf16>
    %dot_general3A_346 = arith.constant dense<0.000000e+00> : vector<1000x128xf32>
    %dot_general3A_347 = tpu.matmul %convert_element_type3A, %convert_element_type3A_342, %dot_general3A_346 {dimension_numbers = #tpu.dot_dimension_numbers<[1], [0], [0], [1], [0, 0, 1, 1], [], []>, transpose_lhs_hint = false} : vector<1000x1000xbf16>, vector<1000x128xbf16>, vector<1000x128xf32> -> vector<1000x128xf32>
    %dot_general3A_348 = arith.constant dense<0.000000e+00> : vector<1000x128xf32>
    %dot_general3A_349 = tpu.matmul %convert_element_type3A, %convert_element_type3A_345, %dot_general3A_348 {dimension_numbers = #tpu.dot_dimension_numbers<[1], [0], [0], [1], [0, 0, 1, 1], [], []>, transpose_lhs_hint = false} : vector<1000x1000xbf16>, vector<1000x128xbf16>, vector<1000x128xf32> -> vector<1000x128xf32>
    %add3A_350 = arith.addf %dot_general3A_347, %dot_general3A_349 : vector<1000x128xf32>
    %reduce_sum3A_351 = arith.constant dense<0.000000e+00> : vector<64xf32>
    %reduce_sum3A_352 = vector.multi_reduction <add>, %get3A_338, %reduce_sum3A_351 [0] : vector<1000x64xf32> to vector<64xf32>
    %broadcast_in_dim3A_353 = vector.shape_cast %reduce_sum3A_352 : vector<64xf32> to vector<1x64xf32>
    %mul3A_354 = arith.mulf %get3A_338, %convert_element_type3A_4 : vector<1000x64xf32>
    %reduce_sum3A_355 = arith.constant dense<0.000000e+00> : vector<64xf32>
    %reduce_sum3A_356 = vector.multi_reduction <add>, %mul3A_354, %reduce_sum3A_355 [0] : vector<1000x64xf32> to vector<64xf32>
    %broadcast_in_dim3A_357 = vector.shape_cast %reduce_sum3A_356 : vector<64xf32> to vector<1x64xf32>
    %slice3A_358 = vector.extract_strided_slice %add3A_350 {offsets = [0, 0], sizes = [1000, 64], strides = [1, 1]} : vector<1000x128xf32> to vector<1000x64xf32>
    %sub3A_359 = vector.broadcast %broadcast_in_dim3A_353 : vector<1x64xf32> to vector<1000x64xf32>
    %sub3A_360 = arith.subf %slice3A_358, %sub3A_359 : vector<1000x64xf32>
    %mul3A_361 = arith.mulf %convert_element_type3A_4, %sub3A_360 : vector<1000x64xf32>
    %slice3A_362 = vector.extract_strided_slice %add3A_350 {offsets = [0, 64], sizes = [1000, 64], strides = [1, 1]} : vector<1000x128xf32> to vector<1000x64xf32>
    %sub3A_363 = vector.broadcast %broadcast_in_dim3A_357 : vector<1x64xf32> to vector<1000x64xf32>
    %sub3A_364 = arith.subf %sub3A_363, %slice3A_362 : vector<1000x64xf32>
    %add3A_365 = arith.addf %mul3A_361, %sub3A_364 : vector<1000x64xf32>
    %mul3A_366 = arith.constant 0.998046875 : f32
    %mul3A_367 = vector.broadcast %mul3A_366 : f32 to vector<1000x64xf32>
    %mul3A_368 = arith.mulf %add3A_365, %mul3A_367 : vector<1000x64xf32>
    %convert_element_type3A_369 = arith.truncf %mul3A_368 : vector<1000x64xf32> to vector<1000x64xbf16>
    %bitcast_convert_type3A_370 = tpu.bitcast %convert_element_type3A_369 : vector<1000x64xbf16> -> vector<1000x64xi16>
    %convert_element_type3A_371 = arith.extui %bitcast_convert_type3A_370 : vector<1000x64xi16> to vector<1000x64xi32>
    %convert_element_type3A_372 = arith.truncf %sub3A_360 : vector<1000x64xf32> to vector<1000x64xbf16>
    %bitcast_convert_type3A_373 = tpu.bitcast %convert_element_type3A_372 : vector<1000x64xbf16> -> vector<1000x64xi16>
    %convert_element_type3A_374 = arith.extui %bitcast_convert_type3A_373 : vector<1000x64xi16> to vector<1000x64xi32>
    %shift_left3A_375 = arith.constant 16 : i32
    %shift_left3A_376 = vector.broadcast %shift_left3A_375 : i32 to vector<1000x64xi32>
    %shift_left3A_377 = arith.shli %convert_element_type3A_371, %shift_left3A_376 : vector<1000x64xi32>
    %or3A_378 = arith.ori %shift_left3A_377, %convert_element_type3A_374 : vector<1000x64xi32>
    %swap3A_379 = arith.constant 6 : index
    %swap3A_380 = arith.constant 0 : index
    %swap3A_381 = arith.constant 0 : index
    %swap3A_382 = vector.load %arg3[%swap3A_379, %swap3A_380, %swap3A_381] : memref<8x1000x64xi32, #tpu.memory_space<vmem>>, vector<1x1000x64xi32>
    %swap3A_383 = vector.shape_cast %swap3A_382 : vector<1x1000x64xi32> to vector<1000x64xi32>
    %swap3A_384 = vector.shape_cast %or3A_378 : vector<1000x64xi32> to vector<1x1000x64xi32>
    tpu.vector_store %arg3[%swap3A_379, %swap3A_380, %swap3A_381], %swap3A_384 {strides = array<i32>} : memref<8x1000x64xi32, #tpu.memory_space<vmem>>, vector<1x1000x64xi32>,
    %get3A_385 = arith.constant 7 : index
    %get3A_386 = arith.constant 0 : index
    %get3A_387 = arith.constant 0 : index
    %get3A_388 = vector.load %arg1[%get3A_385, %get3A_386, %get3A_387] : memref<8x1000x64xf32, #tpu.memory_space<vmem>>, vector<1x1000x64xf32>
    %get3A_389 = vector.shape_cast %get3A_388 : vector<1x1000x64xf32> to vector<1000x64xf32>
    %get3A_390 = arith.constant 7 : index
    %get3A_391 = arith.constant 0 : index
    %get3A_392 = arith.constant 0 : index
    %get3A_393 = vector.load %arg2[%get3A_390, %get3A_391, %get3A_392] : memref<8x1000x64xf32, #tpu.memory_space<vmem>>, vector<1x1000x64xf32>
    %get3A_394 = vector.shape_cast %get3A_393 : vector<1x1000x64xf32> to vector<1000x64xf32>
    %add3A_395 = arith.addf %get3A_389, %get3A_394 : vector<1000x64xf32>
    %mul3A_396 = arith.mulf %add3A_395, %convert_element_type3A_4 : vector<1000x64xf32>
    %concatenate3A_397 = tpu.concatenate %add3A_395, %mul3A_396 in 1 : vector<1000x64xf32>, vector<1000x64xf32> -> vector<1000x128xf32>
    %convert_element_type3A_398 = arith.truncf %concatenate3A_397 : vector<1000x128xf32> to vector<1000x128xbf16>
    %convert_element_type3A_399 = arith.extf %convert_element_type3A_398 : vector<1000x128xbf16> to vector<1000x128xf32>
    %sub3A_400 = arith.subf %concatenate3A_397, %convert_element_type3A_399 : vector<1000x128xf32>
    %convert_element_type3A_401 = arith.truncf %sub3A_400 : vector<1000x128xf32> to vector<1000x128xbf16>
    %dot_general3A_402 = arith.constant dense<0.000000e+00> : vector<1000x128xf32>
    %dot_general3A_403 = tpu.matmul %convert_element_type3A, %convert_element_type3A_398, %dot_general3A_402 {dimension_numbers = #tpu.dot_dimension_numbers<[1], [0], [0], [1], [0, 0, 1, 1], [], []>, transpose_lhs_hint = false} : vector<1000x1000xbf16>, vector<1000x128xbf16>, vector<1000x128xf32> -> vector<1000x128xf32>
    %dot_general3A_404 = arith.constant dense<0.000000e+00> : vector<1000x128xf32>
    %dot_general3A_405 = tpu.matmul %convert_element_type3A, %convert_element_type3A_401, %dot_general3A_404 {dimension_numbers = #tpu.dot_dimension_numbers<[1], [0], [0], [1], [0, 0, 1, 1], [], []>, transpose_lhs_hint = false} : vector<1000x1000xbf16>, vector<1000x128xbf16>, vector<1000x128xf32> -> vector<1000x128xf32>
    %add3A_406 = arith.addf %dot_general3A_403, %dot_general3A_405 : vector<1000x128xf32>
    %reduce_sum3A_407 = arith.constant dense<0.000000e+00> : vector<64xf32>
    %reduce_sum3A_408 = vector.multi_reduction <add>, %get3A_394, %reduce_sum3A_407 [0] : vector<1000x64xf32> to vector<64xf32>
    %broadcast_in_dim3A_409 = vector.shape_cast %reduce_sum3A_408 : vector<64xf32> to vector<1x64xf32>
    %mul3A_410 = arith.mulf %get3A_394, %convert_element_type3A_4 : vector<1000x64xf32>
    %reduce_sum3A_411 = arith.constant dense<0.000000e+00> : vector<64xf32>
    %reduce_sum3A_412 = vector.multi_reduction <add>, %mul3A_410, %reduce_sum3A_411 [0] : vector<1000x64xf32> to vector<64xf32>
    %broadcast_in_dim3A_413 = vector.shape_cast %reduce_sum3A_412 : vector<64xf32> to vector<1x64xf32>
    %slice3A_414 = vector.extract_strided_slice %add3A_406 {offsets = [0, 0], sizes = [1000, 64], strides = [1, 1]} : vector<1000x128xf32> to vector<1000x64xf32>
    %sub3A_415 = vector.broadcast %broadcast_in_dim3A_409 : vector<1x64xf32> to vector<1000x64xf32>
    %sub3A_416 = arith.subf %slice3A_414, %sub3A_415 : vector<1000x64xf32>
    %mul3A_417 = arith.mulf %convert_element_type3A_4, %sub3A_416 : vector<1000x64xf32>
    %slice3A_418 = vector.extract_strided_slice %add3A_406 {offsets = [0, 64], sizes = [1000, 64], strides = [1, 1]} : vector<1000x128xf32> to vector<1000x64xf32>
    %sub3A_419 = vector.broadcast %broadcast_in_dim3A_413 : vector<1x64xf32> to vector<1000x64xf32>
    %sub3A_420 = arith.subf %sub3A_419, %slice3A_418 : vector<1000x64xf32>
    %add3A_421 = arith.addf %mul3A_417, %sub3A_420 : vector<1000x64xf32>
    %mul3A_422 = arith.constant 0.998046875 : f32
    %mul3A_423 = vector.broadcast %mul3A_422 : f32 to vector<1000x64xf32>
    %mul3A_424 = arith.mulf %add3A_421, %mul3A_423 : vector<1000x64xf32>
    %convert_element_type3A_425 = arith.truncf %mul3A_424 : vector<1000x64xf32> to vector<1000x64xbf16>
    %bitcast_convert_type3A_426 = tpu.bitcast %convert_element_type3A_425 : vector<1000x64xbf16> -> vector<1000x64xi16>
    %convert_element_type3A_427 = arith.extui %bitcast_convert_type3A_426 : vector<1000x64xi16> to vector<1000x64xi32>
    %convert_element_type3A_428 = arith.truncf %sub3A_416 : vector<1000x64xf32> to vector<1000x64xbf16>
    %bitcast_convert_type3A_429 = tpu.bitcast %convert_element_type3A_428 : vector<1000x64xbf16> -> vector<1000x64xi16>
    %convert_element_type3A_430 = arith.extui %bitcast_convert_type3A_429 : vector<1000x64xi16> to vector<1000x64xi32>
    %shift_left3A_431 = arith.constant 16 : i32
    %shift_left3A_432 = vector.broadcast %shift_left3A_431 : i32 to vector<1000x64xi32>
    %shift_left3A_433 = arith.shli %convert_element_type3A_427, %shift_left3A_432 : vector<1000x64xi32>
    %or3A_434 = arith.ori %shift_left3A_433, %convert_element_type3A_430 : vector<1000x64xi32>
    %swap3A_435 = arith.constant 7 : index
    %swap3A_436 = arith.constant 0 : index
    %swap3A_437 = arith.constant 0 : index
    %swap3A_438 = vector.load %arg3[%swap3A_435, %swap3A_436, %swap3A_437] : memref<8x1000x64xi32, #tpu.memory_space<vmem>>, vector<1x1000x64xi32>
    %swap3A_439 = vector.shape_cast %swap3A_438 : vector<1x1000x64xi32> to vector<1000x64xi32>
    %swap3A_440 = vector.shape_cast %or3A_434 : vector<1000x64xi32> to vector<1x1000x64xi32>
    tpu.vector_store %arg3[%swap3A_435, %swap3A_436, %swap3A_437], %swap3A_440 {strides = array<i32>} : memref<8x1000x64xi32, #tpu.memory_space<vmem>>, vector<1x1000x64xi32>,
    return
  }
  func.func @transform_0(%arg0: i32) -> (i32, i32, i32) {
    %c0_i32 = arith.constant 0 : i32
    %c0_i32_0 = arith.constant 0 : i32
    %c0_i32_1 = arith.constant 0 : i32
    return %arg0, %c0_i32, %c0_i32_0 : i32, i32, i32
  }
  func.func @transform_1(%arg0: i32) -> (i32, i32, i32) {
    %c0_i32 = arith.constant 0 : i32
    %c0_i32_0 = arith.constant 0 : i32
    %c0_i32_1 = arith.constant 0 : i32
    return %arg0, %c0_i32, %c0_i32_0 : i32, i32, i32
  }
  func.func @transform_2(%arg0: i32) -> (i32, i32, i32) {
    %c0_i32 = arith.constant 0 : i32
    %c0_i32_0 = arith.constant 0 : i32
    %c0_i32_1 = arith.constant 0 : i32
    return %arg0, %c0_i32, %c0_i32_0 : i32, i32, i32
  }
}

module attributes {stable_mosaic.version = 14 : i64} {
  func.func @_prep_body(%arg0: memref<16384x128xf32, #tpu.memory_space<vmem>>, %arg1: memref<16384x128xf32, #tpu.memory_space<vmem>>, %arg2: memref<16384x128xi32, #tpu.memory_space<vmem>>) attributes {dimension_semantics = [], scalar_prefetch = 0 : i64, scratch_operands = 0 : i64, tpu.core_type = #tpu.core_type<tc>} {
    %get3A = arith.constant 0 : index
    %get3A_0 = arith.constant 0 : index
    %get3A_1 = vector.load %arg0[%get3A, %get3A_0] : memref<16384x128xf32, #tpu.memory_space<vmem>>, vector<16384x128xf32>
    %reduce_min3A = arith.constant dense<0x7F800000> : vector<128xf32>
    %reduce_min3A_2 = vector.multi_reduction <minimumf>, %get3A_1, %reduce_min3A [0] : vector<16384x128xf32> to vector<128xf32>
    %broadcast_in_dim3A = vector.shape_cast %reduce_min3A_2 : vector<128xf32> to vector<1x128xf32>
    %reduce_max3A = arith.constant dense<0xFF800000> : vector<128xf32>
    %reduce_max3A_3 = vector.multi_reduction <maximumf>, %get3A_1, %reduce_max3A [0] : vector<16384x128xf32> to vector<128xf32>
    %broadcast_in_dim3A_4 = vector.shape_cast %reduce_max3A_3 : vector<128xf32> to vector<1x128xf32>
    %sub3A = vector.broadcast %broadcast_in_dim3A : vector<1x128xf32> to vector<16384x128xf32>
    %sub3A_5 = arith.subf %get3A_1, %sub3A : vector<16384x128xf32>
    %sub3A_6 = arith.subf %broadcast_in_dim3A_4, %broadcast_in_dim3A : vector<1x128xf32>
    %add3A = arith.constant 9.99999997E-7 : f32
    %add3A_7 = vector.broadcast %add3A : f32 to vector<1x128xf32>
    %add3A_8 = arith.addf %sub3A_6, %add3A_7 : vector<1x128xf32>
    %div3A = vector.broadcast %add3A_8 : vector<1x128xf32> to vector<16384x128xf32>
    %div3A_9 = arith.divf %sub3A_5, %div3A : vector<16384x128xf32>
    %mul3A = arith.constant 9.990000e+02 : f32
    %mul3A_10 = vector.broadcast %mul3A : f32 to vector<16384x128xf32>
    %mul3A_11 = arith.mulf %div3A_9, %mul3A_10 : vector<16384x128xf32>
    %floor3A = math.floor %mul3A_11 : vector<16384x128xf32>
    %jit3A = arith.constant 0.000000e+00 : f32
    %jit3A_12 = arith.constant 998 : i32
    %max3A = vector.broadcast %jit3A : f32 to vector<16384x128xf32>
    %max3A_13 = arith.maximumf %max3A, %floor3A : vector<16384x128xf32>
    %convert_element_type3A = arith.sitofp %jit3A_12 : i32 to f32
    %min3A = vector.broadcast %convert_element_type3A : f32 to vector<16384x128xf32>
    %min3A_14 = arith.minimumf %min3A, %max3A_13 : vector<16384x128xf32>
    %iota3A = tpu.iota {dimensions = array<i32: 1>} : vector<16384x128xi32>
    %sub3A_15 = arith.subf %mul3A_11, %min3A_14 : vector<16384x128xf32>
    %swap3A = arith.constant 0 : index
    %swap3A_16 = arith.constant 0 : index
    %swap3A_17 = vector.load %arg1[%swap3A, %swap3A_16] : memref<16384x128xf32, #tpu.memory_space<vmem>>, vector<16384x128xf32>
    tpu.vector_store %arg1[%swap3A, %swap3A_16], %sub3A_15 {strides = array<i32>} : memref<16384x128xf32, #tpu.memory_space<vmem>>, vector<16384x128xf32>,
    %convert_element_type3A_18 = arith.fptosi %min3A_14 : vector<16384x128xf32> to vector<16384x128xi32>
    %mul3A_19 = arith.constant 1000 : i32
    %mul3A_20 = vector.broadcast %mul3A_19 : i32 to vector<16384x128xi32>
    %mul3A_21 = arith.muli %iota3A, %mul3A_20 : vector<16384x128xi32>
    %add3A_22 = arith.addi %convert_element_type3A_18, %mul3A_21 : vector<16384x128xi32>
    %swap3A_23 = arith.constant 0 : index
    %swap3A_24 = arith.constant 0 : index
    %swap3A_25 = vector.load %arg2[%swap3A_23, %swap3A_24] : memref<16384x128xi32, #tpu.memory_space<vmem>>, vector<16384x128xi32>
    tpu.vector_store %arg2[%swap3A_23, %swap3A_24], %add3A_22 {strides = array<i32>} : memref<16384x128xi32, #tpu.memory_space<vmem>>, vector<16384x128xi32>,
    return
  }
}

</mosaic_0001>

<sc_bundles>
// kernel: kernel.5.cloned.1.call-start
scs
__scs_entry_jumppad:
0x0: {  	(pc) =	sbr.rel $0x88, $3  }
0x1: {  	(tag) =	ssettag $0x0;
	lr =	simm.s32 $0x1  }
0x2: {  	[smem:$0x3F9E] =	sst lr;
	_ =	strace $0xD0000000  }
0x3: {  	_ = 	snop  }
0x4: {  	_ = 	snop  }
0x5: {  	_ = 	snop  }
0x6: {  	_ = 	snop  }
0x7: {  	_ = 	snop  }
__scs_overlays_trampoline_lowered:
0x8: {  	[smem:$0x3FAD] =	sst s0  }
0x9: {  	[smem:$0x3FAE] =	sst s1  }
0xa: {  	[smem:$0x3FAF] =	sst s2  }
0xb: {  	[smem:$0x3FB0] =	sst s3  }
0xc: {  	[smem:$0x3FB1] =	sst s4  }
0xd: {  	[smem:$0x3FB2] =	sst s5  }
0xe: {  	[smem:$0x3FB3] =	sst s6  }
0xf: {  	[smem:$0x3FB4] =	sst s7  }
0x10: {  	[smem:$0x3FB5] =	sst s8  }
0x11: {  	[smem:$0x3FB6] =	sst s9;
	s0 =	simm.s32 @!p0 $0x0  }
0x12: {  	s1 =	sld [smem:$0x3F9C];
	s0 =	simm.s32 @p0 $0x1  }
0x13: {  	[smem:$0x3FB7] =	sst s0;
	s0 =	simm.s32 @!p1 $0x0  }
0x14: {  	s2 =	sld [smem:$0x3F9B];
	s0 =	simm.s32 @p1 $0x1  }
0x15: {  	[smem:$0x3FB8] =	sst s0;
	s0 =	simm.s32 @!p2 $0x0  }
0x16: {  	s3 =	sld [smem:$0x3FDB];
	s0 =	simm.s32 @p2 $0x1  }
0x17: {  	s4 =	simm.s32 $0x1BF5;
	[smem:$0x3FBA] =	sst s0  }
0x18: {  	s0 =	sld [smem:$0x3F9D];
	_ =	swait.ge [sflag:s4], $0x0  }
0x19: {  	s7 =	sld [smem:$0x3F9E]  }
0x1a: {  	s8 =	sadd.s32 $0xFFFFE003, lr  }
0x1b: {  	s9 =	sadd.s32 $0xFFFFFEF7, lr;
	s5 =	simm.s32 $0xFFFFFFFF;
	p2 =	slt.u32 s8, $0xFFFFF086  }
0x1c: {  	p1 =	slt.u32 s9, $0xF7A;
	s5 =	simm.s32 @!p2 $0x0  }
0x1d: {  	s5 =	simm.s32 @p1 $0x1;
	p0 =	seq.s32 s7, s2  }
0x1e: {  	s7 =	smul.u32 @!p0 $0xF7A, s2;
	p2 =	seq.s32 @!p0 s5, $0x0  }
0x1f: {  	s9 =	smul.u32 $0xF7A, s1;
	s8 =	simm.s32 @!p0 $0x1BF5;
	p2 =	por !p2, p0  }
0x20: {  	[sflag:s8] =	ssyncset.s32 @!p0 $0xFFFFF086;
	s6 =	sadd.s32 @!p0 s3, s7;
	s7 =	simm.s32 @!p0 $0x108  }
0x21: {  	s3 =	sadd.s32 s3, s9;
	s6 =	sadd.s32 @!p0 $0x88, s6;
	s7 =	simm.s32 @p2 $0x1082  }
0x22: {  	[simem:s7], [sflag:s8] =	dma.local @!p0 [hbm:s6], $0xF7A  }
0x23: {  	s9 =	sor.u32 $0xD0000000, s2;
	s6 =	simm.s32 $0x108;
	_ =	swait.ge @!p0 [sflag:s8], $0x0  }
0x24: {  	s3 =	sadd.s32 $0x88, s3;
	s6 =	simm.s32 @!p1 $0x1082;
	[sflag:s4] =	ssyncset.s32 $0xFFFFF086  }
0x25: {  	[simem:s6], [sflag:s4] =	dma.local [hbm:s3], $0xF7A  }
0x26: {  	[smem:$0x3F9E] =	sst s1;
	(tag) =	ssettag s2;
	_ =	strace s9  }
0x27: {  	s1 =	sld [smem:$0x3FAE]  }
0x28: {  	s2 =	sld [smem:$0x3FAF]  }
0x29: {  	s4 =	sld [smem:$0x3FB1]  }
0x2a: {  	p0 =	seq.s32 s5, $0x0;
	s5 =	sld [smem:$0x3FB2]  }
0x2b: {  	s6 =	sld [smem:$0x3FB3]  }
0x2c: {  	s7 =	sld [smem:$0x3FB4]  }
0x2d: {  	s3 =	simm.s32 $0x108;
	s8 =	sld [smem:$0x3FB5]  }
0x2e: {  	s3 =	simm.s32 @!p0 $0x1082;
	s9 =	sld [smem:$0x3FB6]  }
0x2f: {  	lr =	sadd.s32 s0, s3;
	s0 =	sld [smem:$0x3FAD]  }
0x30: {  	s3 =	sld [smem:$0x3FB0]  }
0x31: {  	[smem:$0x3FB9] =	sst s10  }
0x32: {  	s10 =	sld [smem:$0x3FB7];
	_ =	sdelay $0x3  }
0x33: {  	p0 =	seq.s32 s10, $0x1;
	s10 =	sld [smem:$0x3FB9];
	_ =	sdelay $0x3  }
0x34: {  	[smem:$0x3FB9] =	sst s10  }
0x35: {  	s10 =	sld [smem:$0x3FB8];
	_ =	sdelay $0x3  }
0x36: {  	p1 =	seq.s32 s10, $0x1;
	s10 =	sld [smem:$0x3FB9];
	_ =	sdelay $0x3  }
0x37: {  	[smem:$0x3FB9] =	sst s10  }
0x38: {  	s10 =	sld [smem:$0x3FBA]  }
0x39: {  	_ = 	snop;
	(pc) =	sbr.ind lr, $3  }
0x3a: {  	_ = 	snop  }
0x3b: {  	_ = 	snop  }
0x3c: {  	p2 =	seq.s32 s10, $0x1;
	s10 =	sld [smem:$0x3FB9]  }
0x3d: {  	_ =	shalt  }
0x3e: {  	_ =	shalt  }
0x3f: {  	_ =	shalt  }
0x40: {  	_ =	shalt  }
0x41: {  	_ =	shalt  }
0x42: {  	_ =	shalt  }
0x43: {  	_ =	shalt  }
0x44: {  	_ =	shalt  }
0x45: {  	_ =	shalt  }
0x46: {  	_ =	shalt  }
0x47: {  	_ =	shalt  }
0x48: {  	_ =	shalt  }
0x49: {  	_ =	shalt  }
0x4a: {  	_ =	shalt  }
0x4b: {  	_ =	shalt  }
0x4c: {  	_ =	shalt  }
0x4d: {  	_ =	shalt  }
0x4e: {  	_ =	shalt  }
0x4f: {  	_ =	shalt  }
0x50: {  	_ =	shalt  }
0x51: {  	_ =	shalt  }
0x52: {  	_ =	shalt  }
0x53: {  	_ =	shalt  }
0x54: {  	_ =	shalt  }
0x55: {  	_ =	shalt  }
0x56: {  	_ =	shalt  }
0x57: {  	_ =	shalt  }
0x58: {  	_ =	shalt  }
0x59: {  	_ =	shalt  }
0x5a: {  	_ =	shalt  }
0x5b: {  	_ =	shalt  }
0x5c: {  	_ =	shalt  }
0x5d: {  	_ =	shalt  }
0x5e: {  	_ =	shalt  }
0x5f: {  	_ =	shalt  }
0x60: {  	_ =	shalt  }
0x61: {  	_ =	shalt  }
0x62: {  	_ =	shalt  }
0x63: {  	_ =	shalt  }
0x64: {  	_ =	shalt  }
0x65: {  	_ =	shalt  }
0x66: {  	_ =	shalt  }
0x67: {  	_ =	shalt  }
0x68: {  	_ =	shalt  }
0x69: {  	_ =	shalt  }
0x6a: {  	_ =	shalt  }
0x6b: {  	_ =	shalt  }
0x6c: {  	_ =	shalt  }
0x6d: {  	_ =	shalt  }
0x6e: {  	_ =	shalt  }
0x6f: {  	_ =	shalt  }
0x70: {  	_ =	shalt  }
0x71: {  	_ =	shalt  }
0x72: {  	_ =	shalt  }
0x73: {  	_ =	shalt  }
0x74: {  	_ =	shalt  }
0x75: {  	_ =	shalt  }
0x76: {  	_ =	shalt  }
0x77: {  	_ =	shalt  }
0x78: {  	_ =	shalt  }
0x79: {  	_ =	shalt  }
0x7a: {  	_ =	shalt  }
0x7b: {  	_ =	shalt  }
0x7c: {  	_ =	shalt  }
0x7d: {  	_ =	shalt  }
0x7e: {  	_ =	shalt  }
0x7f: {  	_ =	shalt  }
0x80: {  	_ =	shalt  }
0x81: {  	_ =	shalt  }
0x82: {  	_ =	shalt  }
0x83: {  	_ =	shalt  }
0x84: {  	_ =	shalt  }
0x85: {  	_ =	shalt  }
0x86: {  	_ =	shalt  }
0x87: {  	_ =	shalt  }
.Lfunc_end0:
.L_simem_size_0:
called_computation_lowered:
.L_overlay_start_0:
0x88: {  	s2 =	sld [smem:$0x3FD9]  }
0x89: {  	s3 =	sld [smem:$0x3FFE];
	_ =	sdelay $0x1  }
0x8a: {  	s1 =	srdreg.scid  }
0x8b: {  	s0 =	sand.u32 $0x1, s1  }
0x8c: {  	s17 =	sshll.u32 s0, $0xA;
	s2 =	sadd.s32 s3, s2  }
0x8d: {  	s2 =	sadd.s32 s2, s17  }
0x8e: {  	[smem:$0x3FC5] =	sst s2  }
0x8f: {  	_ = 	snop  }
0x90: {  	s2 =	sld [smem:$0x3FD0];
	(tm) =	ssettm $0x1  }
0x91: {  	s18 =	sld [smem:$0x3FFB];
	_ =	sdelay $0x3  }
0x92: {  	_ =	strace s18  }
0x93: {  	s3 =	sld [smem:$0x3FFC];
	_ =	sdelay $0x3  }
0x94: {  	_ =	strace s3  }
0x95: {  	s3 =	sld [smem:$0x3FFD];
	_ =	sdelay $0x3  }
0x96: {  	_ =	strace s3  }
0x97: {  	_ =	strace $0x8FFFFFFF  }
0x98: {  	s19 =	sld [smem:$0x3FDB];
	_ =	sdelay $0x1  }
0x99: {  	s4 =	simm.s32 $_scs_section_size  }
0x9a: {  	s5 =	simm.s32 $_size__tile_overlayer_lowered;
	s6 =	simm.s32 $_tile_overlayer_lowered  }
0x9b: {  	s22 =	simm.s32 $0x1BFF;
	s21 =	sshll.u32 s6, $0x1;
	s3 =	sadd.s32 s4, s19  }
0x9c: {  	s7 =	simm.s32 $0x0;
	s20 =	sshll.u32 s5, $0x1;
	s5 =	sadd.s32 s21, s3  }
0x9d: {  	[timem:s7], [sflag:s22] =	dma.local [hbm:s5], s20  }
0x9e: {  	_ =	swait.ge [sflag:s22], s20  }
0x9f: {  	s4 =	ssub.s32 $0x0, s20;
	[sflag:s22] =	ssyncset.done $0x0  }
0xa0: {  	[sflag:s22] =	ssyncadd.s32 s4;
	_ =	sdelay $0x1  }
0xa1: {  	s23 =	simm.s32 $0x1B8B  }
0xa2: {  	_ =	swait.ge [sflag:s23], $0x1  }
0xa3: {  	[sflag:s23] =	ssyncset.done $0x0  }
0xa4: {  	s25 =	simm.s32 $0x1B8E;
	s24 =	sld [smem:$0x3FFE];
	[sflag:s23] =	ssyncadd.s32 $0xFFFFFFFF  }
0xa5: {  	s26 =	simm.s32 $execute0_lowered;
	[smem:$0x3FD2] =	sst s25  }
0xa6: {  	s5 =	sshll.u32 s26, $0x1;
	_ =	strace $0x80000046;
	[dreg:$0x1] =	wrdreg $0xFFFFFFFF  }
0xa7: {  	s28 =	simm.s32 $_size_execute0_lowered;
	s3 =	sadd.s32 s3, s5;
	[dreg:$0x0] =	wrdreg $0x0  }
0xa8: {  	s5 =	sshll.u32 s28, $0x1;
	[dreg:$0x2] =	wrdreg s3  }
0xa9: {  	[dreg:$0x3] =	wrdreg s5  }
0xaa: {  	[dreg:$0x4] =	wrdreg $0xC0  }
0xab: {  	_ =	task [dreg:s7], $0x5FFFF  }
0xac: {  	[dreg:$0x1] =	wrdreg $0xFFFFFFFF  }
0xad: {  	[dreg:$0x0] =	wrdreg $0x60  }
0xae: {  	[dreg:$0x2] =	wrdreg s24  }
0xaf: {  	[dreg:$0x3] =	wrdreg s2  }
0xb0: {  	[dreg:$0x4] =	wrdreg $0x9  }
0xb1: {  	_ =	task.clear_ibuf [dreg:s7], $0x5FFFF;
	_ =	strace $0x90000046  }
0xb2: {  	s29 =	simm.s32 $0x9;
	_ =	strace $0x80000048  }
0xb3: {  	_ =	swait.ge [sflag:s29], $0x1  }
0xb4: {  	[sflag:s29] =	ssyncadd.s32 $0xFFFFFFFF  }
0xb5: {  	_ =	strace $0x90000048  }
0xb6: {  	_ =	sfence  }
0xb7: {  	s30 =	sld [smem:$0x0];
	_ =	sdelay $0x2  }
0xb8: {  	s31 =	sshll.u32 s1, $0xD;
	s1 =	sshrl.u32 s1, $0x2  }
0xb9: {  	s3 =	sand.u32 $0x4000, s31;
	s1 =	sadd.s32 s1, s30  }
0xba: {  	s0 =	sor.u32 s3, s0;
	s1 =	sshll.u32 s1, $0x11  }
0xbb: {  	s0 =	sor.u32 s1, s0  }
0xbc: {  	s0 =	sadd.s32 $0x8F2B, s0  }
0xbd: {  	[sflag:s0] =	ssyncadd.remote.s32 $0x1  }
0xbe: {  	_ =	sfence.sel $0xFFFF  }
0xbf: {  	[dreg:$0x0] =	wrdreg $0xFFFFFFFF;
	(pc) =	sbr.abs _section_cstart, $3  }
0xc0: {  	[dreg:$0x1] =	wrdreg $0xFFFFFFFF  }
0xc1: {  	_ =	task.clear_ibuf [dreg:s7], $0x2FFFF;
	_ =	strace $0x9FFFFFFF  }
0xc2: {  	(tm) =	ssettm $0x7FFFFFFF  }
0xc3: {  	_ =	shalt  }
tec
execute0_lowered:
.L_overlay_start_1:
0x0: {  	(tag) =	ssettag $0x1  }
0x1: {  	s0 =	rddreg [dreg:$0x0];
	s1 =	simm.s32 $0x0;
	s30 =	srdreg.scid  }
0x2: {  	s2 =	stileid.u32;
	s9 =	simm.s32 $0x5;
	s10 =	simm.s32 $0x800  }
0x3: {  	s11 =	simm.s32 $0x80;
	s12 =	simm.s32 $0x1010;
	s13 =	simm.s32 $0x3010  }
0x4: {  	s14 =	simm.s32 $0x100;
	s15 =	simm.s32 $0x5010;
	s16 =	simm.s32 $0x1  }
0x5: {  	s17 =	simm.s32 $0x7010;
	s18 =	simm.s32 $0x2;
	s19 =	simm.s32 $0x3  }
0x6: {  	s20 =	simm.s32 $0x4;
	[smem:$0x7FF] =	sst s1;
	s1 =	sand.u32 $0x1, s30  }
0x7: {  	s21 =	simm.s32 $0x9010;
	s25 =	simm.s32 $0x0;
	s3 =	ssub.s32 $0x2, s1  }
0x8: {  	s4 =	sadd.s32 $0xC00, s0;
	s5 =	sadd.s32 $0x13AC00, s0;
	s7 =	sshrl.u32 s3, $0x1  }
0x9: {  	s8 =	sshll.u32 s2, $0xA;
	s6 =	sadd.s32 $0xFAC00, s0;
	s31 =	ssub.s32 s3, s7  }
0xa: {  	_ =	strace $0x80000047;
	s1 =	sshll.u32 s1, $0x9;
	s0 =	smax.u32 s31, $0x1  }
0xb: {  	s7 =	sor.u32 s1, s8;
	s1 =	simm.s32 $0x0;
	[dreg:$0x3] =	wrdreg s0  }
.LBB2_1:
0xc: {  	[dreg:$0x4] =	wrdreg s1;
	s23 =	simm.s32 $0x0  }
.LBB2_2:
0xd: {  	s0 =	sshll.u32 s23, $0x4  }
0xe: {  	s24 =	sadd.s32 s7, s0  }
0xf: {  	s0 =	sshll.u32 s24, $0x4  }
0x10: {  	s1 =	sadd.s32 s5, s0  }
0x11: {  	[tilespmem:s25], [sflag:$0x5] =	stream.linear.gather [hbm4b:s1+s25], $0x800, $0x38;
	[tilespmem:$0x9410] =	vst v63  }
0x12: {  	_ =	swait.ge [sflag:s9], $0x800  }
0x13: {  	[sflag:s9] =	ssyncset.done $0x0  }
0x14: {  	s0 =	sadd.s32 s6, s0;
	[sflag:s9] =	ssyncadd.s32 $0xFFFFF800  }
0x15: {  	[tilespmem:s10], [sflag:$0x5] =	stream.linear.gather [hbm4b:s0+s25], $0x800, $0x38;
	[tilespmem:$0x9410] =	vst v63  }
0x16: {  	_ =	swait.ge [sflag:s9], $0x800  }
0x17: {  	[sflag:s9] =	ssyncset.done $0x0  }
0x18: {  	[sflag:s9] =	ssyncadd.s32 $0xFFFFF800  }
0x19: {  	[tilespmem:s12], [sflag:$0x1] =	stream.indirect.gather [hbm4b:s4+s11], $0x40, s25, s11, $0xb8;
	[tilespmem:$0x9410] =	vst v63  }
0x1a: {  	_ = 	snop  }
0x1b: {  	[tilespmem:s13], [sflag:$0x2] =	stream.indirect.gather [hbm4b:s4+s11], $0x40, s11, s11, $0xb8;
	[tilespmem:$0x9410] =	vst v63  }
0x1c: {  	s26 =	simm.s32 $0x0  }
0x1d: {  	[tilespmem:s15], [sflag:$0x3] =	stream.indirect.gather [hbm4b:s4+s11], $0x40, s14, s11, $0xb8;
	[tilespmem:$0x9410] =	vst v63  }
.LBB2_3:
0x1e: {  	_ =	swait.ge [sflag:s16], $0x2000;
	s28 =	sshllo.u32 s26, $0x2  }
0x1f: {  	[sflag:s16] =	ssyncset.done $0x0;
	s0 =	sshll.u32 s28, $0x9  }
0x20: {  	s1 =	simm.s32 $0x1090;
	[sflag:s16] =	ssyncadd.s32 $0xFFFFE000;
	s29 =	sshrl.u32 s0, $0x2  }
0x21: {  	[tilespmem:s17], [sflag:$0x4] =	stream.indirect.gather [hbm4b:s4+s11], $0x40, s29, s11, $0xb8;
	[tilespmem:$0x9410] =	vst v63  }
0x22: {  	v12 =	vld [tilespmem:s1+$0x40]  }
0x23: {  	v13 =	vld [tilespmem:s1+$0x50]  }
0x24: {  	v14 =	vld [tilespmem:s1+$0x60]  }
0x25: {  	v7 =	vld [tilespmem:s1+$0x0]  }
0x26: {  	v8 =	vld [tilespmem:s1+$0x10]  }
0x27: {  	v9 =	vld [tilespmem:s1+$0x20]  }
0x28: {  	v10 =	vld [tilespmem:s1+$0x30]  }
0x29: {  	v4 =	vld [tilespmem:s1+$0xFFFFFFC0]  }
0x2a: {  	v5 =	vld [tilespmem:s1+$0xFFFFFFD0]  }
0x2b: {  	v6 =	vld [tilespmem:s1+$0xFFFFFFE0]  }
0x2c: {  	s30 =	sshll.u32 s26, $0xB;
	v11 =	vld [tilespmem:s1+$0xFFFFFFF0]  }
0x2d: {  	s3 =	sshrl.u32 s30, $0x2;
	v0 =	vld [tilespmem:s1+$0xFFFFFF80]  }
0x2e: {  	s0 =	sadd.s32 $0x800, s3;
	s3 =	sand.u32 $0x78, s25;
	v1 =	vld [tilespmem:s1+$0xFFFFFF90]  }
0x2f: {  	s8 =	sand.u32 $0x4, s25;
	s3 =	sadd.s32 s3, s0;
	v16 =	vld [tilespmem:s1+$0xFFFFFFA0]  }
0x30: {  	v2 =	vimm.f32 $0.0e+00;
	s3 =	sadd.s32 s8, s3;
	v19 =	vld [tilespmem:s1+$0xFFFFFFB0];
	v15 =	vshll.u32 v12, $0x10  }
0x31: {  	v3 =	vld [tilespmem:s3+$0x0];
	v17 =	vshll.u32 v13, $0x10;
	v18 =	vshll.u32 v14, $0x10;
	v20 =	vshll.u32 v7, $0x10  }
0x32: {  	v21 =	vshll.u32 v8, $0x10;
	v22 =	vshll.u32 v9, $0x10;
	v23 =	vshll.u32 v4, $0x10  }
0x33: {  	v24 =	vshll.u32 v5, $0x10;
	v25 =	vshll.u32 v10, $0x10;
	v26 =	vshll.u32 v0, $0x10  }
0x34: {  	v35 =	vld [tilespmem:s1+$0x70];
	v27 =	vshll.u32 v6, $0x10;
	v28 =	vshll.u32 v11, $0x10;
	v30 =	vshll.u32 v1, $0x10  }
0x35: {  	v32 =	vshll.u32 v16, $0x10;
	v59 =	vshll.u32 v19, $0x10;
	v36 =	vadd.f32 v0, v2  }
0x36: {  	v37 =	vadd.f32 v1, v2;
	v29 =	vbroadcast v3, $0x0;
	v31 =	vbroadcast v3, $0x3  }
0x37: {  	v16 =	vadd.f32 v16, v2;
	v33 =	vbroadcast v3, $0x1;
	v34 =	vbroadcast v3, $0x2  }
0x38: {  	s3 =	simm.s32 $0x1190;
	v19 =	vadd.f32 v19, v2;
	v3 =	vmul.f32 v26, v29;
	v58 =	vmul.f32 v30, v29  }
0x39: {  	v0 =	vld [tilespmem:s3+$0x40];
	v62 =	vshll.u32 v35, $0x10;
	v32 =	vmul.f32 v32, v29;
	v29 =	vmul.f32 v59, v29  }
0x3a: {  	v1 =	vld [tilespmem:s3+$0x50];
	v23 =	vmul.f32 v23, v33;
	v60 =	vadd.f32 v3, v36;
	v26 =	vadd.f32 v58, v37  }
0x3b: {  	v2 =	vld [tilespmem:s3+$0x60];
	v24 =	vmul.f32 v24, v33;
	v16 =	vadd.f32 v32, v16;
	v19 =	vadd.f32 v29, v19  }
0x3c: {  	v27 =	vmul.f32 v27, v33;
	v3 =	vld [tilespmem:s3+$0x70];
	v61 =	vadd.f32 v4, v60;
	v26 =	vadd.f32 v5, v26  }
0x3d: {  	v4 =	vld [tilespmem:s3+$0x0];
	v16 =	vadd.f32 v6, v16;
	v11 =	vadd.f32 v11, v19;
	v19 =	vmul.f32 v28, v33  }
0x3e: {  	v20 =	vmul.f32 v20, v34;
	v5 =	vld [tilespmem:s3+$0x10];
	v23 =	vadd.f32 v23, v61;
	v24 =	vadd.f32 v24, v26  }
0x3f: {  	v21 =	vmul.f32 v21, v34;
	v6 =	vld [tilespmem:s3+$0x20];
	v16 =	vadd.f32 v27, v16;
	v19 =	vadd.f32 v19, v11  }
0x40: {  	v22 =	vmul.f32 v22, v34;
	v11 =	vld [tilespmem:s3+$0x30];
	v23 =	vadd.f32 v7, v23;
	v24 =	vadd.f32 v8, v24  }
0x41: {  	v7 =	vld [tilespmem:s3+$0xFFFFFFC0];
	v16 =	vadd.f32 v9, v16;
	v10 =	vadd.f32 v10, v19;
	v19 =	vmul.f32 v25, v34  }
0x42: {  	v15 =	vmul.f32 v15, v31;
	v8 =	vld [tilespmem:s3+$0xFFFFFFD0];
	v20 =	vadd.f32 v20, v23;
	v21 =	vadd.f32 v21, v24  }
0x43: {  	s8 =	simm.s32 $0x4;
	v63 =	vmul.f32 v17, v31;
	v9 =	vld [tilespmem:s3+$0xFFFFFFE0];
	v22 =	vadd.f32 v22, v16;
	v19 =	vadd.f32 v19, v10  }
0x44: {  	s22 =	sand.u32 $0x78, s8;
	v10 =	vld [tilespmem:s3+$0xFFFFFFF0];
	v16 =	vmul.f32 v18, v31;
	v20 =	vadd.f32 v12, v20;
	v21 =	vadd.f32 v13, v21  }
0x45: {  	s1 =	sand.u32 $0x4, s8;
	s8 =	sadd.s32 s22, s0;
	v12 =	vld [tilespmem:s3+$0xFFFFFF80];
	v17 =	vadd.f32 v14, v22;
	v18 =	vadd.f32 v35, v19;
	v19 =	vmul.f32 v62, v31  }
0x46: {  	s31 =	sshll.u32 s26, $0x2;
	s22 =	sadd.s32 s1, s8;
	s8 =	simm.s32 $0x8;
	v13 =	vld [tilespmem:s3+$0xFFFFFF90];
	v15 =	vadd.f32 v15, v20;
	v14 =	vadd.f32 v63, v21  }
.LBB2_4:
0x47: {  	p0 =	sne.s32 s8, $0x7C;
	v20 =	vld [tilespmem:s22+$0x0];
	v21 =	vshll.u32 v0, $0x10;
	v16 =	vadd.f32 v16, v17;
	v17 =	vadd.f32 v19, v18;
	v18 =	vmovc v11  }
0x48: {  	v19 =	vshll.u32 v1, $0x10;
	v22 =	vshll.u32 v2, $0x10;
	v23 =	vshll.u32 v3, $0x10;
	v11 =	vld [tilespmem:s3+$0xFFFFFFA0]  }
0x49: {  	v25 =	vshll.u32 v4, $0x10;
	v26 =	vshll.u32 v5, $0x10;
	v27 =	vshll.u32 v6, $0x10;
	v24 =	vld [tilespmem:s3+$0xFFFFFFB0]  }
0x4a: {  	v28 =	vshll.u32 v7, $0x10;
	v29 =	vshll.u32 v8, $0x10;
	v30 =	vshll.u32 v18, $0x10  }
0x4b: {  	v32 =	vshll.u32 v9, $0x10;
	v33 =	vshll.u32 v10, $0x10;
	v31 =	vshll.u32 v12, $0x10  }
0x4c: {  	v35 =	vshll.u32 v13, $0x10;
	v34 =	vbroadcast v20, $0x0;
	v36 =	vbroadcast v20, $0x3  }
0x4d: {  	v38 =	vbroadcast v20, $0x1;
	v20 =	vbroadcast v20, $0x2;
	v37 =	vshll.u32 v11, $0x10  }
0x4e: {  	v31 =	vmul.f32 v31, v34;
	v35 =	vmul.f32 v35, v34;
	v39 =	vshll.u32 v24, $0x10  }
0x4f: {  	s3 =	sadd.s32 $0x100, s3;
	v12 =	vadd.f32 v12, v15;
	v13 =	vadd.f32 v13, v14;
	v14 =	vmul.f32 v37, v34  }
0x50: {  	v11 =	vadd.f32 v11, v16;
	v16 =	vadd.f32 v24, v17;
	v17 =	vmul.f32 v39, v34;
	v15 =	vld [tilespmem:s3+$0x40]  }
0x51: {  	v28 =	vmul.f32 v28, v38;
	v12 =	vadd.f32 v31, v12;
	v13 =	vadd.f32 v35, v13;
	v24 =	vld [tilespmem:s3+$0x50]  }
0x52: {  	v11 =	vadd.f32 v14, v11;
	v14 =	vadd.f32 v17, v16;
	v16 =	vmul.f32 v29, v38;
	v31 =	vld [tilespmem:s3+$0x60]  }
0x53: {  	v7 =	vadd.f32 v7, v12;
	v8 =	vadd.f32 v8, v13;
	v12 =	vmul.f32 v32, v38;
	v29 =	vld [tilespmem:s3+$0x70]  }
0x54: {  	v9 =	vadd.f32 v9, v11;
	v11 =	vmul.f32 v33, v38;
	v10 =	vadd.f32 v10, v14;
	v13 =	vld [tilespmem:s3+$0x0]  }
0x55: {  	v7 =	vadd.f32 v28, v7;
	v8 =	vadd.f32 v16, v8;
	v16 =	vmul.f32 v25, v20;
	v14 =	vld [tilespmem:s3+$0x10]  }
0x56: {  	v9 =	vadd.f32 v12, v9;
	v12 =	vmul.f32 v26, v20;
	v10 =	vadd.f32 v11, v10;
	v25 =	vld [tilespmem:s3+$0x20]  }
0x57: {  	v17 =	vmul.f32 v27, v20;
	v26 =	vadd.f32 v4, v7;
	v28 =	vadd.f32 v5, v8;
	v11 =	vld [tilespmem:s3+$0x30]  }
0x58: {  	v6 =	vadd.f32 v6, v9;
	v10 =	vadd.f32 v18, v10;
	v18 =	vmul.f32 v30, v20;
	v7 =	vld [tilespmem:s3+$0xFFFFFFC0]  }
.Ltmp0:
0x59: {  	v20 =	vmul.f32 v21, v36;
	v16 =	vadd.f32 v16, v26;
	v12 =	vadd.f32 v12, v28;
	v8 =	vld [tilespmem:s3+$0xFFFFFFD0];
	v4 =	vmovc v13;
	(pc) =	sbr.rel @p0 .LBB2_4-.Ltmp0, $4  }
0x5a: {  	v21 =	vmul.f32 v19, v36;
	v27 =	vadd.f32 v17, v6;
	v13 =	vadd.f32 v18, v10;
	v9 =	vld [tilespmem:s3+$0xFFFFFFE0];
	v5 =	vmovc v14  }
0x5b: {  	s1 =	sand.u32 $0x78, s8;
	v14 =	vadd.f32 v0, v16;
	v26 =	vadd.f32 v1, v12;
	v16 =	vmul.f32 v22, v36;
	v0 =	vmovc v15;
	v10 =	vld [tilespmem:s3+$0xFFFFFFF0]  }
0x5c: {  	s22 =	sand.u32 $0x4, s8;
	s1 =	sadd.s32 s1, s0;
	v19 =	vmul.f32 v23, v36;
	v17 =	vadd.f32 v2, v27;
	v1 =	vmovc v24;
	v18 =	vadd.f32 v3, v13;
	v12 =	vld [tilespmem:s3+$0xFFFFFF80]  }
0x5d: {  	s8 =	sadd.s32 $0x4, s8;
	s22 =	sadd.s32 s22, s1;
	v2 =	vmovc v31;
	v3 =	vmovc v29;
	v6 =	vmov v25;
	v15 =	vadd.f32 v20, v14;
	v14 =	vadd.f32 v21, v26;
	v13 =	vld [tilespmem:s3+$0xFFFFFF90]  }
0x5e: {  	v20 =	vld [tilespmem:s22+$0x0];
	v21 =	vshll.u32 v0, $0x10;
	v16 =	vadd.f32 v16, v17  }
0x5f: {  	v17 =	vadd.f32 v19, v18;
	v19 =	vshll.u32 v1, $0x10;
	v22 =	vshll.u32 v2, $0x10  }
0x60: {  	v18 =	vld [tilespmem:s3+$0xFFFFFFA0];
	v23 =	vshll.u32 v3, $0x10;
	v24 =	vshll.u32 v4, $0x10;
	v25 =	vshll.u32 v5, $0x10  }
0x61: {  	v26 =	vld [tilespmem:s3+$0xFFFFFFB0];
	v27 =	vshll.u32 v6, $0x10;
	v28 =	vshll.u32 v7, $0x10;
	v29 =	vshll.u32 v8, $0x10  }
0x62: {  	v30 =	vshll.u32 v11, $0x10;
	v32 =	vshll.u32 v9, $0x10;
	v33 =	vshll.u32 v10, $0x10  }
0x63: {  	v31 =	vshll.u32 v12, $0x10;
	v12 =	vadd.f32 v12, v15;
	v34 =	vbroadcast v20, $0x0  }
0x64: {  	v35 =	vshll.u32 v13, $0x10;
	v13 =	vadd.f32 v13, v14;
	v36 =	vbroadcast v20, $0x3  }
0x65: {  	v37 =	vshll.u32 v18, $0x10;
	v38 =	vbroadcast v20, $0x1;
	v31 =	vmul.f32 v31, v34  }
0x66: {  	v20 =	vbroadcast v20, $0x2;
	v40 =	vshll.u32 v26, $0x10;
	v15 =	vmul.f32 v35, v34  }
0x67: {  	v16 =	vadd.f32 v18, v16;
	v14 =	vmul.f32 v37, v34;
	v12 =	vadd.f32 v31, v12  }
0x68: {  	v17 =	vadd.f32 v26, v17;
	v18 =	vmul.f32 v40, v34;
	v13 =	vadd.f32 v15, v13  }
0x69: {  	v15 =	vmul.f32 v28, v38;
	v14 =	vadd.f32 v14, v16;
	v7 =	vadd.f32 v7, v12  }
0x6a: {  	v16 =	vmul.f32 v29, v38;
	v12 =	vadd.f32 v18, v17;
	v8 =	vadd.f32 v8, v13  }
0x6b: {  	v13 =	vmul.f32 v32, v38;
	v9 =	vadd.f32 v9, v14;
	v7 =	vadd.f32 v15, v7  }
0x6c: {  	v10 =	vadd.f32 v10, v12;
	v12 =	vmul.f32 v33, v38;
	v8 =	vadd.f32 v16, v8  }
0x6d: {  	v14 =	vmul.f32 v24, v20;
	v9 =	vadd.f32 v13, v9;
	v4 =	vadd.f32 v4, v7  }
0x6e: {  	v7 =	vadd.f32 v12, v10;
	v10 =	vmul.f32 v25, v20;
	v5 =	vadd.f32 v5, v8  }
0x6f: {  	v8 =	vmul.f32 v27, v20;
	v6 =	vadd.f32 v6, v9;
	v4 =	vadd.f32 v14, v4  }
0x70: {  	v9 =	vmul.f32 v30, v20;
	v7 =	vadd.f32 v11, v7;
	v5 =	vadd.f32 v10, v5  }
0x71: {  	v10 =	vmul.f32 v21, v36;
	v6 =	vadd.f32 v8, v6;
	v0 =	vadd.f32 v0, v4  }
0x72: {  	v4 =	vadd.f32 v9, v7;
	v7 =	vmul.f32 v19, v36;
	v1 =	vadd.f32 v1, v5  }
0x73: {  	s0 =	sshll.u32 s26, $0x8;
	v5 =	vmul.f32 v22, v36;
	v2 =	vadd.f32 v2, v6;
	v0 =	vadd.f32 v10, v0  }
0x74: {  	s0 =	sand.u32 $0x3FFFFF00, s0;
	v3 =	vadd.f32 v3, v4;
	v4 =	vmul.f32 v23, v36;
	v1 =	vadd.f32 v7, v1  }
0x75: {  	v2 =	vadd.f32 v5, v2;
	[tilespmem:s0+$0x9010] =	vst v0  }
0x76: {  	v0 =	vadd.f32 v4, v3;
	[tilespmem:s0+$0x9020] =	vst v1  }
0x77: {  	[tilespmem:s0+$0x9030] =	vst v2  }
0x78: {  	[tilespmem:s0+$0x9040] =	vst v0  }
0x79: {  	p0 =	seq.s32 s26, $0x3;
	_ =	swait.ge [sflag:s18], $0x2000  }
0x7a: {  	s30 =	sshrl.u32 @!p0 s30, $0x2;
	s1 =	simm.s32 @!p0 $0x80;
	[sflag:s18] =	ssyncset.done $0x0  }
0x7b: {  	s3 =	simm.s32 @!p0 $0x1010;
	s0 =	sadd.s32 @!p0 $0x200, s30;
	[sflag:s18] =	ssyncadd.s32 $0xFFFFE000  }
0x7c: {  	[tilespmem:s3], [sflag:$0x1] =	stream.indirect.gather @!p0 [hbm4b:s4+s1], $0x40, s0, s1, $0xb8;
	[tilespmem:$0x9410] =	vst v63  }
0x7d: {  	s1 =	simm.s32 $0x3090  }
0x7e: {  	v12 =	vld [tilespmem:s1+$0x40]  }
0x7f: {  	v13 =	vld [tilespmem:s1+$0x50]  }
0x80: {  	v14 =	vld [tilespmem:s1+$0x60]  }
0x81: {  	v7 =	vld [tilespmem:s1+$0x0]  }
0x82: {  	v8 =	vld [tilespmem:s1+$0x10]  }
0x83: {  	v9 =	vld [tilespmem:s1+$0x20]  }
0x84: {  	v10 =	vld [tilespmem:s1+$0x30]  }
0x85: {  	v4 =	vld [tilespmem:s1+$0xFFFFFFC0]  }
0x86: {  	v5 =	vld [tilespmem:s1+$0xFFFFFFD0]  }
0x87: {  	s0 =	sor.u32 $0x1, s31;
	v6 =	vld [tilespmem:s1+$0xFFFFFFE0]  }
0x88: {  	s22 =	sshll.u32 s0, $0x7;
	v11 =	vld [tilespmem:s1+$0xFFFFFFF0]  }
0x89: {  	s8 =	simm.s32 $0x0;
	v0 =	vld [tilespmem:s1+$0xFFFFFF80];
	s3 =	sand.u32 $0x3FFFFF80, s22  }
0x8a: {  	s2 =	sand.u32 $0x78, s8;
	v1 =	vld [tilespmem:s1+$0xFFFFFF90];
	s3 =	sadd.s32 $0x800, s3  }
0x8b: {  	s8 =	sand.u32 $0x4, s8;
	v16 =	vld [tilespmem:s1+$0xFFFFFFA0];
	s22 =	sadd.s32 s2, s3  }
0x8c: {  	v2 =	vimm.f32 $0.0e+00;
	v19 =	vld [tilespmem:s1+$0xFFFFFFB0];
	s8 =	sadd.s32 s8, s22;
	v15 =	vshll.u32 v12, $0x10  }
0x8d: {  	v3 =	vld [tilespmem:s8+$0x0];
	v17 =	vshll.u32 v13, $0x10;
	v18 =	vshll.u32 v14, $0x10;
	v20 =	vshll.u32 v7, $0x10  }
0x8e: {  	v41 =	vshll.u32 v8, $0x10;
	v42 =	vshll.u32 v9, $0x10;
	v43 =	vshll.u32 v4, $0x10  }
0x8f: {  	v44 =	vshll.u32 v5, $0x10;
	v45 =	vshll.u32 v10, $0x10;
	v46 =	vshll.u32 v0, $0x10  }
0x90: {  	v57 =	vld [tilespmem:s1+$0x70];
	v47 =	vshll.u32 v6, $0x10;
	v48 =	vshll.u32 v11, $0x10;
	v50 =	vshll.u32 v1, $0x10  }
0x91: {  	v52 =	vshll.u32 v16, $0x10;
	v56 =	vshll.u32 v19, $0x10;
	v58 =	vadd.f32 v0, v2  }
0x92: {  	v59 =	vadd.f32 v1, v2;
	v49 =	vbroadcast v3, $0x0;
	v51 =	vbroadcast v3, $0x3  }
0x93: {  	v16 =	vadd.f32 v16, v2;
	v53 =	vbroadcast v3, $0x1;
	v54 =	vbroadcast v3, $0x2  }
0x94: {  	s8 =	simm.s32 $0x3190;
	v19 =	vadd.f32 v19, v2;
	v3 =	vmul.f32 v46, v49;
	v55 =	vmul.f32 v50, v49  }
0x95: {  	v62 =	vshll.u32 v57, $0x10;
	v0 =	vld [tilespmem:s8+$0x40];
	v32 =	vmul.f32 v52, v49;
	v29 =	vmul.f32 v56, v49  }
0x96: {  	v1 =	vld [tilespmem:s8+$0x50];
	v23 =	vmul.f32 v43, v53;
	v60 =	vadd.f32 v3, v58;
	v26 =	vadd.f32 v55, v59  }
0x97: {  	v2 =	vld [tilespmem:s8+$0x60];
	v24 =	vmul.f32 v44, v53;
	v16 =	vadd.f32 v32, v16;
	v19 =	vadd.f32 v29, v19  }
0x98: {  	v27 =	vmul.f32 v47, v53;
	v3 =	vld [tilespmem:s8+$0x70];
	v61 =	vadd.f32 v4, v60;
	v26 =	vadd.f32 v5, v26  }
0x99: {  	v4 =	vld [tilespmem:s8+$0x0];
	v16 =	vadd.f32 v6, v16;
	v11 =	vadd.f32 v11, v19;
	v19 =	vmul.f32 v48, v53  }
0x9a: {  	v20 =	vmul.f32 v20, v54;
	v5 =	vld [tilespmem:s8+$0x10];
	v23 =	vadd.f32 v23, v61;
	v24 =	vadd.f32 v24, v26  }
0x9b: {  	v21 =	vmul.f32 v41, v54;
	v6 =	vld [tilespmem:s8+$0x20];
	v16 =	vadd.f32 v27, v16;
	v19 =	vadd.f32 v19, v11  }
0x9c: {  	v22 =	vmul.f32 v42, v54;
	v11 =	vld [tilespmem:s8+$0x30];
	v23 =	vadd.f32 v7, v23;
	v24 =	vadd.f32 v8, v24  }
0x9d: {  	v7 =	vld [tilespmem:s8+$0xFFFFFFC0];
	v16 =	vadd.f32 v9, v16;
	v10 =	vadd.f32 v10, v19;
	v19 =	vmul.f32 v45, v54  }
0x9e: {  	v15 =	vmul.f32 v15, v51;
	v8 =	vld [tilespmem:s8+$0xFFFFFFD0];
	v20 =	vadd.f32 v20, v23;
	v21 =	vadd.f32 v21, v24  }
0x9f: {  	s22 =	simm.s32 $0x4;
	v63 =	vmul.f32 v17, v51;
	v9 =	vld [tilespmem:s8+$0xFFFFFFE0];
	v22 =	vadd.f32 v22, v16;
	v19 =	vadd.f32 v19, v10  }
0xa0: {  	s2 =	sand.u32 $0x78, s22;
	v10 =	vld [tilespmem:s8+$0xFFFFFFF0];
	v16 =	vmul.f32 v18, v51;
	v20 =	vadd.f32 v12, v20;
	v21 =	vadd.f32 v13, v21  }
0xa1: {  	s1 =	sand.u32 $0x4, s22;
	s22 =	sadd.s32 s2, s3;
	v12 =	vld [tilespmem:s8+$0xFFFFFF80];
	v17 =	vadd.f32 v14, v22;
	v18 =	vadd.f32 v57, v19;
	v19 =	vmul.f32 v62, v51  }
0xa2: {  	s1 =	sadd.s32 s1, s22;
	s22 =	simm.s32 $0x8;
	v13 =	vld [tilespmem:s8+$0xFFFFFF90];
	v15 =	vadd.f32 v15, v20;
	v14 =	vadd.f32 v63, v21  }
.LBB2_6:
0xa3: {  	p1 =	sne.s32 s22, $0x7C;
	v20 =	vld [tilespmem:s1+$0x0];
	v21 =	vshll.u32 v0, $0x10;
	v16 =	vadd.f32 v16, v17;
	v17 =	vadd.f32 v19, v18;
	v18 =	vmovc v11  }
0xa4: {  	v19 =	vshll.u32 v1, $0x10;
	v22 =	vshll.u32 v2, $0x10;
	v23 =	vshll.u32 v3, $0x10;
	v11 =	vld [tilespmem:s8+$0xFFFFFFA0]  }
0xa5: {  	v25 =	vshll.u32 v4, $0x10;
	v26 =	vshll.u32 v5, $0x10;
	v27 =	vshll.u32 v6, $0x10;
	v24 =	vld [tilespmem:s8+$0xFFFFFFB0]  }
0xa6: {  	v28 =	vshll.u32 v7, $0x10;
	v29 =	vshll.u32 v8, $0x10;
	v30 =	vshll.u32 v18, $0x10  }
0xa7: {  	v32 =	vshll.u32 v9, $0x10;
	v33 =	vshll.u32 v10, $0x10;
	v31 =	vshll.u32 v12, $0x10  }
0xa8: {  	v35 =	vshll.u32 v13, $0x10;
	v34 =	vbroadcast v20, $0x0;
	v36 =	vbroadcast v20, $0x3  }
0xa9: {  	v38 =	vbroadcast v20, $0x1;
	v20 =	vbroadcast v20, $0x2;
	v37 =	vshll.u32 v11, $0x10  }
0xaa: {  	v31 =	vmul.f32 v31, v34;
	v35 =	vmul.f32 v35, v34;
	v39 =	vshll.u32 v24, $0x10  }
0xab: {  	s8 =	sadd.s32 $0x100, s8;
	v12 =	vadd.f32 v12, v15;
	v13 =	vadd.f32 v13, v14;
	v14 =	vmul.f32 v37, v34  }
0xac: {  	v11 =	vadd.f32 v11, v16;
	v16 =	vadd.f32 v24, v17;
	v17 =	vmul.f32 v39, v34;
	v15 =	vld [tilespmem:s8+$0x40]  }
0xad: {  	v28 =	vmul.f32 v28, v38;
	v12 =	vadd.f32 v31, v12;
	v13 =	vadd.f32 v35, v13;
	v24 =	vld [tilespmem:s8+$0x50]  }
0xae: {  	v11 =	vadd.f32 v14, v11;
	v14 =	vadd.f32 v17, v16;
	v16 =	vmul.f32 v29, v38;
	v31 =	vld [tilespmem:s8+$0x60]  }
0xaf: {  	v7 =	vadd.f32 v7, v12;
	v8 =	vadd.f32 v8, v13;
	v12 =	vmul.f32 v32, v38;
	v29 =	vld [tilespmem:s8+$0x70]  }
0xb0: {  	v9 =	vadd.f32 v9, v11;
	v11 =	vmul.f32 v33, v38;
	v10 =	vadd.f32 v10, v14;
	v13 =	vld [tilespmem:s8+$0x0]  }
0xb1: {  	v7 =	vadd.f32 v28, v7;
	v8 =	vadd.f32 v16, v8;
	v16 =	vmul.f32 v25, v20;
	v14 =	vld [tilespmem:s8+$0x10]  }
0xb2: {  	v9 =	vadd.f32 v12, v9;
	v12 =	vmul.f32 v26, v20;
	v10 =	vadd.f32 v11, v10;
	v25 =	vld [tilespmem:s8+$0x20]  }
0xb3: {  	v17 =	vmul.f32 v27, v20;
	v26 =	vadd.f32 v4, v7;
	v28 =	vadd.f32 v5, v8;
	v11 =	vld [tilespmem:s8+$0x30]  }
0xb4: {  	v6 =	vadd.f32 v6, v9;
	v10 =	vadd.f32 v18, v10;
	v18 =	vmul.f32 v30, v20;
	v7 =	vld [tilespmem:s8+$0xFFFFFFC0]  }
.Ltmp1:
0xb5: {  	v20 =	vmul.f32 v21, v36;
	v16 =	vadd.f32 v16, v26;
	v12 =	vadd.f32 v12, v28;
	v8 =	vld [tilespmem:s8+$0xFFFFFFD0];
	v4 =	vmovc v13;
	(pc) =	sbr.rel @p1 .LBB2_6-.Ltmp1, $4  }
0xb6: {  	v21 =	vmul.f32 v19, v36;
	v27 =	vadd.f32 v17, v6;
	v13 =	vadd.f32 v18, v10;
	v9 =	vld [tilespmem:s8+$0xFFFFFFE0];
	v5 =	vmovc v14  }
0xb7: {  	s1 =	sand.u32 $0x78, s22;
	v14 =	vadd.f32 v0, v16;
	v26 =	vadd.f32 v1, v12;
	v16 =	vmul.f32 v22, v36;
	v0 =	vmovc v15;
	v10 =	vld [tilespmem:s8+$0xFFFFFFF0]  }
0xb8: {  	s2 =	sand.u32 $0x4, s22;
	s1 =	sadd.s32 s1, s3;
	v19 =	vmul.f32 v23, v36;
	v17 =	vadd.f32 v2, v27;
	v1 =	vmovc v24;
	v18 =	vadd.f32 v3, v13;
	v12 =	vld [tilespmem:s8+$0xFFFFFF80]  }
0xb9: {  	s22 =	sadd.s32 $0x4, s22;
	s1 =	sadd.s32 s2, s1;
	v2 =	vmovc v31;
	v3 =	vmovc v29;
	v6 =	vmov v25;
	v15 =	vadd.f32 v20, v14;
	v14 =	vadd.f32 v21, v26;
	v13 =	vld [tilespmem:s8+$0xFFFFFF90]  }
0xba: {  	v20 =	vld [tilespmem:s1+$0x0];
	v21 =	vshll.u32 v0, $0x10;
	v16 =	vadd.f32 v16, v17  }
0xbb: {  	v17 =	vadd.f32 v19, v18;
	v19 =	vshll.u32 v1, $0x10;
	v22 =	vshll.u32 v2, $0x10  }
0xbc: {  	v18 =	vld [tilespmem:s8+$0xFFFFFFA0];
	v23 =	vshll.u32 v3, $0x10;
	v24 =	vshll.u32 v4, $0x10;
	v25 =	vshll.u32 v5, $0x10  }
0xbd: {  	v26 =	vld [tilespmem:s8+$0xFFFFFFB0];
	v27 =	vshll.u32 v6, $0x10;
	v28 =	vshll.u32 v7, $0x10;
	v29 =	vshll.u32 v8, $0x10  }
0xbe: {  	v30 =	vshll.u32 v11, $0x10;
	v32 =	vshll.u32 v9, $0x10;
	v33 =	vshll.u32 v10, $0x10  }
0xbf: {  	v31 =	vshll.u32 v12, $0x10;
	v12 =	vadd.f32 v12, v15;
	v34 =	vbroadcast v20, $0x0  }
0xc0: {  	v35 =	vshll.u32 v13, $0x10;
	v13 =	vadd.f32 v13, v14;
	v36 =	vbroadcast v20, $0x3  }
0xc1: {  	v37 =	vshll.u32 v18, $0x10;
	v38 =	vbroadcast v20, $0x1;
	v31 =	vmul.f32 v31, v34  }
0xc2: {  	v20 =	vbroadcast v20, $0x2;
	v40 =	vshll.u32 v26, $0x10;
	v15 =	vmul.f32 v35, v34  }
0xc3: {  	v16 =	vadd.f32 v18, v16;
	v14 =	vmul.f32 v37, v34;
	v12 =	vadd.f32 v31, v12  }
0xc4: {  	v17 =	vadd.f32 v26, v17;
	v18 =	vmul.f32 v40, v34;
	v13 =	vadd.f32 v15, v13  }
0xc5: {  	v15 =	vmul.f32 v28, v38;
	v14 =	vadd.f32 v14, v16;
	v7 =	vadd.f32 v7, v12  }
0xc6: {  	v16 =	vmul.f32 v29, v38;
	v12 =	vadd.f32 v18, v17;
	v8 =	vadd.f32 v8, v13  }
0xc7: {  	v13 =	vmul.f32 v32, v38;
	v9 =	vadd.f32 v9, v14;
	v7 =	vadd.f32 v15, v7  }
0xc8: {  	v10 =	vadd.f32 v10, v12;
	v12 =	vmul.f32 v33, v38;
	v8 =	vadd.f32 v16, v8  }
0xc9: {  	v14 =	vmul.f32 v24, v20;
	v9 =	vadd.f32 v13, v9;
	v4 =	vadd.f32 v4, v7  }
0xca: {  	v7 =	vadd.f32 v12, v10;
	v10 =	vmul.f32 v25, v20;
	v5 =	vadd.f32 v5, v8  }
0xcb: {  	v8 =	vmul.f32 v27, v20;
	v6 =	vadd.f32 v6, v9;
	v4 =	vadd.f32 v14, v4  }
0xcc: {  	v9 =	vmul.f32 v30, v20;
	v7 =	vadd.f32 v11, v7;
	v5 =	vadd.f32 v10, v5  }
0xcd: {  	v10 =	vmul.f32 v21, v36;
	v6 =	vadd.f32 v8, v6;
	v0 =	vadd.f32 v0, v4  }
0xce: {  	v4 =	vadd.f32 v9, v7;
	v7 =	vmul.f32 v19, v36;
	v1 =	vadd.f32 v1, v5  }
0xcf: {  	s0 =	sshll.u32 s0, $0x6;
	v5 =	vmul.f32 v22, v36;
	v2 =	vadd.f32 v2, v6;
	v0 =	vadd.f32 v10, v0  }
0xd0: {  	s0 =	sand.u32 $0x3FFFFFC0, s0;
	v3 =	vadd.f32 v3, v4;
	v4 =	vmul.f32 v23, v36;
	v1 =	vadd.f32 v7, v1  }
0xd1: {  	v2 =	vadd.f32 v5, v2;
	[tilespmem:s0+$0x9010] =	vst v0  }
0xd2: {  	v0 =	vadd.f32 v4, v3;
	[tilespmem:s0+$0x9020] =	vst v1  }
0xd3: {  	[tilespmem:s0+$0x9030] =	vst v2  }
0xd4: {  	[tilespmem:s0+$0x9040] =	vst v0  }
0xd5: {  	_ =	swait.ge [sflag:s19], $0x2000  }
0xd6: {  	s1 =	simm.s32 @!p0 $0x80;
	[sflag:s19] =	ssyncset.done $0x0  }
0xd7: {  	s2 =	simm.s32 @!p0 $0x3010;
	s0 =	sadd.s32 @!p0 $0x280, s30;
	[sflag:s19] =	ssyncadd.s32 $0xFFFFE000  }
0xd8: {  	[tilespmem:s2], [sflag:$0x2] =	stream.indirect.gather @!p0 [hbm4b:s4+s1], $0x40, s0, s1, $0xb8;
	[tilespmem:$0x9410] =	vst v63  }
0xd9: {  	s1 =	simm.s32 $0x5090  }
0xda: {  	v12 =	vld [tilespmem:s1+$0x40]  }
0xdb: {  	v13 =	vld [tilespmem:s1+$0x50]  }
0xdc: {  	v14 =	vld [tilespmem:s1+$0x60]  }
0xdd: {  	v7 =	vld [tilespmem:s1+$0x0]  }
0xde: {  	v8 =	vld [tilespmem:s1+$0x10]  }
0xdf: {  	v9 =	vld [tilespmem:s1+$0x20]  }
0xe0: {  	v10 =	vld [tilespmem:s1+$0x30]  }
0xe1: {  	v4 =	vld [tilespmem:s1+$0xFFFFFFC0]  }
0xe2: {  	v5 =	vld [tilespmem:s1+$0xFFFFFFD0]  }
0xe3: {  	s0 =	sor.u32 $0x2, s31;
	v6 =	vld [tilespmem:s1+$0xFFFFFFE0]  }
0xe4: {  	s8 =	sshll.u32 s0, $0x7;
	v11 =	vld [tilespmem:s1+$0xFFFFFFF0]  }
0xe5: {  	s22 =	simm.s32 $0x0;
	v0 =	vld [tilespmem:s1+$0xFFFFFF80];
	s2 =	sand.u32 $0x3FFFFF80, s8  }
0xe6: {  	s31 =	sand.u32 $0x78, s22;
	v1 =	vld [tilespmem:s1+$0xFFFFFF90];
	s3 =	sadd.s32 $0x800, s2  }
0xe7: {  	v16 =	vld [tilespmem:s1+$0xFFFFFFA0];
	s8 =	sand.u32 $0x4, s22;
	s2 =	sadd.s32 s31, s3  }
0xe8: {  	v2 =	vimm.f32 $0.0e+00;
	v19 =	vld [tilespmem:s1+$0xFFFFFFB0];
	s2 =	sadd.s32 s8, s2;
	v15 =	vshll.u32 v12, $0x10  }
0xe9: {  	v3 =	vld [tilespmem:s2+$0x0];
	v17 =	vshll.u32 v13, $0x10;
	v18 =	vshll.u32 v14, $0x10;
	v20 =	vshll.u32 v7, $0x10  }
0xea: {  	v41 =	vshll.u32 v8, $0x10;
	v42 =	vshll.u32 v9, $0x10;
	v43 =	vshll.u32 v4, $0x10  }
0xeb: {  	v44 =	vshll.u32 v5, $0x10;
	v45 =	vshll.u32 v10, $0x10;
	v46 =	vshll.u32 v0, $0x10  }
0xec: {  	v57 =	vld [tilespmem:s1+$0x70];
	v47 =	vshll.u32 v6, $0x10;
	v48 =	vshll.u32 v11, $0x10;
	v50 =	vshll.u32 v1, $0x10  }
0xed: {  	v52 =	vshll.u32 v16, $0x10;
	v56 =	vshll.u32 v19, $0x10;
	v58 =	vadd.f32 v0, v2  }
0xee: {  	v59 =	vadd.f32 v1, v2;
	v49 =	vbroadcast v3, $0x0;
	v51 =	vbroadcast v3, $0x3  }
0xef: {  	v16 =	vadd.f32 v16, v2;
	v53 =	vbroadcast v3, $0x1;
	v54 =	vbroadcast v3, $0x2  }
0xf0: {  	s8 =	simm.s32 $0x5190;
	v19 =	vadd.f32 v19, v2;
	v3 =	vmul.f32 v46, v49;
	v55 =	vmul.f32 v50, v49  }
0xf1: {  	v0 =	vld [tilespmem:s8+$0x40];
	v62 =	vshll.u32 v57, $0x10;
	v32 =	vmul.f32 v52, v49;
	v29 =	vmul.f32 v56, v49  }
0xf2: {  	v1 =	vld [tilespmem:s8+$0x50];
	v23 =	vmul.f32 v43, v53;
	v60 =	vadd.f32 v3, v58;
	v26 =	vadd.f32 v55, v59  }
0xf3: {  	v2 =	vld [tilespmem:s8+$0x60];
	v24 =	vmul.f32 v44, v53;
	v16 =	vadd.f32 v32, v16;
	v19 =	vadd.f32 v29, v19  }
0xf4: {  	v27 =	vmul.f32 v47, v53;
	v3 =	vld [tilespmem:s8+$0x70];
	v61 =	vadd.f32 v4, v60;
	v26 =	vadd.f32 v5, v26  }
0xf5: {  	v4 =	vld [tilespmem:s8+$0x0];
	v16 =	vadd.f32 v6, v16;
	v11 =	vadd.f32 v11, v19;
	v19 =	vmul.f32 v48, v53  }
0xf6: {  	v20 =	vmul.f32 v20, v54;
	v5 =	vld [tilespmem:s8+$0x10];
	v23 =	vadd.f32 v23, v61;
	v24 =	vadd.f32 v24, v26  }
0xf7: {  	v21 =	vmul.f32 v41, v54;
	v6 =	vld [tilespmem:s8+$0x20];
	v16 =	vadd.f32 v27, v16;
	v19 =	vadd.f32 v19, v11  }
0xf8: {  	v22 =	vmul.f32 v42, v54;
	v11 =	vld [tilespmem:s8+$0x30];
	v23 =	vadd.f32 v7, v23;
	v24 =	vadd.f32 v8, v24  }
0xf9: {  	v7 =	vld [tilespmem:s8+$0xFFFFFFC0];
	v16 =	vadd.f32 v9, v16;
	v10 =	vadd.f32 v10, v19;
	v19 =	vmul.f32 v45, v54  }
0xfa: {  	v15 =	vmul.f32 v15, v51;
	v8 =	vld [tilespmem:s8+$0xFFFFFFD0];
	v20 =	vadd.f32 v20, v23;
	v21 =	vadd.f32 v21, v24  }
0xfb: {  	s22 =	simm.s32 $0x4;
	v63 =	vmul.f32 v17, v51;
	v9 =	vld [tilespmem:s8+$0xFFFFFFE0];
	v22 =	vadd.f32 v22, v16;
	v19 =	vadd.f32 v19, v10  }
0xfc: {  	s31 =	sand.u32 $0x78, s22;
	v10 =	vld [tilespmem:s8+$0xFFFFFFF0];
	v16 =	vmul.f32 v18, v51;
	v20 =	vadd.f32 v12, v20;
	v21 =	vadd.f32 v13, v21  }
0xfd: {  	s1 =	sand.u32 $0x4, s22;
	s2 =	sadd.s32 s31, s3;
	v12 =	vld [tilespmem:s8+$0xFFFFFF80];
	v17 =	vadd.f32 v14, v22;
	v18 =	vadd.f32 v57, v19;
	v19 =	vmul.f32 v62, v51  }
0xfe: {  	s22 =	simm.s32 $0x8;
	s1 =	sadd.s32 s1, s2;
	v13 =	vld [tilespmem:s8+$0xFFFFFF90];
	v15 =	vadd.f32 v15, v20;
	v14 =	vadd.f32 v63, v21  }
.LBB2_8:
0xff: {  	p1 =	sne.s32 s22, $0x7C;
	v20 =	vld [tilespmem:s1+$0x0];
	v21 =	vshll.u32 v0, $0x10;
	v16 =	vadd.f32 v16, v17;
	v17 =	vadd.f32 v19, v18;
	v18 =	vmovc v11  }
0x100: {  	v19 =	vshll.u32 v1, $0x10;
	v22 =	vshll.u32 v2, $0x10;
	v23 =	vshll.u32 v3, $0x10;
	v11 =	vld [tilespmem:s8+$0xFFFFFFA0]  }
0x101: {  	v25 =	vshll.u32 v4, $0x10;
	v26 =	vshll.u32 v5, $0x10;
	v27 =	vshll.u32 v6, $0x10;
	v24 =	vld [tilespmem:s8+$0xFFFFFFB0]  }
0x102: {  	v28 =	vshll.u32 v7, $0x10;
	v29 =	vshll.u32 v8, $0x10;
	v30 =	vshll.u32 v18, $0x10  }
0x103: {  	v32 =	vshll.u32 v9, $0x10;
	v33 =	vshll.u32 v10, $0x10;
	v31 =	vshll.u32 v12, $0x10  }
0x104: {  	v35 =	vshll.u32 v13, $0x10;
	v34 =	vbroadcast v20, $0x0;
	v36 =	vbroadcast v20, $0x3  }
0x105: {  	v38 =	vbroadcast v20, $0x1;
	v20 =	vbroadcast v20, $0x2;
	v37 =	vshll.u32 v11, $0x10  }
0x106: {  	v31 =	vmul.f32 v31, v34;
	v35 =	vmul.f32 v35, v34;
	v39 =	vshll.u32 v24, $0x10  }
0x107: {  	s8 =	sadd.s32 $0x100, s8;
	v12 =	vadd.f32 v12, v15;
	v13 =	vadd.f32 v13, v14;
	v14 =	vmul.f32 v37, v34  }
0x108: {  	v11 =	vadd.f32 v11, v16;
	v16 =	vadd.f32 v24, v17;
	v17 =	vmul.f32 v39, v34;
	v15 =	vld [tilespmem:s8+$0x40]  }
0x109: {  	v28 =	vmul.f32 v28, v38;
	v12 =	vadd.f32 v31, v12;
	v13 =	vadd.f32 v35, v13;
	v24 =	vld [tilespmem:s8+$0x50]  }
0x10a: {  	v11 =	vadd.f32 v14, v11;
	v14 =	vadd.f32 v17, v16;
	v16 =	vmul.f32 v29, v38;
	v31 =	vld [tilespmem:s8+$0x60]  }
0x10b: {  	v7 =	vadd.f32 v7, v12;
	v8 =	vadd.f32 v8, v13;
	v12 =	vmul.f32 v32, v38;
	v29 =	vld [tilespmem:s8+$0x70]  }
0x10c: {  	v9 =	vadd.f32 v9, v11;
	v11 =	vmul.f32 v33, v38;
	v10 =	vadd.f32 v10, v14;
	v13 =	vld [tilespmem:s8+$0x0]  }
0x10d: {  	v7 =	vadd.f32 v28, v7;
	v8 =	vadd.f32 v16, v8;
	v16 =	vmul.f32 v25, v20;
	v14 =	vld [tilespmem:s8+$0x10]  }
0x10e: {  	v9 =	vadd.f32 v12, v9;
	v12 =	vmul.f32 v26, v20;
	v10 =	vadd.f32 v11, v10;
	v25 =	vld [tilespmem:s8+$0x20]  }
0x10f: {  	v17 =	vmul.f32 v27, v20;
	v26 =	vadd.f32 v4, v7;
	v28 =	vadd.f32 v5, v8;
	v11 =	vld [tilespmem:s8+$0x30]  }
0x110: {  	v6 =	vadd.f32 v6, v9;
	v10 =	vadd.f32 v18, v10;
	v18 =	vmul.f32 v30, v20;
	v7 =	vld [tilespmem:s8+$0xFFFFFFC0]  }
.Ltmp2:
0x111: {  	v20 =	vmul.f32 v21, v36;
	v16 =	vadd.f32 v16, v26;
	v12 =	vadd.f32 v12, v28;
	v8 =	vld [tilespmem:s8+$0xFFFFFFD0];
	v4 =	vmovc v13;
	(pc) =	sbr.rel @p1 .LBB2_8-.Ltmp2, $4  }
0x112: {  	v21 =	vmul.f32 v19, v36;
	v27 =	vadd.f32 v17, v6;
	v13 =	vadd.f32 v18, v10;
	v9 =	vld [tilespmem:s8+$0xFFFFFFE0];
	v5 =	vmovc v14  }
0x113: {  	s1 =	sand.u32 $0x78, s22;
	v14 =	vadd.f32 v0, v16;
	v26 =	vadd.f32 v1, v12;
	v16 =	vmul.f32 v22, v36;
	v0 =	vmovc v15;
	v10 =	vld [tilespmem:s8+$0xFFFFFFF0]  }
0x114: {  	s2 =	sand.u32 $0x4, s22;
	s1 =	sadd.s32 s1, s3;
	v19 =	vmul.f32 v23, v36;
	v17 =	vadd.f32 v2, v27;
	v1 =	vmovc v24;
	v18 =	vadd.f32 v3, v13;
	v12 =	vld [tilespmem:s8+$0xFFFFFF80]  }
0x115: {  	s22 =	sadd.s32 $0x4, s22;
	s1 =	sadd.s32 s2, s1;
	v2 =	vmovc v31;
	v3 =	vmovc v29;
	v6 =	vmov v25;
	v15 =	vadd.f32 v20, v14;
	v14 =	vadd.f32 v21, v26;
	v13 =	vld [tilespmem:s8+$0xFFFFFF90]  }
0x116: {  	v20 =	vld [tilespmem:s1+$0x0];
	v21 =	vshll.u32 v0, $0x10;
	v16 =	vadd.f32 v16, v17  }
0x117: {  	v17 =	vadd.f32 v19, v18;
	v19 =	vshll.u32 v1, $0x10;
	v22 =	vshll.u32 v2, $0x10  }
0x118: {  	v18 =	vld [tilespmem:s8+$0xFFFFFFA0];
	v23 =	vshll.u32 v3, $0x10;
	v24 =	vshll.u32 v4, $0x10;
	v25 =	vshll.u32 v5, $0x10  }
0x119: {  	v26 =	vld [tilespmem:s8+$0xFFFFFFB0];
	v27 =	vshll.u32 v6, $0x10;
	v28 =	vshll.u32 v7, $0x10;
	v29 =	vshll.u32 v8, $0x10  }
0x11a: {  	v30 =	vshll.u32 v11, $0x10;
	v32 =	vshll.u32 v9, $0x10;
	v33 =	vshll.u32 v10, $0x10  }
0x11b: {  	v31 =	vshll.u32 v12, $0x10;
	v12 =	vadd.f32 v12, v15;
	v34 =	vbroadcast v20, $0x0  }
0x11c: {  	v35 =	vshll.u32 v13, $0x10;
	v13 =	vadd.f32 v13, v14;
	v36 =	vbroadcast v20, $0x3  }
0x11d: {  	v37 =	vshll.u32 v18, $0x10;
	v38 =	vbroadcast v20, $0x1;
	v31 =	vmul.f32 v31, v34  }
0x11e: {  	v20 =	vbroadcast v20, $0x2;
	v40 =	vshll.u32 v26, $0x10;
	v15 =	vmul.f32 v35, v34  }
0x11f: {  	v16 =	vadd.f32 v18, v16;
	v14 =	vmul.f32 v37, v34;
	v12 =	vadd.f32 v31, v12  }
0x120: {  	v17 =	vadd.f32 v26, v17;
	v18 =	vmul.f32 v40, v34;
	v13 =	vadd.f32 v15, v13  }
0x121: {  	v15 =	vmul.f32 v28, v38;
	v14 =	vadd.f32 v14, v16;
	v7 =	vadd.f32 v7, v12  }
0x122: {  	v16 =	vmul.f32 v29, v38;
	v12 =	vadd.f32 v18, v17;
	v8 =	vadd.f32 v8, v13  }
0x123: {  	v13 =	vmul.f32 v32, v38;
	v9 =	vadd.f32 v9, v14;
	v7 =	vadd.f32 v15, v7  }
0x124: {  	v10 =	vadd.f32 v10, v12;
	v12 =	vmul.f32 v33, v38;
	v8 =	vadd.f32 v16, v8  }
0x125: {  	v14 =	vmul.f32 v24, v20;
	v9 =	vadd.f32 v13, v9;
	v4 =	vadd.f32 v4, v7  }
0x126: {  	v7 =	vadd.f32 v12, v10;
	v10 =	vmul.f32 v25, v20;
	v5 =	vadd.f32 v5, v8  }
0x127: {  	v8 =	vmul.f32 v27, v20;
	v6 =	vadd.f32 v6, v9;
	v4 =	vadd.f32 v14, v4  }
0x128: {  	v9 =	vmul.f32 v30, v20;
	v7 =	vadd.f32 v11, v7;
	v5 =	vadd.f32 v10, v5  }
0x129: {  	v10 =	vmul.f32 v21, v36;
	v6 =	vadd.f32 v8, v6;
	v0 =	vadd.f32 v0, v4  }
0x12a: {  	v4 =	vadd.f32 v9, v7;
	v7 =	vmul.f32 v19, v36;
	v1 =	vadd.f32 v1, v5  }
0x12b: {  	s0 =	sshll.u32 s0, $0x6;
	v5 =	vmul.f32 v22, v36;
	v2 =	vadd.f32 v2, v6;
	v0 =	vadd.f32 v10, v0  }
0x12c: {  	s0 =	sand.u32 $0x3FFFFFC0, s0;
	v3 =	vadd.f32 v3, v4;
	v4 =	vmul.f32 v23, v36;
	v1 =	vadd.f32 v7, v1  }
0x12d: {  	v2 =	vadd.f32 v5, v2;
	[tilespmem:s0+$0x9010] =	vst v0  }
0x12e: {  	v0 =	vadd.f32 v4, v3;
	[tilespmem:s0+$0x9020] =	vst v1  }
0x12f: {  	[tilespmem:s0+$0x9030] =	vst v2  }
0x130: {  	[tilespmem:s0+$0x9040] =	vst v0  }
0x131: {  	_ =	swait.ge [sflag:s20], $0x2000  }
0x132: {  	s1 =	simm.s32 @!p0 $0x80;
	s2 =	simm.s32 @!p0 $0x5010;
	[sflag:s20] =	ssyncset.done $0x0  }
0x133: {  	s8 =	simm.s32 $0x7090;
	s0 =	sadd.s32 @!p0 $0x300, s30;
	[sflag:s20] =	ssyncadd.s32 $0xFFFFE000  }
0x134: {  	[tilespmem:s2], [sflag:$0x3] =	stream.indirect.gather @!p0 [hbm4b:s4+s1], $0x40, s0, s1, $0xb8;
	[tilespmem:$0x9410] =	vst v63  }
0x135: {  	v12 =	vld [tilespmem:s8+$0x40]  }
0x136: {  	v13 =	vld [tilespmem:s8+$0x50]  }
0x137: {  	v14 =	vld [tilespmem:s8+$0x60]  }
0x138: {  	v7 =	vld [tilespmem:s8+$0x0]  }
0x139: {  	v8 =	vld [tilespmem:s8+$0x10]  }
0x13a: {  	v9 =	vld [tilespmem:s8+$0x20]  }
0x13b: {  	v10 =	vld [tilespmem:s8+$0x30]  }
0x13c: {  	v4 =	vld [tilespmem:s8+$0xFFFFFFC0]  }
0x13d: {  	v5 =	vld [tilespmem:s8+$0xFFFFFFD0]  }
0x13e: {  	v6 =	vld [tilespmem:s8+$0xFFFFFFE0]  }
0x13f: {  	v11 =	vld [tilespmem:s8+$0xFFFFFFF0]  }
0x140: {  	s22 =	simm.s32 $0x0;
	v0 =	vld [tilespmem:s8+$0xFFFFFF80]  }
0x141: {  	s3 =	sand.u32 $0x78, s22;
	s0 =	sadd.s32 $0x800, s29;
	v1 =	vld [tilespmem:s8+$0xFFFFFF90]  }
0x142: {  	s2 =	sand.u32 $0x4, s22;
	s3 =	sadd.s32 s3, s0;
	v16 =	vld [tilespmem:s8+$0xFFFFFFA0]  }
0x143: {  	v2 =	vimm.f32 $0.0e+00;
	v19 =	vld [tilespmem:s8+$0xFFFFFFB0];
	s2 =	sadd.s32 s2, s3;
	v15 =	vshll.u32 v12, $0x10  }
0x144: {  	v3 =	vld [tilespmem:s2+$0x0];
	v17 =	vshll.u32 v13, $0x10;
	v18 =	vshll.u32 v14, $0x10;
	v20 =	vshll.u32 v7, $0x10  }
0x145: {  	v41 =	vshll.u32 v8, $0x10;
	v42 =	vshll.u32 v9, $0x10;
	v43 =	vshll.u32 v4, $0x10  }
0x146: {  	v44 =	vshll.u32 v5, $0x10;
	v45 =	vshll.u32 v10, $0x10;
	v46 =	vshll.u32 v0, $0x10  }
0x147: {  	v57 =	vld [tilespmem:s8+$0x70];
	v47 =	vshll.u32 v6, $0x10;
	v48 =	vshll.u32 v11, $0x10;
	v50 =	vshll.u32 v1, $0x10  }
0x148: {  	v52 =	vshll.u32 v16, $0x10;
	v56 =	vshll.u32 v19, $0x10;
	v58 =	vadd.f32 v0, v2  }
0x149: {  	v59 =	vadd.f32 v1, v2;
	v49 =	vbroadcast v3, $0x0;
	v51 =	vbroadcast v3, $0x3  }
0x14a: {  	v16 =	vadd.f32 v16, v2;
	v53 =	vbroadcast v3, $0x1;
	v54 =	vbroadcast v3, $0x2  }
0x14b: {  	s3 =	simm.s32 $0x7190;
	v19 =	vadd.f32 v19, v2;
	v3 =	vmul.f32 v46, v49;
	v55 =	vmul.f32 v50, v49  }
0x14c: {  	v0 =	vld [tilespmem:s3+$0x40];
	v62 =	vshll.u32 v57, $0x10;
	v32 =	vmul.f32 v52, v49;
	v29 =	vmul.f32 v56, v49  }
0x14d: {  	v1 =	vld [tilespmem:s3+$0x50];
	v23 =	vmul.f32 v43, v53;
	v60 =	vadd.f32 v3, v58;
	v26 =	vadd.f32 v55, v59  }
0x14e: {  	v2 =	vld [tilespmem:s3+$0x60];
	v24 =	vmul.f32 v44, v53;
	v16 =	vadd.f32 v32, v16;
	v19 =	vadd.f32 v29, v19  }
0x14f: {  	v27 =	vmul.f32 v47, v53;
	v3 =	vld [tilespmem:s3+$0x70];
	v61 =	vadd.f32 v4, v60;
	v26 =	vadd.f32 v5, v26  }
0x150: {  	v4 =	vld [tilespmem:s3+$0x0];
	v16 =	vadd.f32 v6, v16;
	v11 =	vadd.f32 v11, v19;
	v19 =	vmul.f32 v48, v53  }
0x151: {  	v20 =	vmul.f32 v20, v54;
	v5 =	vld [tilespmem:s3+$0x10];
	v23 =	vadd.f32 v23, v61;
	v24 =	vadd.f32 v24, v26  }
0x152: {  	v21 =	vmul.f32 v41, v54;
	v6 =	vld [tilespmem:s3+$0x20];
	v16 =	vadd.f32 v27, v16;
	v19 =	vadd.f32 v19, v11  }
0x153: {  	v22 =	vmul.f32 v42, v54;
	v11 =	vld [tilespmem:s3+$0x30];
	v23 =	vadd.f32 v7, v23;
	v24 =	vadd.f32 v8, v24  }
0x154: {  	v7 =	vld [tilespmem:s3+$0xFFFFFFC0];
	v16 =	vadd.f32 v9, v16;
	v10 =	vadd.f32 v10, v19;
	v19 =	vmul.f32 v45, v54  }
0x155: {  	v15 =	vmul.f32 v15, v51;
	v8 =	vld [tilespmem:s3+$0xFFFFFFD0];
	v20 =	vadd.f32 v20, v23;
	v21 =	vadd.f32 v21, v24  }
0x156: {  	s30 =	simm.s32 $0x4;
	v63 =	vmul.f32 v17, v51;
	v9 =	vld [tilespmem:s3+$0xFFFFFFE0];
	v22 =	vadd.f32 v22, v16;
	v19 =	vadd.f32 v19, v10  }
0x157: {  	s31 =	sand.u32 $0x78, s30;
	v10 =	vld [tilespmem:s3+$0xFFFFFFF0];
	v16 =	vmul.f32 v18, v51;
	v20 =	vadd.f32 v12, v20;
	v21 =	vadd.f32 v13, v21  }
0x158: {  	s1 =	sand.u32 $0x4, s30;
	s2 =	sadd.s32 s31, s0;
	v12 =	vld [tilespmem:s3+$0xFFFFFF80];
	v17 =	vadd.f32 v14, v22;
	v18 =	vadd.f32 v57, v19;
	v19 =	vmul.f32 v62, v51  }
0x159: {  	s8 =	simm.s32 $0x8;
	s1 =	sadd.s32 s1, s2;
	v13 =	vld [tilespmem:s3+$0xFFFFFF90];
	v15 =	vadd.f32 v15, v20;
	v14 =	vadd.f32 v63, v21  }
.LBB2_10:
0x15a: {  	p0 =	sne.s32 s8, $0x7C;
	v20 =	vld [tilespmem:s1+$0x0];
	v21 =	vshll.u32 v0, $0x10;
	v16 =	vadd.f32 v16, v17;
	v17 =	vadd.f32 v19, v18;
	v18 =	vmovc v11  }
0x15b: {  	v19 =	vshll.u32 v1, $0x10;
	v22 =	vshll.u32 v2, $0x10;
	v23 =	vshll.u32 v3, $0x10;
	v11 =	vld [tilespmem:s3+$0xFFFFFFA0]  }
0x15c: {  	v25 =	vshll.u32 v4, $0x10;
	v26 =	vshll.u32 v5, $0x10;
	v27 =	vshll.u32 v6, $0x10;
	v24 =	vld [tilespmem:s3+$0xFFFFFFB0]  }
0x15d: {  	v28 =	vshll.u32 v7, $0x10;
	v29 =	vshll.u32 v8, $0x10;
	v30 =	vshll.u32 v18, $0x10  }
0x15e: {  	v32 =	vshll.u32 v9, $0x10;
	v33 =	vshll.u32 v10, $0x10;
	v31 =	vshll.u32 v12, $0x10  }
0x15f: {  	v35 =	vshll.u32 v13, $0x10;
	v34 =	vbroadcast v20, $0x0;
	v36 =	vbroadcast v20, $0x3  }
0x160: {  	v38 =	vbroadcast v20, $0x1;
	v20 =	vbroadcast v20, $0x2;
	v37 =	vshll.u32 v11, $0x10  }
0x161: {  	v31 =	vmul.f32 v31, v34;
	v35 =	vmul.f32 v35, v34;
	v39 =	vshll.u32 v24, $0x10  }
0x162: {  	s3 =	sadd.s32 $0x100, s3;
	v12 =	vadd.f32 v12, v15;
	v13 =	vadd.f32 v13, v14;
	v14 =	vmul.f32 v37, v34  }
0x163: {  	v11 =	vadd.f32 v11, v16;
	v16 =	vadd.f32 v24, v17;
	v17 =	vmul.f32 v39, v34;
	v15 =	vld [tilespmem:s3+$0x40]  }
0x164: {  	v28 =	vmul.f32 v28, v38;
	v12 =	vadd.f32 v31, v12;
	v13 =	vadd.f32 v35, v13;
	v24 =	vld [tilespmem:s3+$0x50]  }
0x165: {  	v11 =	vadd.f32 v14, v11;
	v14 =	vadd.f32 v17, v16;
	v16 =	vmul.f32 v29, v38;
	v31 =	vld [tilespmem:s3+$0x60]  }
0x166: {  	v7 =	vadd.f32 v7, v12;
	v8 =	vadd.f32 v8, v13;
	v12 =	vmul.f32 v32, v38;
	v29 =	vld [tilespmem:s3+$0x70]  }
0x167: {  	v9 =	vadd.f32 v9, v11;
	v11 =	vmul.f32 v33, v38;
	v10 =	vadd.f32 v10, v14;
	v13 =	vld [tilespmem:s3+$0x0]  }
0x168: {  	v7 =	vadd.f32 v28, v7;
	v8 =	vadd.f32 v16, v8;
	v16 =	vmul.f32 v25, v20;
	v14 =	vld [tilespmem:s3+$0x10]  }
0x169: {  	v9 =	vadd.f32 v12, v9;
	v12 =	vmul.f32 v26, v20;
	v10 =	vadd.f32 v11, v10;
	v25 =	vld [tilespmem:s3+$0x20]  }
0x16a: {  	v17 =	vmul.f32 v27, v20;
	v26 =	vadd.f32 v4, v7;
	v28 =	vadd.f32 v5, v8;
	v11 =	vld [tilespmem:s3+$0x30]  }
0x16b: {  	v6 =	vadd.f32 v6, v9;
	v10 =	vadd.f32 v18, v10;
	v18 =	vmul.f32 v30, v20;
	v7 =	vld [tilespmem:s3+$0xFFFFFFC0]  }
.Ltmp3:
0x16c: {  	v20 =	vmul.f32 v21, v36;
	v16 =	vadd.f32 v16, v26;
	v12 =	vadd.f32 v12, v28;
	v8 =	vld [tilespmem:s3+$0xFFFFFFD0];
	v4 =	vmovc v13;
	(pc) =	sbr.rel @p0 .LBB2_10-.Ltmp3, $4  }
0x16d: {  	v21 =	vmul.f32 v19, v36;
	v27 =	vadd.f32 v17, v6;
	v13 =	vadd.f32 v18, v10;
	v9 =	vld [tilespmem:s3+$0xFFFFFFE0];
	v5 =	vmovc v14  }
0x16e: {  	s1 =	sand.u32 $0x78, s8;
	v14 =	vadd.f32 v0, v16;
	v26 =	vadd.f32 v1, v12;
	v16 =	vmul.f32 v22, v36;
	v0 =	vmovc v15;
	v10 =	vld [tilespmem:s3+$0xFFFFFFF0]  }
0x16f: {  	s2 =	sand.u32 $0x4, s8;
	s1 =	sadd.s32 s1, s0;
	v19 =	vmul.f32 v23, v36;
	v17 =	vadd.f32 v2, v27;
	v1 =	vmovc v24;
	v18 =	vadd.f32 v3, v13;
	v12 =	vld [tilespmem:s3+$0xFFFFFF80]  }
0x170: {  	s8 =	sadd.s32 $0x4, s8;
	s1 =	sadd.s32 s2, s1;
	v2 =	vmovc v31;
	v3 =	vmovc v29;
	v6 =	vmov v25;
	v15 =	vadd.f32 v20, v14;
	v14 =	vadd.f32 v21, v26;
	v13 =	vld [tilespmem:s3+$0xFFFFFF90]  }
0x171: {  	v20 =	vld [tilespmem:s1+$0x0];
	v21 =	vshll.u32 v0, $0x10;
	v16 =	vadd.f32 v16, v17  }
0x172: {  	v56 =	vadd.f32 v19, v18;
	v58 =	vshll.u32 v1, $0x10;
	v22 =	vshll.u32 v2, $0x10  }
0x173: {  	v57 =	vld [tilespmem:s3+$0xFFFFFFA0];
	v23 =	vshll.u32 v3, $0x10;
	v24 =	vshll.u32 v4, $0x10;
	v25 =	vshll.u32 v5, $0x10  }
0x174: {  	v26 =	vld [tilespmem:s3+$0xFFFFFFB0];
	v27 =	vshll.u32 v6, $0x10;
	v28 =	vshll.u32 v7, $0x10;
	v29 =	vshll.u32 v8, $0x10  }
0x175: {  	v30 =	vshll.u32 v11, $0x10;
	v32 =	vshll.u32 v9, $0x10;
	v33 =	vshll.u32 v10, $0x10  }
0x176: {  	v31 =	vshll.u32 v12, $0x10;
	v59 =	vadd.f32 v12, v15;
	v34 =	vbroadcast v20, $0x0  }
0x177: {  	v35 =	vshll.u32 v13, $0x10;
	v62 =	vadd.f32 v13, v14;
	v36 =	vbroadcast v20, $0x3  }
0x178: {  	v37 =	vshll.u32 v57, $0x10;
	v38 =	vbroadcast v20, $0x1;
	v31 =	vmul.f32 v31, v34  }
0x179: {  	v20 =	vbroadcast v20, $0x2;
	v61 =	vshll.u32 v26, $0x10;
	v60 =	vmul.f32 v35, v34  }
0x17a: {  	v16 =	vadd.f32 v57, v16;
	v63 =	vmul.f32 v37, v34;
	v12 =	vadd.f32 v31, v59  }
0x17b: {  	v17 =	vadd.f32 v26, v56;
	v34 =	vmul.f32 v61, v34;
	v13 =	vadd.f32 v60, v62  }
0x17c: {  	v35 =	vmul.f32 v28, v38;
	v14 =	vadd.f32 v63, v16;
	v37 =	vadd.f32 v7, v12  }
0x17d: {  	v40 =	vmul.f32 v29, v38;
	v39 =	vadd.f32 v34, v17;
	v41 =	vadd.f32 v8, v13  }
0x17e: {  	v42 =	vmul.f32 v32, v38;
	v43 =	vadd.f32 v9, v14;
	v7 =	vadd.f32 v35, v37  }
0x17f: {  	v45 =	vmul.f32 v33, v38;
	v44 =	vadd.f32 v10, v39;
	v8 =	vadd.f32 v40, v41  }
0x180: {  	v46 =	vmul.f32 v24, v20;
	v9 =	vadd.f32 v42, v43;
	v47 =	vadd.f32 v4, v7  }
0x181: {  	v49 =	vmul.f32 v25, v20;
	v48 =	vadd.f32 v45, v44;
	v50 =	vadd.f32 v5, v8  }
0x182: {  	v51 =	vmul.f32 v27, v20;
	v52 =	vadd.f32 v6, v9;
	v4 =	vadd.f32 v46, v47  }
0x183: {  	v53 =	vmul.f32 v30, v20;
	v7 =	vadd.f32 v11, v48;
	v5 =	vadd.f32 v49, v50  }
0x184: {  	v54 =	vmul.f32 v21, v36;
	v6 =	vadd.f32 v51, v52;
	v55 =	vadd.f32 v0, v4  }
0x185: {  	s26 =	sadd.s32 $0x1, s26;
	v57 =	vmul.f32 v58, v36;
	v56 =	vadd.f32 v53, v7;
	v58 =	vadd.f32 v1, v5  }
0x186: {  	s0 =	sshll.u32 s28, $0x6;
	p0 =	sne.s32 s26, $0x4;
	v59 =	vmul.f32 v22, v36;
	v60 =	vadd.f32 v2, v6;
	v0 =	vadd.f32 v54, v55  }
.Ltmp4:
0x187: {  	s0 =	sand.u32 $0x3FFFFFC0, s0;
	v62 =	vmul.f32 v23, v36;
	v61 =	vadd.f32 v3, v56;
	v1 =	vadd.f32 v57, v58;
	(pc) =	sbr.rel @p0 .LBB2_3-.Ltmp4, $4  }
0x188: {  	v2 =	vadd.f32 v59, v60;
	[tilespmem:s0+$0x9010] =	vst v0  }
0x189: {  	v63 =	vadd.f32 v62, v61;
	[tilespmem:s0+$0x9020] =	vst v1  }
0x18a: {  	[tilespmem:s0+$0x9030] =	vst v2  }
0x18b: {  	[tilespmem:s0+$0x9040] =	vst v63  }
0x18c: {  	s23 =	sadd.s32 $0x1, s23  }
0x18d: {  	s0 =	sshll.u32 s24, $0x3;
	s1 =	rddreg [dreg:$0x1];
	p0 =	sne.s32 s23, $0x20  }
.Ltmp5:
0x18e: {  	s31 =	simm.s32 $0x0;
	s0 =	sadd.s32 s1, s0;
	(pc) =	sbr.rel @p0 .LBB2_2-.Ltmp5, $4  }
0x18f: {  	[hbm4b:s0+s31] =	stream.linear.scatter [tilespmem:s21], [sflag:$0x5], $0x400, $0x38;
	[tilespmem:$0x9410] =	vst v63  }
0x190: {  	_ =	swait.ge [sflag:s9], $0x400  }
0x191: {  	[sflag:s9] =	ssyncset.done $0x0  }
0x192: {  	[sflag:s9] =	ssyncadd.s32 $0xFFFFFC00  }
0x193: {  	s1 =	rddreg [dreg:$0x4]  }
0x194: {  	s0 =	rddreg [dreg:$0x3];
	s1 =	sadd.s32 $0x1, s1  }
0x195: {  	p0 =	sne.s32 s1, s0  }
.Ltmp6:
0x196: {  	_ = 	snop;
	(pc) =	sbr.rel @p0 .LBB2_1-.Ltmp6, $1  }
0x197: {  	_ =	sdelay $0x3  }
0x198: {  	_ =	sfence.sel $0x180000  }
0x199: {  	[bflag:$0x0] =	sbarrier.arrive $0xFFFF  }
0x19a: {  	_ =	strace $0x90000047  }
0x19b: {  	s0 =	stileid.u32;
	[bflag:$0x2] =	sbarrier.arrive $0xFFFF  }
0x19c: {  	p0 =	sne.s32 s0, $0x0;
	s0 =	rddreg [dreg:$0x2]  }
0x19d: {  	s0 =	sadd.s32 @!p0 $0x100000, s0  }
0x19e: {  	[sflag:s0] =	ssyncadd.tile.s32 @!p0 $0x1;
	_ =	shalt  }
.Lfunc_end2:
_tile_overlayer_lowered:
.L_overlay_start_2:
0x19f: {  	(tag) =	ssettag $0x2  }
0x1a0: {  	s0 =	rddreg [dreg:$0x0];
	s2 =	stileid.u32  }
0x1a1: {  	s1 =	rddreg [dreg:$0x1];
	p0 =	sne.s32 s2, $0x0  }
0x1a2: {  	s3 =	rddreg [dreg:$0x2];
	[bflag:$0x3] =	sbarrier.arrive $0xFFFF;
	s2 =	simm.s32 @!p0 $0x1C05  }
0x1a3: {  	[timem:s3], [sflag:s2] =	dma.local @!p0 [hbm:s0], s1  }
0x1a4: {  	s0 =	simm.s32 @!p0 $0x5  }
0x1a5: {  	_ =	swait.ge @!p0 [sflag:s0], s1  }
0x1a6: {  	s1 =	ssub.s32 @!p0 $0x0, s1;
	[sflag:s0] =	ssyncset.done @!p0 $0x0  }
0x1a7: {  	[sflag:s0] =	ssyncadd.s32 @!p0 s1  }
0x1a8: {  	[bflag:$0x3] =	sbarrier.arrive $0xFFFF  }
0x1a9: {  	_ =	shalt  }

</sc_bundles>
